<compile_context>
chip_gen: v7x
topology: tpu7x:2x2x1
jax: 0.10.2.dev20260603
libtpu: 0.0.44.dev20260713+nightly
codegen_flags: <defaults>
</compile_context>

<pallas_src>
import functools

import jax
import jax.numpy as jnp
from jax import lax
from jax.experimental import pallas as pl
from jax.experimental.pallas import tpu as pltpu
from jax.experimental.pallas import tpu_sc as plsc

B = 8
C = 21
CF = 512
P = 1024
N = 1024
N_TOP = 768
N_COV = N - N_TOP
CPAD = 128

_CONTRACT_LHS0 = (((0,), (1,)), ((), ()))


def _bitonic_points(u, cov):
    ui = lax.bitcast_convert_type(u, jnp.int32)
    key = jnp.where(ui >= 0, ui, ui ^ jnp.int32(0x7FFFFFFF))
    idx = lax.broadcasted_iota(jnp.int32, (B, P), 1)
    lane = idx

    k = 2
    while k <= P:
        up = (lane & k) == 0
        j = k // 2
        while j >= 1:
            is_upper = (lane & j) != 0
            pk = jnp.where(is_upper, jnp.roll(key, j, axis=1),
                           jnp.roll(key, -j, axis=1))
            pi = jnp.where(is_upper, jnp.roll(idx, j, axis=1),
                           jnp.roll(idx, -j, axis=1))
            o = (key > pk) | ((key == pk) & (idx < pi))
            keep = o ^ up ^ (~is_upper)
            key = jnp.where(keep, key, pk)
            idx = jnp.where(keep, idx, pi)
            j //= 2
        k *= 2

    pts = jnp.concatenate([idx[:, :N_TOP], cov], axis=1)
    flat = pts + lax.broadcasted_iota(jnp.int32, (B, N), 0) * P
    return pts, flat


def _fused_body(coarse_ref, fine_ref, w_ref, b_ref, cov_ref,
                z_ref, pts_ref, flat_ref, u_scr):
    bidx = pl.program_id(0)
    xc = coarse_ref[0].reshape(C, P)
    xf = fine_ref[0].reshape(CF, P)
    w = w_ref[...]
    zt = (
        lax.dot_general(xc, w[:, :C], _CONTRACT_LHS0,
                        preferred_element_type=jnp.float32)
        + lax.dot_general(xf, w[:, C:], _CONTRACT_LHS0,
                          preferred_element_type=jnp.float32)
        + b_ref[...]
    )
    z_ref[0] = jnp.concatenate(
        [zt, jnp.zeros((P, CPAD - C), jnp.float32)], axis=1)

    m1 = jnp.max(xc, axis=0, keepdims=True)
    eq = xc == m1
    cnt = jnp.sum(eq.astype(jnp.float32), axis=0, keepdims=True)
    m2 = jnp.max(jnp.where(eq, -jnp.inf, xc), axis=0, keepdims=True)
    m2 = jnp.where(cnt > 1.5, m1, m2)
    u_scr[pl.ds(bidx, 1), :] = m2 - m1

    @pl.when(bidx == B - 1)
    def _():
        pts, flat = _bitonic_points(u_scr[...], cov_ref[...])
        pts_ref[...] = pts
        flat_ref[...] = flat.reshape(_NW, _RPW)


def _make_fused_call():
    return pl.pallas_call(
        _fused_body,
        grid=(B,),
        in_specs=[
            pl.BlockSpec((1, C, 32, 32), lambda b: (b, 0, 0, 0)),
            pl.BlockSpec((1, CF, 8, 128), lambda b: (b, 0, 0, 0)),
            pl.BlockSpec((C, C + CF), lambda b: (0, 0)),
            pl.BlockSpec((1, C), lambda b: (0, 0)),
            pl.BlockSpec((B, N_COV), lambda b: (0, 0)),
        ],
        out_specs=[
            pl.BlockSpec((1, P, CPAD), lambda b: (b, 0, 0)),
            pl.BlockSpec((B, N), lambda b: (0, 0)),
            pl.BlockSpec((_NW, _RPW), lambda b: (0, 0)),
        ],
        out_shape=[
            jax.ShapeDtypeStruct((B, P, CPAD), jnp.float32),
            jax.ShapeDtypeStruct((B, N), jnp.int32),
            jax.ShapeDtypeStruct((_NW, _RPW), jnp.int32),
        ],
        scratch_shapes=[pltpu.VMEM((B, P), jnp.float32)],
    )


ROWS = B * P
_NCORES = 2
_NW = _NCORES * 16
_RPW = ROWS // _NW


def _sc_gather_body(table_hbm, idx_hbm, out_hbm, idx_v, rows_v, sem):
    wid = lax.axis_index("s") * _NCORES + lax.axis_index("c")
    base = wid * _RPW
    pltpu.sync_copy(idx_hbm.at[wid], idx_v)
    pltpu.async_copy(table_hbm.at[idx_v], rows_v, sem).wait()
    pltpu.sync_copy(rows_v, out_hbm.at[pl.ds(base, _RPW)])


def _make_sc_gather():
    mesh = plsc.VectorSubcoreMesh(core_axis_name="c", subcore_axis_name="s",
                                  num_cores=_NCORES)
    return pl.kernel(
        _sc_gather_body,
        mesh=mesh,
        out_type=jax.ShapeDtypeStruct((ROWS, CPAD), jnp.float32),
        scratch_types=[
            pltpu.VMEM((_RPW,), jnp.int32),
            pltpu.VMEM((_RPW, CPAD), jnp.float32),
            pltpu.SemaphoreType.DMA,
        ],
    )


def kernel(x, res2, out, W, b):
    del x
    cov = jnp.linspace(0, P - 1, N_COV).astype(jnp.int32)
    cov = jnp.broadcast_to(cov[None, :], (B, N_COV))

    z, pts, flat_idx = _make_fused_call()(
        out, res2, W, b.reshape(1, C), cov)

    gathered = _make_sc_gather()(z.reshape(ROWS, CPAD), flat_idx)
    rend = gathered.reshape(B, N, CPAD)[:, :, :C].transpose(0, 2, 1)
    return rend, pts

# --- scband reference (transcript-rebuilt; emitter-appended) ---
"""Pipeline reference for scband-point-head-66013647339959 (READ-ONLY COPY).

The authoritative reference and input builder live on the scoring server;
editing this copy changes nothing except your own understanding.
"""

import jax, jax.numpy as jnp
import numpy as np

# Deterministic stand-in for PointRend's sampling_points (which is @torch.no_grad):
# uncertainty = -(top1 - top2) class probability gap; pick beta*N most-uncertain
# points plus (1-beta)*N evenly-spaced coverage points (deterministic in place of
# random over-generation, keeping the same index semantics / shapes).
def sampling_points(out, k, beta, N):
    B, C, H, W = out.shape
    s = jnp.sort(out, axis=1)
    uncertainty = -(s[:, -1, :, :] - s[:, -2, :, :])  # (B, H, W)
    u = uncertainty.reshape(B, -1)
    n_uncertain = int(beta * N)
    n_cov = N - n_uncertain
    _, idx_top = jax.lax.top_k(u, n_uncertain)
    idx_cov = jnp.linspace(0, H * W - 1, n_cov).astype(idx_top.dtype)
    idx = jnp.concatenate([idx_top, jnp.broadcast_to(idx_cov[None, :], (B, n_cov))], axis=1)
    return idx  # int indices into flattened spatial dim, shape (B, N)


def setup_inputs(seed: int = 0) -> dict:
    key = jax.random.key(seed)
    k1, k2, k3, k4, k5 = jax.random.split(key, 5)
    x = jax.random.normal(k1, (8, 3, 512, 512), dtype=jnp.float32)
    res2 = jax.random.normal(k2, (8, 512, 128, 128), dtype=jnp.float32)
    out = jax.random.normal(k3, (8, 21, 32, 32), dtype=jnp.float32)
    # Conv1d(533, 21, kernel_size=1) params
    W = jax.random.normal(k4, (21, 533), dtype=jnp.float32) * 0.04
    b = jax.random.normal(k5, (21,), dtype=jnp.float32) * 0.01
    return {"x": x, "res2": res2, "out": out, "W": W, "b": b}


def reference(x, res2, out, W, b):
    B = x.shape[0]
    stride = x.shape[-1] // out.shape[-1]  # computed as in torch code (unused)
    # sample as many points as there are on a stride-16 map of the input
    N = (x.shape[-1] // 16) ** 2  # 1024
    points = sampling_points(out, 3, 0.75, N)  # (B, N) int
    C = out.shape[1]
    out_flat = out.reshape(B, C, -1)
    gidx = jnp.broadcast_to(points[:, None, :], (B, C, points.shape[1]))
    coarse = jnp.take_along_axis(out_flat, gidx, axis=2)  # (B, 21, N)
    Cf = res2.shape[1]
    res2_flat = res2.reshape(B, Cf, -1)
    gidx_f = jnp.broadcast_to(points[:, None, :], (B, Cf, points.shape[1]))
    fine = jnp.take_along_axis(res2_flat, gidx_f, axis=2)  # (B, 512, N)
    feature_representation = jnp.concatenate([coarse, fine], axis=1)  # (B, 533, N)
    # 1x1 Conv1d == per-point linear
    rend = jnp.einsum('oc,bcn->bon', W, feature_representation) + b[None, :, None]
    return rend, points

if __name__ == "__main__":
    import jax
    _d = setup_inputs()
    print(jax.jit(kernel)(*tuple(_d.values())))

</pallas_src>

<mosaic_0001>
#map = affine_map<(d0, d1) -> (0, 0)>
module attributes {stable_mosaic.version = 14 : i64} {
  func.func @_sc_gather_body(%arg0: i32, %arg1: i32, %arg2: memref<8192x128xf32, #tpu.memory_space<hbm>>, %arg3: memref<32x256xi32, #tpu.memory_space<hbm>>, %arg4: memref<8192x128xf32, #tpu.memory_space<hbm>>, %arg5: memref<256xi32, #tpu.memory_space<vmem>>, %arg6: memref<256x128xf32, #tpu.memory_space<vmem>>, %arg7: memref<!tpu.dma_semaphore, #tpu.memory_space<semaphore_mem>>) attributes {dimension_semantics = [#tpu.dimension_semantics<core_parallel>, #tpu.dimension_semantics<subcore_parallel>], iteration_bounds = array<i64: 2, 16>, scalar_prefetch = 0 : i64, scratch_operands = 3 : i64, tpu.core_type = #tpu.core_type<sc_vector_subcore>, window_params = [{transform_indices = #map}, {transform_indices = #map}, {transform_indices = #map}]} {
    %mul3A = arith.constant 2 : i32
    %mul3A_0 = arith.muli %arg1, %mul3A : i32
    %add3A = arith.addi %mul3A_0, %arg0 : i32
    %mul3A_1 = arith.constant 256 : i32
    %mul3A_2 = arith.muli %add3A, %mul3A_1 : i32
    "tpu.region"() ({
      %run_scoped3A = tpu.sem_alloc : memref<!tpu.dma_semaphore, #tpu.memory_space<semaphore_mem>>
      %dma_start3A_7 = arith.constant 0 : i32
      %dma_start3A_8 = tpu.memref_slice %arg3[%add3A, %dma_start3A_7] : memref<32x256xi32, #tpu.memory_space<hbm>> -> memref<1x256xi32, #tpu.memory_space<hbm>>
      %dma_start3A_9 = tpu.memref_squeeze %dma_start3A_8 : memref<1x256xi32, #tpu.memory_space<hbm>> -> memref<256xi32, #tpu.memory_space<hbm>>
      %dma_start3A_10 = arith.constant 0 : i32
      %dma_start3A_11 = tpu.memref_slice %arg3[%add3A, %dma_start3A_10] : memref<32x256xi32, #tpu.memory_space<hbm>> -> memref<1x256xi32, #tpu.memory_space<hbm>>
      %dma_start3A_12 = tpu.memref_squeeze %dma_start3A_11 : memref<1x256xi32, #tpu.memory_space<hbm>> -> memref<256xi32, #tpu.memory_space<hbm>>
      tpu.enqueue_dma source(%dma_start3A_12 : memref<256xi32, #tpu.memory_space<hbm>>) target(%arg5 : memref<256xi32, #tpu.memory_space<vmem>>) target_semaphore(%run_scoped3A : memref<!tpu.dma_semaphore, #tpu.memory_space<semaphore_mem>>)
      %dma_wait3A_13 = arith.constant 0 : i32
      %dma_wait3A_14 = tpu.memref_slice %arg3[%add3A, %dma_wait3A_13] : memref<32x256xi32, #tpu.memory_space<hbm>> -> memref<1x256xi32, #tpu.memory_space<hbm>>
      %dma_wait3A_15 = tpu.memref_squeeze %dma_wait3A_14 : memref<1x256xi32, #tpu.memory_space<hbm>> -> memref<256xi32, #tpu.memory_space<hbm>>
      %dma_wait3A_16 = arith.constant 0 : i32
      %dma_wait3A_17 = tpu.memref_slice %arg3[%add3A, %dma_wait3A_16] : memref<32x256xi32, #tpu.memory_space<hbm>> -> memref<1x256xi32, #tpu.memory_space<hbm>>
      %dma_wait3A_18 = tpu.memref_squeeze %dma_wait3A_17 : memref<1x256xi32, #tpu.memory_space<hbm>> -> memref<256xi32, #tpu.memory_space<hbm>>
      tpu.wait_dma2 semaphore(%run_scoped3A : memref<!tpu.dma_semaphore, #tpu.memory_space<semaphore_mem>>) src(%dma_wait3A_18 : memref<256xi32, #tpu.memory_space<hbm>>) dst(%arg5 : memref<256xi32, #tpu.memory_space<vmem>>)
      tpu.yield
    }) : () -> ()
    %dma_start3A = arith.constant 0 : i32
    %dma_start3A_3 = arith.constant 0 : i32
    %dma_start3A_4 = tpu.memref_slice %arg2[%dma_start3A, %dma_start3A_3] : memref<8192x128xf32, #tpu.memory_space<hbm>> -> memref<8192x128xf32, #tpu.memory_space<hbm>>
    tpu.enqueue_indirect_dma source(%dma_start3A_4 : memref<8192x128xf32, #tpu.memory_space<hbm>>) target(%arg6 : memref<256x128xf32, #tpu.memory_space<vmem>>) offsets(%arg5 : memref<256xi32, #tpu.memory_space<vmem>>) semaphore(%arg7 : memref<!tpu.dma_semaphore, #tpu.memory_space<semaphore_mem>>)
    %dma_wait3A = arith.constant 0 : i32
    %dma_wait3A_5 = arith.constant 0 : i32
    %dma_wait3A_6 = tpu.memref_slice %arg2[%dma_wait3A, %dma_wait3A_5] : memref<8192x128xf32, #tpu.memory_space<hbm>> -> memref<8192x128xf32, #tpu.memory_space<hbm>>
    tpu.wait_indirect_dma semaphore(%arg7 : memref<!tpu.dma_semaphore, #tpu.memory_space<semaphore_mem>>) src(%dma_wait3A_6 : memref<8192x128xf32, #tpu.memory_space<hbm>>) dst(%arg6 : memref<256x128xf32, #tpu.memory_space<vmem>>)
    "tpu.region"() ({
      %run_scoped3A = tpu.sem_alloc : memref<!tpu.dma_semaphore, #tpu.memory_space<semaphore_mem>>
      %dma_start3A_7 = arith.constant 0 : i32
      %dma_start3A_8 = tpu.memref_slice %arg4[%mul3A_2, %dma_start3A_7] : memref<8192x128xf32, #tpu.memory_space<hbm>> -> memref<256x128xf32, #tpu.memory_space<hbm>>
      %dma_start3A_9 = arith.constant 0 : i32
      %dma_start3A_10 = tpu.memref_slice %arg4[%mul3A_2, %dma_start3A_9] : memref<8192x128xf32, #tpu.memory_space<hbm>> -> memref<256x128xf32, #tpu.memory_space<hbm>>
      tpu.enqueue_dma source(%arg6 : memref<256x128xf32, #tpu.memory_space<vmem>>) target(%dma_start3A_10 : memref<256x128xf32, #tpu.memory_space<hbm>>) target_semaphore(%run_scoped3A : memref<!tpu.dma_semaphore, #tpu.memory_space<semaphore_mem>>)
      %dma_wait3A_11 = arith.constant 0 : i32
      %dma_wait3A_12 = tpu.memref_slice %arg4[%mul3A_2, %dma_wait3A_11] : memref<8192x128xf32, #tpu.memory_space<hbm>> -> memref<256x128xf32, #tpu.memory_space<hbm>>
      %dma_wait3A_13 = arith.constant 0 : i32
      %dma_wait3A_14 = tpu.memref_slice %arg4[%mul3A_2, %dma_wait3A_13] : memref<8192x128xf32, #tpu.memory_space<hbm>> -> memref<256x128xf32, #tpu.memory_space<hbm>>
      tpu.wait_dma2 semaphore(%run_scoped3A : memref<!tpu.dma_semaphore, #tpu.memory_space<semaphore_mem>>) src(%arg6 : memref<256x128xf32, #tpu.memory_space<vmem>>) dst(%dma_wait3A_14 : memref<256x128xf32, #tpu.memory_space<hbm>>)
      tpu.yield
    }) : () -> ()
    return
  }
}

module attributes {stable_mosaic.version = 14 : i64} {
  func.func @_fused_body(%arg0: i32, %arg1: memref<1x21x32x32xf32, #tpu.memory_space<vmem>>, %arg2: memref<1x512x8x128xf32, #tpu.memory_space<vmem>>, %arg3: memref<21x533xf32, #tpu.memory_space<vmem>>, %arg4: memref<1x21xf32, #tpu.memory_space<vmem>>, %arg5: memref<8x256xi32, #tpu.memory_space<vmem>>, %arg6: memref<1x1024x128xf32, #tpu.memory_space<vmem>>, %arg7: memref<8x1024xi32, #tpu.memory_space<vmem>>, %arg8: memref<32x256xi32, #tpu.memory_space<vmem>>, %arg9: memref<8x1024xf32, #tpu.memory_space<vmem>>) attributes {dimension_semantics = [#tpu.dimension_semantics<arbitrary>], iteration_bounds = array<i64: 8>, scalar_prefetch = 0 : i64, scratch_operands = 1 : i64, tpu.core_type = #tpu.core_type<tc>, window_params = [{transform_indices = @transform_0, window_bounds = array<i64: 1, 21, 32, 32>}, {transform_indices = @transform_1, window_bounds = array<i64: 1, 512, 8, 128>}, {pipeline_mode = #tpu.pipeline_mode<synchronous>, transform_indices = @transform_2, window_bounds = array<i64: 21, 533>}, {pipeline_mode = #tpu.pipeline_mode<synchronous>, transform_indices = @transform_3, window_bounds = array<i64: 1, 21>}, {pipeline_mode = #tpu.pipeline_mode<synchronous>, transform_indices = @transform_4, window_bounds = array<i64: 8, 256>}, {transform_indices = @transform_5, window_bounds = array<i64: 1, 1024, 128>}, {pipeline_mode = #tpu.pipeline_mode<synchronous>, transform_indices = @transform_6, window_bounds = array<i64: 8, 1024>}, {pipeline_mode = #tpu.pipeline_mode<synchronous>, transform_indices = @transform_7, window_bounds = array<i64: 32, 256>}]} {
    %get3A = arith.constant 0 : index
    %get3A_0 = arith.constant 0 : index
    %get3A_1 = arith.constant 0 : index
    %get3A_2 = arith.constant 0 : index
    %get3A_3 = vector.load %arg1[%get3A, %get3A_0, %get3A_1, %get3A_2] : memref<1x21x32x32xf32, #tpu.memory_space<vmem>>, vector<1x21x32x32xf32>
    %get3A_4 = vector.shape_cast %get3A_3 : vector<1x21x32x32xf32> to vector<21x32x32xf32>
    %reshape3A = vector.shape_cast %get3A_4 : vector<21x32x32xf32> to vector<21x1024xf32>
    %get3A_5 = arith.constant 0 : index
    %get3A_6 = arith.constant 0 : index
    %get3A_7 = arith.constant 0 : index
    %get3A_8 = arith.constant 0 : index
    %get3A_9 = vector.load %arg2[%get3A_5, %get3A_6, %get3A_7, %get3A_8] : memref<1x512x8x128xf32, #tpu.memory_space<vmem>>, vector<1x512x8x128xf32>
    %get3A_10 = vector.shape_cast %get3A_9 : vector<1x512x8x128xf32> to vector<512x8x128xf32>
    %reshape3A_11 = vector.shape_cast %get3A_10 : vector<512x8x128xf32> to vector<512x1024xf32>
    %get3A_12 = arith.constant 0 : index
    %get3A_13 = arith.constant 0 : index
    %get3A_14 = vector.load %arg3[%get3A_12, %get3A_13] : memref<21x533xf32, #tpu.memory_space<vmem>>, vector<21x533xf32>
    %slice3A = vector.extract_strided_slice %get3A_14 {offsets = [0, 0], sizes = [21, 21], strides = [1, 1]} : vector<21x533xf32> to vector<21x21xf32>
    %dot_general3A = arith.constant dense<0.000000e+00> : vector<1024x21xf32>
    %dot_general3A_15 = tpu.matmul %reshape3A, %slice3A, %dot_general3A {dimension_numbers = #tpu.dot_dimension_numbers<[0], [1], [1], [0], [0, 1, 1, 0], [], []>, transpose_lhs_hint = false} : vector<21x1024xf32>, vector<21x21xf32>, vector<1024x21xf32> -> vector<1024x21xf32>
    %slice3A_16 = vector.extract_strided_slice %get3A_14 {offsets = [0, 21], sizes = [21, 512], strides = [1, 1]} : vector<21x533xf32> to vector<21x512xf32>
    %dot_general3A_17 = arith.constant dense<0.000000e+00> : vector<1024x21xf32>
    %dot_general3A_18 = tpu.matmul %reshape3A_11, %slice3A_16, %dot_general3A_17 {dimension_numbers = #tpu.dot_dimension_numbers<[0], [1], [1], [0], [0, 1, 1, 0], [], []>, transpose_lhs_hint = false} : vector<512x1024xf32>, vector<21x512xf32>, vector<1024x21xf32> -> vector<1024x21xf32>
    %add3A = arith.addf %dot_general3A_15, %dot_general3A_18 : vector<1024x21xf32>
    %get3A_19 = arith.constant 0 : index
    %get3A_20 = arith.constant 0 : index
    %get3A_21 = vector.load %arg4[%get3A_19, %get3A_20] : memref<1x21xf32, #tpu.memory_space<vmem>>, vector<1x21xf32>
    %add3A_22 = vector.broadcast %get3A_21 : vector<1x21xf32> to vector<1024x21xf32>
    %add3A_23 = arith.addf %add3A, %add3A_22 : vector<1024x21xf32>
    %broadcast_in_dim3A = arith.constant 0.000000e+00 : f32
    %broadcast_in_dim3A_24 = vector.broadcast %broadcast_in_dim3A : f32 to vector<1024x107xf32>
    %concatenate3A = tpu.concatenate %add3A_23, %broadcast_in_dim3A_24 in 1 : vector<1024x21xf32>, vector<1024x107xf32> -> vector<1024x128xf32>
    %swap3A = arith.constant 0 : index
    %swap3A_25 = arith.constant 0 : index
    %swap3A_26 = arith.constant 0 : index
    %swap3A_27 = vector.load %arg6[%swap3A, %swap3A_25, %swap3A_26] : memref<1x1024x128xf32, #tpu.memory_space<vmem>>, vector<1x1024x128xf32>
    %swap3A_28 = vector.shape_cast %swap3A_27 : vector<1x1024x128xf32> to vector<1024x128xf32>
    %swap3A_29 = vector.shape_cast %concatenate3A : vector<1024x128xf32> to vector<1x1024x128xf32>
    tpu.vector_store %arg6[%swap3A, %swap3A_25, %swap3A_26], %swap3A_29 {strides = array<i32>} : memref<1x1024x128xf32, #tpu.memory_space<vmem>>, vector<1x1024x128xf32>,
    %reduce_max3A = arith.constant dense<0xFF800000> : vector<1024xf32>
    %reduce_max3A_30 = vector.multi_reduction <maximumf>, %reshape3A, %reduce_max3A [0] : vector<21x1024xf32> to vector<1024xf32>
    %broadcast_in_dim3A_31 = vector.shape_cast %reduce_max3A_30 : vector<1024xf32> to vector<1x1024xf32>
    %eq3A = vector.broadcast %broadcast_in_dim3A_31 : vector<1x1024xf32> to vector<21x1024xf32>
    %eq3A_32 = arith.cmpf oeq, %reshape3A, %eq3A : vector<21x1024xf32>
    %convert_element_type3A = arith.extui %eq3A_32 : vector<21x1024xi1> to vector<21x1024xi32>
    %convert_element_type3A_33 = arith.sitofp %convert_element_type3A : vector<21x1024xi32> to vector<21x1024xf32>
    %reduce_sum3A = arith.constant dense<0.000000e+00> : vector<1024xf32>
    %reduce_sum3A_34 = vector.multi_reduction <add>, %convert_element_type3A_33, %reduce_sum3A [0] : vector<21x1024xf32> to vector<1024xf32>
    %broadcast_in_dim3A_35 = vector.shape_cast %reduce_sum3A_34 : vector<1024xf32> to vector<1x1024xf32>
    %jit3A = arith.constant 0xFF800000 : f32
    %broadcast_in_dim3A_36 = vector.broadcast %jit3A : f32 to vector<21x1024xf32>
    %select_n3A = arith.select %eq3A_32, %broadcast_in_dim3A_36, %reshape3A : vector<21x1024xi1>, vector<21x1024xf32>
    %reduce_max3A_37 = arith.constant dense<0xFF800000> : vector<1024xf32>
    %reduce_max3A_38 = vector.multi_reduction <maximumf>, %select_n3A, %reduce_max3A_37 [0] : vector<21x1024xf32> to vector<1024xf32>
    %broadcast_in_dim3A_39 = vector.shape_cast %reduce_max3A_38 : vector<1024xf32> to vector<1x1024xf32>
    %gt3A = arith.constant 1.500000e+00 : f32
    %gt3A_40 = vector.broadcast %gt3A : f32 to vector<1x1024xf32>
    %gt3A_41 = arith.cmpf ogt, %broadcast_in_dim3A_35, %gt3A_40 : vector<1x1024xf32>
    %select_n3A_42 = arith.select %gt3A_41, %broadcast_in_dim3A_31, %broadcast_in_dim3A_39 : vector<1x1024xi1>, vector<1x1024xf32>
    %sub3A = arith.subf %select_n3A_42, %broadcast_in_dim3A_31 : vector<1x1024xf32>
    %swap3A_43 = arith.index_cast %arg0 : i32 to index
    %swap3A_44 = arith.constant 0 : index
    %swap3A_45 = vector.load %arg9[%swap3A_43, %swap3A_44] : memref<8x1024xf32, #tpu.memory_space<vmem>>, vector<1x1024xf32>
    tpu.vector_store %arg9[%swap3A_43, %swap3A_44], %sub3A {strides = array<i32>} : memref<8x1024xf32, #tpu.memory_space<vmem>>, vector<1x1024xf32>,
    %eq3A_46 = arith.constant 7 : i32
    %eq3A_47 = arith.cmpi eq, %arg0, %eq3A_46 : i32
    %convert_element_type3A_48 = arith.extui %eq3A_47 : i1 to i32
    %cond3A = arith.constant 0 : i32
    %cond3A_49 = arith.cmpi ne, %convert_element_type3A_48, %cond3A : i32
    scf.if %cond3A_49 {
      %get3A_50 = arith.constant 0 : index
      %get3A_51 = arith.constant 0 : index
      %get3A_52 = vector.load %arg9[%get3A_50, %get3A_51] : memref<8x1024xf32, #tpu.memory_space<vmem>>, vector<8x1024xf32>
      %get3A_53 = arith.constant 0 : index
      %get3A_54 = arith.constant 0 : index
      %get3A_55 = vector.load %arg5[%get3A_53, %get3A_54] : memref<8x256xi32, #tpu.memory_space<vmem>>, vector<8x256xi32>
      %bitcast_convert_type3A = tpu.bitcast %get3A_52 : vector<8x1024xf32> -> vector<8x1024xi32>
      %ge3A = arith.constant 0 : i32
      %ge3A_56 = vector.broadcast %ge3A : i32 to vector<8x1024xi32>
      %ge3A_57 = arith.cmpi sge, %bitcast_convert_type3A, %ge3A_56 : vector<8x1024xi32>
      %xor3A = arith.constant 2147483647 : i32
      %xor3A_58 = vector.broadcast %xor3A : i32 to vector<8x1024xi32>
      %xor3A_59 = arith.xori %bitcast_convert_type3A, %xor3A_58 : vector<8x1024xi32>
      %select_n3A_60 = arith.select %ge3A_57, %bitcast_convert_type3A, %xor3A_59 : vector<8x1024xi1>, vector<8x1024xi32>
      %iota3A = tpu.iota {dimensions = array<i32: 1>} : vector<8x1024xi32>
      %and3A = arith.constant 2 : i32
      %and3A_61 = vector.broadcast %and3A : i32 to vector<8x1024xi32>
      %and3A_62 = arith.andi %iota3A, %and3A_61 : vector<8x1024xi32>
      %eq3A_63 = arith.constant 0 : i32
      %eq3A_64 = vector.broadcast %eq3A_63 : i32 to vector<8x1024xi32>
      %eq3A_65 = arith.cmpi eq, %and3A_62, %eq3A_64 : vector<8x1024xi32>
      %and3A_66 = arith.constant 1 : i32
      %and3A_67 = vector.broadcast %and3A_66 : i32 to vector<8x1024xi32>
      %and3A_68 = arith.andi %iota3A, %and3A_67 : vector<8x1024xi32>
      %ne3A = arith.constant 0 : i32
      %ne3A_69 = vector.broadcast %ne3A : i32 to vector<8x1024xi32>
      %ne3A_70 = arith.cmpi ne, %and3A_68, %ne3A_69 : vector<8x1024xi32>
      %slice3A_71 = vector.extract_strided_slice %select_n3A_60 {offsets = [0, 1023], sizes = [8, 1], strides = [1, 1]} : vector<8x1024xi32> to vector<8x1xi32>
      %slice3A_72 = vector.extract_strided_slice %select_n3A_60 {offsets = [0, 0], sizes = [8, 1023], strides = [1, 1]} : vector<8x1024xi32> to vector<8x1023xi32>
      %concatenate3A_73 = tpu.concatenate %slice3A_71, %slice3A_72 in 1 : vector<8x1xi32>, vector<8x1023xi32> -> vector<8x1024xi32>
      %slice3A_74 = vector.extract_strided_slice %select_n3A_60 {offsets = [0, 1], sizes = [8, 1023], strides = [1, 1]} : vector<8x1024xi32> to vector<8x1023xi32>
      %slice3A_75 = vector.extract_strided_slice %select_n3A_60 {offsets = [0, 0], sizes = [8, 1], strides = [1, 1]} : vector<8x1024xi32> to vector<8x1xi32>
      %concatenate3A_76 = tpu.concatenate %slice3A_74, %slice3A_75 in 1 : vector<8x1023xi32>, vector<8x1xi32> -> vector<8x1024xi32>
      %select_n3A_77 = arith.select %ne3A_70, %concatenate3A_73, %concatenate3A_76 : vector<8x1024xi1>, vector<8x1024xi32>
      %slice3A_78 = vector.extract_strided_slice %iota3A {offsets = [0, 1023], sizes = [8, 1], strides = [1, 1]} : vector<8x1024xi32> to vector<8x1xi32>
      %slice3A_79 = vector.extract_strided_slice %iota3A {offsets = [0, 0], sizes = [8, 1023], strides = [1, 1]} : vector<8x1024xi32> to vector<8x1023xi32>
      %concatenate3A_80 = tpu.concatenate %slice3A_78, %slice3A_79 in 1 : vector<8x1xi32>, vector<8x1023xi32> -> vector<8x1024xi32>
      %slice3A_81 = vector.extract_strided_slice %iota3A {offsets = [0, 1], sizes = [8, 1023], strides = [1, 1]} : vector<8x1024xi32> to vector<8x1023xi32>
      %slice3A_82 = vector.extract_strided_slice %iota3A {offsets = [0, 0], sizes = [8, 1], strides = [1, 1]} : vector<8x1024xi32> to vector<8x1xi32>
      %concatenate3A_83 = tpu.concatenate %slice3A_81, %slice3A_82 in 1 : vector<8x1023xi32>, vector<8x1xi32> -> vector<8x1024xi32>
      %select_n3A_84 = arith.select %ne3A_70, %concatenate3A_80, %concatenate3A_83 : vector<8x1024xi1>, vector<8x1024xi32>
      %gt3A_85 = arith.cmpi sgt, %select_n3A_60, %select_n3A_77 : vector<8x1024xi32>
      %eq3A_86 = arith.cmpi eq, %select_n3A_60, %select_n3A_77 : vector<8x1024xi32>
      %lt3A = arith.cmpi slt, %iota3A, %select_n3A_84 : vector<8x1024xi32>
      %and3A_87 = arith.andi %eq3A_86, %lt3A : vector<8x1024xi1>
      %or3A = arith.ori %gt3A_85, %and3A_87 : vector<8x1024xi1>
      %xor3A_88 = arith.xori %or3A, %eq3A_65 : vector<8x1024xi1>
      %not3A = arith.constant dense<true> : vector<8x1024xi1>
      %not3A_89 = arith.xori %ne3A_70, %not3A : vector<8x1024xi1>
      %xor3A_90 = arith.xori %xor3A_88, %not3A_89 : vector<8x1024xi1>
      %select_n3A_91 = arith.select %xor3A_90, %select_n3A_60, %select_n3A_77 : vector<8x1024xi1>, vector<8x1024xi32>
      %select_n3A_92 = arith.select %xor3A_90, %iota3A, %select_n3A_84 : vector<8x1024xi1>, vector<8x1024xi32>
      %and3A_93 = arith.constant 4 : i32
      %and3A_94 = vector.broadcast %and3A_93 : i32 to vector<8x1024xi32>
      %and3A_95 = arith.andi %iota3A, %and3A_94 : vector<8x1024xi32>
      %eq3A_96 = arith.constant 0 : i32
      %eq3A_97 = vector.broadcast %eq3A_96 : i32 to vector<8x1024xi32>
      %eq3A_98 = arith.cmpi eq, %and3A_95, %eq3A_97 : vector<8x1024xi32>
      %and3A_99 = arith.constant 2 : i32
      %and3A_100 = vector.broadcast %and3A_99 : i32 to vector<8x1024xi32>
      %and3A_101 = arith.andi %iota3A, %and3A_100 : vector<8x1024xi32>
      %ne3A_102 = arith.constant 0 : i32
      %ne3A_103 = vector.broadcast %ne3A_102 : i32 to vector<8x1024xi32>
      %ne3A_104 = arith.cmpi ne, %and3A_101, %ne3A_103 : vector<8x1024xi32>
      %slice3A_105 = vector.extract_strided_slice %select_n3A_91 {offsets = [0, 1022], sizes = [8, 2], strides = [1, 1]} : vector<8x1024xi32> to vector<8x2xi32>
      %slice3A_106 = vector.extract_strided_slice %select_n3A_91 {offsets = [0, 0], sizes = [8, 1022], strides = [1, 1]} : vector<8x1024xi32> to vector<8x1022xi32>
      %concatenate3A_107 = tpu.concatenate %slice3A_105, %slice3A_106 in 1 : vector<8x2xi32>, vector<8x1022xi32> -> vector<8x1024xi32>
      %slice3A_108 = vector.extract_strided_slice %select_n3A_91 {offsets = [0, 2], sizes = [8, 1022], strides = [1, 1]} : vector<8x1024xi32> to vector<8x1022xi32>
      %slice3A_109 = vector.extract_strided_slice %select_n3A_91 {offsets = [0, 0], sizes = [8, 2], strides = [1, 1]} : vector<8x1024xi32> to vector<8x2xi32>
      %concatenate3A_110 = tpu.concatenate %slice3A_108, %slice3A_109 in 1 : vector<8x1022xi32>, vector<8x2xi32> -> vector<8x1024xi32>
      %select_n3A_111 = arith.select %ne3A_104, %concatenate3A_107, %concatenate3A_110 : vector<8x1024xi1>, vector<8x1024xi32>
      %slice3A_112 = vector.extract_strided_slice %select_n3A_92 {offsets = [0, 1022], sizes = [8, 2], strides = [1, 1]} : vector<8x1024xi32> to vector<8x2xi32>
      %slice3A_113 = vector.extract_strided_slice %select_n3A_92 {offsets = [0, 0], sizes = [8, 1022], strides = [1, 1]} : vector<8x1024xi32> to vector<8x1022xi32>
      %concatenate3A_114 = tpu.concatenate %slice3A_112, %slice3A_113 in 1 : vector<8x2xi32>, vector<8x1022xi32> -> vector<8x1024xi32>
      %slice3A_115 = vector.extract_strided_slice %select_n3A_92 {offsets = [0, 2], sizes = [8, 1022], strides = [1, 1]} : vector<8x1024xi32> to vector<8x1022xi32>
      %slice3A_116 = vector.extract_strided_slice %select_n3A_92 {offsets = [0, 0], sizes = [8, 2], strides = [1, 1]} : vector<8x1024xi32> to vector<8x2xi32>
      %concatenate3A_117 = tpu.concatenate %slice3A_115, %slice3A_116 in 1 : vector<8x1022xi32>, vector<8x2xi32> -> vector<8x1024xi32>
      %select_n3A_118 = arith.select %ne3A_104, %concatenate3A_114, %concatenate3A_117 : vector<8x1024xi1>, vector<8x1024xi32>
      %gt3A_119 = arith.cmpi sgt, %select_n3A_91, %select_n3A_111 : vector<8x1024xi32>
      %eq3A_120 = arith.cmpi eq, %select_n3A_91, %select_n3A_111 : vector<8x1024xi32>
      %lt3A_121 = arith.cmpi slt, %select_n3A_92, %select_n3A_118 : vector<8x1024xi32>
      %and3A_122 = arith.andi %eq3A_120, %lt3A_121 : vector<8x1024xi1>
      %or3A_123 = arith.ori %gt3A_119, %and3A_122 : vector<8x1024xi1>
      %xor3A_124 = arith.xori %or3A_123, %eq3A_98 : vector<8x1024xi1>
      %not3A_125 = arith.constant dense<true> : vector<8x1024xi1>
      %not3A_126 = arith.xori %ne3A_104, %not3A_125 : vector<8x1024xi1>
      %xor3A_127 = arith.xori %xor3A_124, %not3A_126 : vector<8x1024xi1>
      %select_n3A_128 = arith.select %xor3A_127, %select_n3A_91, %select_n3A_111 : vector<8x1024xi1>, vector<8x1024xi32>
      %select_n3A_129 = arith.select %xor3A_127, %select_n3A_92, %select_n3A_118 : vector<8x1024xi1>, vector<8x1024xi32>
      %and3A_130 = arith.constant 1 : i32
      %and3A_131 = vector.broadcast %and3A_130 : i32 to vector<8x1024xi32>
      %and3A_132 = arith.andi %iota3A, %and3A_131 : vector<8x1024xi32>
      %ne3A_133 = arith.constant 0 : i32
      %ne3A_134 = vector.broadcast %ne3A_133 : i32 to vector<8x1024xi32>
      %ne3A_135 = arith.cmpi ne, %and3A_132, %ne3A_134 : vector<8x1024xi32>
      %slice3A_136 = vector.extract_strided_slice %select_n3A_128 {offsets = [0, 1023], sizes = [8, 1], strides = [1, 1]} : vector<8x1024xi32> to vector<8x1xi32>
      %slice3A_137 = vector.extract_strided_slice %select_n3A_128 {offsets = [0, 0], sizes = [8, 1023], strides = [1, 1]} : vector<8x1024xi32> to vector<8x1023xi32>
      %concatenate3A_138 = tpu.concatenate %slice3A_136, %slice3A_137 in 1 : vector<8x1xi32>, vector<8x1023xi32> -> vector<8x1024xi32>
      %slice3A_139 = vector.extract_strided_slice %select_n3A_128 {offsets = [0, 1], sizes = [8, 1023], strides = [1, 1]} : vector<8x1024xi32> to vector<8x1023xi32>
      %slice3A_140 = vector.extract_strided_slice %select_n3A_128 {offsets = [0, 0], sizes = [8, 1], strides = [1, 1]} : vector<8x1024xi32> to vector<8x1xi32>
      %concatenate3A_141 = tpu.concatenate %slice3A_139, %slice3A_140 in 1 : vector<8x1023xi32>, vector<8x1xi32> -> vector<8x1024xi32>
      %select_n3A_142 = arith.select %ne3A_135, %concatenate3A_138, %concatenate3A_141 : vector<8x1024xi1>, vector<8x1024xi32>
      %slice3A_143 = vector.extract_strided_slice %select_n3A_129 {offsets = [0, 1023], sizes = [8, 1], strides = [1, 1]} : vector<8x1024xi32> to vector<8x1xi32>
      %slice3A_144 = vector.extract_strided_slice %select_n3A_129 {offsets = [0, 0], sizes = [8, 1023], strides = [1, 1]} : vector<8x1024xi32> to vector<8x1023xi32>
      %concatenate3A_145 = tpu.concatenate %slice3A_143, %slice3A_144 in 1 : vector<8x1xi32>, vector<8x1023xi32> -> vector<8x1024xi32>
      %slice3A_146 = vector.extract_strided_slice %select_n3A_129 {offsets = [0, 1], sizes = [8, 1023], strides = [1, 1]} : vector<8x1024xi32> to vector<8x1023xi32>
      %slice3A_147 = vector.extract_strided_slice %select_n3A_129 {offsets = [0, 0], sizes = [8, 1], strides = [1, 1]} : vector<8x1024xi32> to vector<8x1xi32>
      %concatenate3A_148 = tpu.concatenate %slice3A_146, %slice3A_147 in 1 : vector<8x1023xi32>, vector<8x1xi32> -> vector<8x1024xi32>
      %select_n3A_149 = arith.select %ne3A_135, %concatenate3A_145, %concatenate3A_148 : vector<8x1024xi1>, vector<8x1024xi32>
      %gt3A_150 = arith.cmpi sgt, %select_n3A_128, %select_n3A_142 : vector<8x1024xi32>
      %eq3A_151 = arith.cmpi eq, %select_n3A_128, %select_n3A_142 : vector<8x1024xi32>
      %lt3A_152 = arith.cmpi slt, %select_n3A_129, %select_n3A_149 : vector<8x1024xi32>
      %and3A_153 = arith.andi %eq3A_151, %lt3A_152 : vector<8x1024xi1>
      %or3A_154 = arith.ori %gt3A_150, %and3A_153 : vector<8x1024xi1>
      %xor3A_155 = arith.xori %or3A_154, %eq3A_98 : vector<8x1024xi1>
      %not3A_156 = arith.constant dense<true> : vector<8x1024xi1>
      %not3A_157 = arith.xori %ne3A_135, %not3A_156 : vector<8x1024xi1>
      %xor3A_158 = arith.xori %xor3A_155, %not3A_157 : vector<8x1024xi1>
      %select_n3A_159 = arith.select %xor3A_158, %select_n3A_128, %select_n3A_142 : vector<8x1024xi1>, vector<8x1024xi32>
      %select_n3A_160 = arith.select %xor3A_158, %select_n3A_129, %select_n3A_149 : vector<8x1024xi1>, vector<8x1024xi32>
      %and3A_161 = arith.constant 8 : i32
      %and3A_162 = vector.broadcast %and3A_161 : i32 to vector<8x1024xi32>
      %and3A_163 = arith.andi %iota3A, %and3A_162 : vector<8x1024xi32>
      %eq3A_164 = arith.constant 0 : i32
      %eq3A_165 = vector.broadcast %eq3A_164 : i32 to vector<8x1024xi32>
      %eq3A_166 = arith.cmpi eq, %and3A_163, %eq3A_165 : vector<8x1024xi32>
      %and3A_167 = arith.constant 4 : i32
      %and3A_168 = vector.broadcast %and3A_167 : i32 to vector<8x1024xi32>
      %and3A_169 = arith.andi %iota3A, %and3A_168 : vector<8x1024xi32>
      %ne3A_170 = arith.constant 0 : i32
      %ne3A_171 = vector.broadcast %ne3A_170 : i32 to vector<8x1024xi32>
      %ne3A_172 = arith.cmpi ne, %and3A_169, %ne3A_171 : vector<8x1024xi32>
      %slice3A_173 = vector.extract_strided_slice %select_n3A_159 {offsets = [0, 1020], sizes = [8, 4], strides = [1, 1]} : vector<8x1024xi32> to vector<8x4xi32>
      %slice3A_174 = vector.extract_strided_slice %select_n3A_159 {offsets = [0, 0], sizes = [8, 1020], strides = [1, 1]} : vector<8x1024xi32> to vector<8x1020xi32>
      %concatenate3A_175 = tpu.concatenate %slice3A_173, %slice3A_174 in 1 : vector<8x4xi32>, vector<8x1020xi32> -> vector<8x1024xi32>
      %slice3A_176 = vector.extract_strided_slice %select_n3A_159 {offsets = [0, 4], sizes = [8, 1020], strides = [1, 1]} : vector<8x1024xi32> to vector<8x1020xi32>
      %slice3A_177 = vector.extract_strided_slice %select_n3A_159 {offsets = [0, 0], sizes = [8, 4], strides = [1, 1]} : vector<8x1024xi32> to vector<8x4xi32>
      %concatenate3A_178 = tpu.concatenate %slice3A_176, %slice3A_177 in 1 : vector<8x1020xi32>, vector<8x4xi32> -> vector<8x1024xi32>
      %select_n3A_179 = arith.select %ne3A_172, %concatenate3A_175, %concatenate3A_178 : vector<8x1024xi1>, vector<8x1024xi32>
      %slice3A_180 = vector.extract_strided_slice %select_n3A_160 {offsets = [0, 1020], sizes = [8, 4], strides = [1, 1]} : vector<8x1024xi32> to vector<8x4xi32>
      %slice3A_181 = vector.extract_strided_slice %select_n3A_160 {offsets = [0, 0], sizes = [8, 1020], strides = [1, 1]} : vector<8x1024xi32> to vector<8x1020xi32>
      %concatenate3A_182 = tpu.concatenate %slice3A_180, %slice3A_181 in 1 : vector<8x4xi32>, vector<8x1020xi32> -> vector<8x1024xi32>
      %slice3A_183 = vector.extract_strided_slice %select_n3A_160 {offsets = [0, 4], sizes = [8, 1020], strides = [1, 1]} : vector<8x1024xi32> to vector<8x1020xi32>
      %slice3A_184 = vector.extract_strided_slice %select_n3A_160 {offsets = [0, 0], sizes = [8, 4], strides = [1, 1]} : vector<8x1024xi32> to vector<8x4xi32>
      %concatenate3A_185 = tpu.concatenate %slice3A_183, %slice3A_184 in 1 : vector<8x1020xi32>, vector<8x4xi32> -> vector<8x1024xi32>
      %select_n3A_186 = arith.select %ne3A_172, %concatenate3A_182, %concatenate3A_185 : vector<8x1024xi1>, vector<8x1024xi32>
      %gt3A_187 = arith.cmpi sgt, %select_n3A_159, %select_n3A_179 : vector<8x1024xi32>
      %eq3A_188 = arith.cmpi eq, %select_n3A_159, %select_n3A_179 : vector<8x1024xi32>
      %lt3A_189 = arith.cmpi slt, %select_n3A_160, %select_n3A_186 : vector<8x1024xi32>
      %and3A_190 = arith.andi %eq3A_188, %lt3A_189 : vector<8x1024xi1>
      %or3A_191 = arith.ori %gt3A_187, %and3A_190 : vector<8x1024xi1>
      %xor3A_192 = arith.xori %or3A_191, %eq3A_166 : vector<8x1024xi1>
      %not3A_193 = arith.constant dense<true> : vector<8x1024xi1>
      %not3A_194 = arith.xori %ne3A_172, %not3A_193 : vector<8x1024xi1>
      %xor3A_195 = arith.xori %xor3A_192, %not3A_194 : vector<8x1024xi1>
      %select_n3A_196 = arith.select %xor3A_195, %select_n3A_159, %select_n3A_179 : vector<8x1024xi1>, vector<8x1024xi32>
      %select_n3A_197 = arith.select %xor3A_195, %select_n3A_160, %select_n3A_186 : vector<8x1024xi1>, vector<8x1024xi32>
      %and3A_198 = arith.constant 2 : i32
      %and3A_199 = vector.broadcast %and3A_198 : i32 to vector<8x1024xi32>
      %and3A_200 = arith.andi %iota3A, %and3A_199 : vector<8x1024xi32>
      %ne3A_201 = arith.constant 0 : i32
      %ne3A_202 = vector.broadcast %ne3A_201 : i32 to vector<8x1024xi32>
      %ne3A_203 = arith.cmpi ne, %and3A_200, %ne3A_202 : vector<8x1024xi32>
      %slice3A_204 = vector.extract_strided_slice %select_n3A_196 {offsets = [0, 1022], sizes = [8, 2], strides = [1, 1]} : vector<8x1024xi32> to vector<8x2xi32>
      %slice3A_205 = vector.extract_strided_slice %select_n3A_196 {offsets = [0, 0], sizes = [8, 1022], strides = [1, 1]} : vector<8x1024xi32> to vector<8x1022xi32>
      %concatenate3A_206 = tpu.concatenate %slice3A_204, %slice3A_205 in 1 : vector<8x2xi32>, vector<8x1022xi32> -> vector<8x1024xi32>
      %slice3A_207 = vector.extract_strided_slice %select_n3A_196 {offsets = [0, 2], sizes = [8, 1022], strides = [1, 1]} : vector<8x1024xi32> to vector<8x1022xi32>
      %slice3A_208 = vector.extract_strided_slice %select_n3A_196 {offsets = [0, 0], sizes = [8, 2], strides = [1, 1]} : vector<8x1024xi32> to vector<8x2xi32>
      %concatenate3A_209 = tpu.concatenate %slice3A_207, %slice3A_208 in 1 : vector<8x1022xi32>, vector<8x2xi32> -> vector<8x1024xi32>
      %select_n3A_210 = arith.select %ne3A_203, %concatenate3A_206, %concatenate3A_209 : vector<8x1024xi1>, vector<8x1024xi32>
      %slice3A_211 = vector.extract_strided_slice %select_n3A_197 {offsets = [0, 1022], sizes = [8, 2], strides = [1, 1]} : vector<8x1024xi32> to vector<8x2xi32>
      %slice3A_212 = vector.extract_strided_slice %select_n3A_197 {offsets = [0, 0], sizes = [8, 1022], strides = [1, 1]} : vector<8x1024xi32> to vector<8x1022xi32>
      %concatenate3A_213 = tpu.concatenate %slice3A_211, %slice3A_212 in 1 : vector<8x2xi32>, vector<8x1022xi32> -> vector<8x1024xi32>
      %slice3A_214 = vector.extract_strided_slice %select_n3A_197 {offsets = [0, 2], sizes = [8, 1022], strides = [1, 1]} : vector<8x1024xi32> to vector<8x1022xi32>
      %slice3A_215 = vector.extract_strided_slice %select_n3A_197 {offsets = [0, 0], sizes = [8, 2], strides = [1, 1]} : vector<8x1024xi32> to vector<8x2xi32>
      %concatenate3A_216 = tpu.concatenate %slice3A_214, %slice3A_215 in 1 : vector<8x1022xi32>, vector<8x2xi32> -> vector<8x1024xi32>
      %select_n3A_217 = arith.select %ne3A_203, %concatenate3A_213, %concatenate3A_216 : vector<8x1024xi1>, vector<8x1024xi32>
      %gt3A_218 = arith.cmpi sgt, %select_n3A_196, %select_n3A_210 : vector<8x1024xi32>
      %eq3A_219 = arith.cmpi eq, %select_n3A_196, %select_n3A_210 : vector<8x1024xi32>
      %lt3A_220 = arith.cmpi slt, %select_n3A_197, %select_n3A_217 : vector<8x1024xi32>
      %and3A_221 = arith.andi %eq3A_219, %lt3A_220 : vector<8x1024xi1>
      %or3A_222 = arith.ori %gt3A_218, %and3A_221 : vector<8x1024xi1>
      %xor3A_223 = arith.xori %or3A_222, %eq3A_166 : vector<8x1024xi1>
      %not3A_224 = arith.constant dense<true> : vector<8x1024xi1>
      %not3A_225 = arith.xori %ne3A_203, %not3A_224 : vector<8x1024xi1>
      %xor3A_226 = arith.xori %xor3A_223, %not3A_225 : vector<8x1024xi1>
      %select_n3A_227 = arith.select %xor3A_226, %select_n3A_196, %select_n3A_210 : vector<8x1024xi1>, vector<8x1024xi32>
      %select_n3A_228 = arith.select %xor3A_226, %select_n3A_197, %select_n3A_217 : vector<8x1024xi1>, vector<8x1024xi32>
      %and3A_229 = arith.constant 1 : i32
      %and3A_230 = vector.broadcast %and3A_229 : i32 to vector<8x1024xi32>
      %and3A_231 = arith.andi %iota3A, %and3A_230 : vector<8x1024xi32>
      %ne3A_232 = arith.constant 0 : i32
      %ne3A_233 = vector.broadcast %ne3A_232 : i32 to vector<8x1024xi32>
      %ne3A_234 = arith.cmpi ne, %and3A_231, %ne3A_233 : vector<8x1024xi32>
      %slice3A_235 = vector.extract_strided_slice %select_n3A_227 {offsets = [0, 1023], sizes = [8, 1], strides = [1, 1]} : vector<8x1024xi32> to vector<8x1xi32>
      %slice3A_236 = vector.extract_strided_slice %select_n3A_227 {offsets = [0, 0], sizes = [8, 1023], strides = [1, 1]} : vector<8x1024xi32> to vector<8x1023xi32>
      %concatenate3A_237 = tpu.concatenate %slice3A_235, %slice3A_236 in 1 : vector<8x1xi32>, vector<8x1023xi32> -> vector<8x1024xi32>
      %slice3A_238 = vector.extract_strided_slice %select_n3A_227 {offsets = [0, 1], sizes = [8, 1023], strides = [1, 1]} : vector<8x1024xi32> to vector<8x1023xi32>
      %slice3A_239 = vector.extract_strided_slice %select_n3A_227 {offsets = [0, 0], sizes = [8, 1], strides = [1, 1]} : vector<8x1024xi32> to vector<8x1xi32>
      %concatenate3A_240 = tpu.concatenate %slice3A_238, %slice3A_239 in 1 : vector<8x1023xi32>, vector<8x1xi32> -> vector<8x1024xi32>
      %select_n3A_241 = arith.select %ne3A_234, %concatenate3A_237, %concatenate3A_240 : vector<8x1024xi1>, vector<8x1024xi32>
      %slice3A_242 = vector.extract_strided_slice %select_n3A_228 {offsets = [0, 1023], sizes = [8, 1], strides = [1, 1]} : vector<8x1024xi32> to vector<8x1xi32>
      %slice3A_243 = vector.extract_strided_slice %select_n3A_228 {offsets = [0, 0], sizes = [8, 1023], strides = [1, 1]} : vector<8x1024xi32> to vector<8x1023xi32>
      %concatenate3A_244 = tpu.concatenate %slice3A_242, %slice3A_243 in 1 : vector<8x1xi32>, vector<8x1023xi32> -> vector<8x1024xi32>
      %slice3A_245 = vector.extract_strided_slice %select_n3A_228 {offsets = [0, 1], sizes = [8, 1023], strides = [1, 1]} : vector<8x1024xi32> to vector<8x1023xi32>
      %slice3A_246 = vector.extract_strided_slice %select_n3A_228 {offsets = [0, 0], sizes = [8, 1], strides = [1, 1]} : vector<8x1024xi32> to vector<8x1xi32>
      %concatenate3A_247 = tpu.concatenate %slice3A_245, %slice3A_246 in 1 : vector<8x1023xi32>, vector<8x1xi32> -> vector<8x1024xi32>
      %select_n3A_248 = arith.select %ne3A_234, %concatenate3A_244, %concatenate3A_247 : vector<8x1024xi1>, vector<8x1024xi32>
      %gt3A_249 = arith.cmpi sgt, %select_n3A_227, %select_n3A_241 : vector<8x1024xi32>
      %eq3A_250 = arith.cmpi eq, %select_n3A_227, %select_n3A_241 : vector<8x1024xi32>
      %lt3A_251 = arith.cmpi slt, %select_n3A_228, %select_n3A_248 : vector<8x1024xi32>
      %and3A_252 = arith.andi %eq3A_250, %lt3A_251 : vector<8x1024xi1>
      %or3A_253 = arith.ori %gt3A_249, %and3A_252 : vector<8x1024xi1>
      %xor3A_254 = arith.xori %or3A_253, %eq3A_166 : vector<8x1024xi1>
      %not3A_255 = arith.constant dense<true> : vector<8x1024xi1>
      %not3A_256 = arith.xori %ne3A_234, %not3A_255 : vector<8x1024xi1>
      %xor3A_257 = arith.xori %xor3A_254, %not3A_256 : vector<8x1024xi1>
      %select_n3A_258 = arith.select %xor3A_257, %select_n3A_227, %select_n3A_241 : vector<8x1024xi1>, vector<8x1024xi32>
      %select_n3A_259 = arith.select %xor3A_257, %select_n3A_228, %select_n3A_248 : vector<8x1024xi1>, vector<8x1024xi32>
      %and3A_260 = arith.constant 16 : i32
      %and3A_261 = vector.broadcast %and3A_260 : i32 to vector<8x1024xi32>
      %and3A_262 = arith.andi %iota3A, %and3A_261 : vector<8x1024xi32>
      %eq3A_263 = arith.constant 0 : i32
      %eq3A_264 = vector.broadcast %eq3A_263 : i32 to vector<8x1024xi32>
      %eq3A_265 = arith.cmpi eq, %and3A_262, %eq3A_264 : vector<8x1024xi32>
      %and3A_266 = arith.constant 8 : i32
      %and3A_267 = vector.broadcast %and3A_266 : i32 to vector<8x1024xi32>
      %and3A_268 = arith.andi %iota3A, %and3A_267 : vector<8x1024xi32>
      %ne3A_269 = arith.constant 0 : i32
      %ne3A_270 = vector.broadcast %ne3A_269 : i32 to vector<8x1024xi32>
      %ne3A_271 = arith.cmpi ne, %and3A_268, %ne3A_270 : vector<8x1024xi32>
      %slice3A_272 = vector.extract_strided_slice %select_n3A_258 {offsets = [0, 1016], sizes = [8, 8], strides = [1, 1]} : vector<8x1024xi32> to vector<8x8xi32>
      %slice3A_273 = vector.extract_strided_slice %select_n3A_258 {offsets = [0, 0], sizes = [8, 1016], strides = [1, 1]} : vector<8x1024xi32> to vector<8x1016xi32>
      %concatenate3A_274 = tpu.concatenate %slice3A_272, %slice3A_273 in 1 : vector<8x8xi32>, vector<8x1016xi32> -> vector<8x1024xi32>
      %slice3A_275 = vector.extract_strided_slice %select_n3A_258 {offsets = [0, 8], sizes = [8, 1016], strides = [1, 1]} : vector<8x1024xi32> to vector<8x1016xi32>
      %slice3A_276 = vector.extract_strided_slice %select_n3A_258 {offsets = [0, 0], sizes = [8, 8], strides = [1, 1]} : vector<8x1024xi32> to vector<8x8xi32>
      %concatenate3A_277 = tpu.concatenate %slice3A_275, %slice3A_276 in 1 : vector<8x1016xi32>, vector<8x8xi32> -> vector<8x1024xi32>
      %select_n3A_278 = arith.select %ne3A_271, %concatenate3A_274, %concatenate3A_277 : vector<8x1024xi1>, vector<8x1024xi32>
      %slice3A_279 = vector.extract_strided_slice %select_n3A_259 {offsets = [0, 1016], sizes = [8, 8], strides = [1, 1]} : vector<8x1024xi32> to vector<8x8xi32>
      %slice3A_280 = vector.extract_strided_slice %select_n3A_259 {offsets = [0, 0], sizes = [8, 1016], strides = [1, 1]} : vector<8x1024xi32> to vector<8x1016xi32>
      %concatenate3A_281 = tpu.concatenate %slice3A_279, %slice3A_280 in 1 : vector<8x8xi32>, vector<8x1016xi32> -> vector<8x1024xi32>
      %slice3A_282 = vector.extract_strided_slice %select_n3A_259 {offsets = [0, 8], sizes = [8, 1016], strides = [1, 1]} : vector<8x1024xi32> to vector<8x1016xi32>
      %slice3A_283 = vector.extract_strided_slice %select_n3A_259 {offsets = [0, 0], sizes = [8, 8], strides = [1, 1]} : vector<8x1024xi32> to vector<8x8xi32>
      %concatenate3A_284 = tpu.concatenate %slice3A_282, %slice3A_283 in 1 : vector<8x1016xi32>, vector<8x8xi32> -> vector<8x1024xi32>
      %select_n3A_285 = arith.select %ne3A_271, %concatenate3A_281, %concatenate3A_284 : vector<8x1024xi1>, vector<8x1024xi32>
      %gt3A_286 = arith.cmpi sgt, %select_n3A_258, %select_n3A_278 : vector<8x1024xi32>
      %eq3A_287 = arith.cmpi eq, %select_n3A_258, %select_n3A_278 : vector<8x1024xi32>
      %lt3A_288 = arith.cmpi slt, %select_n3A_259, %select_n3A_285 : vector<8x1024xi32>
      %and3A_289 = arith.andi %eq3A_287, %lt3A_288 : vector<8x1024xi1>
      %or3A_290 = arith.ori %gt3A_286, %and3A_289 : vector<8x1024xi1>
      %xor3A_291 = arith.xori %or3A_290, %eq3A_265 : vector<8x1024xi1>
      %not3A_292 = arith.constant dense<true> : vector<8x1024xi1>
      %not3A_293 = arith.xori %ne3A_271, %not3A_292 : vector<8x1024xi1>
      %xor3A_294 = arith.xori %xor3A_291, %not3A_293 : vector<8x1024xi1>
      %select_n3A_295 = arith.select %xor3A_294, %select_n3A_258, %select_n3A_278 : vector<8x1024xi1>, vector<8x1024xi32>
      %select_n3A_296 = arith.select %xor3A_294, %select_n3A_259, %select_n3A_285 : vector<8x1024xi1>, vector<8x1024xi32>
      %and3A_297 = arith.constant 4 : i32
      %and3A_298 = vector.broadcast %and3A_297 : i32 to vector<8x1024xi32>
      %and3A_299 = arith.andi %iota3A, %and3A_298 : vector<8x1024xi32>
      %ne3A_300 = arith.constant 0 : i32
      %ne3A_301 = vector.broadcast %ne3A_300 : i32 to vector<8x1024xi32>
      %ne3A_302 = arith.cmpi ne, %and3A_299, %ne3A_301 : vector<8x1024xi32>
      %slice3A_303 = vector.extract_strided_slice %select_n3A_295 {offsets = [0, 1020], sizes = [8, 4], strides = [1, 1]} : vector<8x1024xi32> to vector<8x4xi32>
      %slice3A_304 = vector.extract_strided_slice %select_n3A_295 {offsets = [0, 0], sizes = [8, 1020], strides = [1, 1]} : vector<8x1024xi32> to vector<8x1020xi32>
      %concatenate3A_305 = tpu.concatenate %slice3A_303, %slice3A_304 in 1 : vector<8x4xi32>, vector<8x1020xi32> -> vector<8x1024xi32>
      %slice3A_306 = vector.extract_strided_slice %select_n3A_295 {offsets = [0, 4], sizes = [8, 1020], strides = [1, 1]} : vector<8x1024xi32> to vector<8x1020xi32>
      %slice3A_307 = vector.extract_strided_slice %select_n3A_295 {offsets = [0, 0], sizes = [8, 4], strides = [1, 1]} : vector<8x1024xi32> to vector<8x4xi32>
      %concatenate3A_308 = tpu.concatenate %slice3A_306, %slice3A_307 in 1 : vector<8x1020xi32>, vector<8x4xi32> -> vector<8x1024xi32>
      %select_n3A_309 = arith.select %ne3A_302, %concatenate3A_305, %concatenate3A_308 : vector<8x1024xi1>, vector<8x1024xi32>
      %slice3A_310 = vector.extract_strided_slice %select_n3A_296 {offsets = [0, 1020], sizes = [8, 4], strides = [1, 1]} : vector<8x1024xi32> to vector<8x4xi32>
      %slice3A_311 = vector.extract_strided_slice %select_n3A_296 {offsets = [0, 0], sizes = [8, 1020], strides = [1, 1]} : vector<8x1024xi32> to vector<8x1020xi32>
      %concatenate3A_312 = tpu.concatenate %slice3A_310, %slice3A_311 in 1 : vector<8x4xi32>, vector<8x1020xi32> -> vector<8x1024xi32>
      %slice3A_313 = vector.extract_strided_slice %select_n3A_296 {offsets = [0, 4], sizes = [8, 1020], strides = [1, 1]} : vector<8x1024xi32> to vector<8x1020xi32>
      %slice3A_314 = vector.extract_strided_slice %select_n3A_296 {offsets = [0, 0], sizes = [8, 4], strides = [1, 1]} : vector<8x1024xi32> to vector<8x4xi32>
      %concatenate3A_315 = tpu.concatenate %slice3A_313, %slice3A_314 in 1 : vector<8x1020xi32>, vector<8x4xi32> -> vector<8x1024xi32>
      %select_n3A_316 = arith.select %ne3A_302, %concatenate3A_312, %concatenate3A_315 : vector<8x1024xi1>, vector<8x1024xi32>
      %gt3A_317 = arith.cmpi sgt, %select_n3A_295, %select_n3A_309 : vector<8x1024xi32>
      %eq3A_318 = arith.cmpi eq, %select_n3A_295, %select_n3A_309 : vector<8x1024xi32>
      %lt3A_319 = arith.cmpi slt, %select_n3A_296, %select_n3A_316 : vector<8x1024xi32>
      %and3A_320 = arith.andi %eq3A_318, %lt3A_319 : vector<8x1024xi1>
      %or3A_321 = arith.ori %gt3A_317, %and3A_320 : vector<8x1024xi1>
      %xor3A_322 = arith.xori %or3A_321, %eq3A_265 : vector<8x1024xi1>
      %not3A_323 = arith.constant dense<true> : vector<8x1024xi1>
      %not3A_324 = arith.xori %ne3A_302, %not3A_323 : vector<8x1024xi1>
      %xor3A_325 = arith.xori %xor3A_322, %not3A_324 : vector<8x1024xi1>
      %select_n3A_326 = arith.select %xor3A_325, %select_n3A_295, %select_n3A_309 : vector<8x1024xi1>, vector<8x1024xi32>
      %select_n3A_327 = arith.select %xor3A_325, %select_n3A_296, %select_n3A_316 : vector<8x1024xi1>, vector<8x1024xi32>
      %and3A_328 = arith.constant 2 : i32
      %and3A_329 = vector.broadcast %and3A_328 : i32 to vector<8x1024xi32>
      %and3A_330 = arith.andi %iota3A, %and3A_329 : vector<8x1024xi32>
      %ne3A_331 = arith.constant 0 : i32
      %ne3A_332 = vector.broadcast %ne3A_331 : i32 to vector<8x1024xi32>
      %ne3A_333 = arith.cmpi ne, %and3A_330, %ne3A_332 : vector<8x1024xi32>
      %slice3A_334 = vector.extract_strided_slice %select_n3A_326 {offsets = [0, 1022], sizes = [8, 2], strides = [1, 1]} : vector<8x1024xi32> to vector<8x2xi32>
      %slice3A_335 = vector.extract_strided_slice %select_n3A_326 {offsets = [0, 0], sizes = [8, 1022], strides = [1, 1]} : vector<8x1024xi32> to vector<8x1022xi32>
      %concatenate3A_336 = tpu.concatenate %slice3A_334, %slice3A_335 in 1 : vector<8x2xi32>, vector<8x1022xi32> -> vector<8x1024xi32>
      %slice3A_337 = vector.extract_strided_slice %select_n3A_326 {offsets = [0, 2], sizes = [8, 1022], strides = [1, 1]} : vector<8x1024xi32> to vector<8x1022xi32>
      %slice3A_338 = vector.extract_strided_slice %select_n3A_326 {offsets = [0, 0], sizes = [8, 2], strides = [1, 1]} : vector<8x1024xi32> to vector<8x2xi32>
      %concatenate3A_339 = tpu.concatenate %slice3A_337, %slice3A_338 in 1 : vector<8x1022xi32>, vector<8x2xi32> -> vector<8x1024xi32>
      %select_n3A_340 = arith.select %ne3A_333, %concatenate3A_336, %concatenate3A_339 : vector<8x1024xi1>, vector<8x1024xi32>
      %slice3A_341 = vector.extract_strided_slice %select_n3A_327 {offsets = [0, 1022], sizes = [8, 2], strides = [1, 1]} : vector<8x1024xi32> to vector<8x2xi32>
      %slice3A_342 = vector.extract_strided_slice %select_n3A_327 {offsets = [0, 0], sizes = [8, 1022], strides = [1, 1]} : vector<8x1024xi32> to vector<8x1022xi32>
      %concatenate3A_343 = tpu.concatenate %slice3A_341, %slice3A_342 in 1 : vector<8x2xi32>, vector<8x1022xi32> -> vector<8x1024xi32>
      %slice3A_344 = vector.extract_strided_slice %select_n3A_327 {offsets = [0, 2], sizes = [8, 1022], strides = [1, 1]} : vector<8x1024xi32> to vector<8x1022xi32>
      %slice3A_345 = vector.extract_strided_slice %select_n3A_327 {offsets = [0, 0], sizes = [8, 2], strides = [1, 1]} : vector<8x1024xi32> to vector<8x2xi32>
      %concatenate3A_346 = tpu.concatenate %slice3A_344, %slice3A_345 in 1 : vector<8x1022xi32>, vector<8x2xi32> -> vector<8x1024xi32>
      %select_n3A_347 = arith.select %ne3A_333, %concatenate3A_343, %concatenate3A_346 : vector<8x1024xi1>, vector<8x1024xi32>
      %gt3A_348 = arith.cmpi sgt, %select_n3A_326, %select_n3A_340 : vector<8x1024xi32>
      %eq3A_349 = arith.cmpi eq, %select_n3A_326, %select_n3A_340 : vector<8x1024xi32>
      %lt3A_350 = arith.cmpi slt, %select_n3A_327, %select_n3A_347 : vector<8x1024xi32>
      %and3A_351 = arith.andi %eq3A_349, %lt3A_350 : vector<8x1024xi1>
      %or3A_352 = arith.ori %gt3A_348, %and3A_351 : vector<8x1024xi1>
      %xor3A_353 = arith.xori %or3A_352, %eq3A_265 : vector<8x1024xi1>
      %not3A_354 = arith.constant dense<true> : vector<8x1024xi1>
      %not3A_355 = arith.xori %ne3A_333, %not3A_354 : vector<8x1024xi1>
      %xor3A_356 = arith.xori %xor3A_353, %not3A_355 : vector<8x1024xi1>
      %select_n3A_357 = arith.select %xor3A_356, %select_n3A_326, %select_n3A_340 : vector<8x1024xi1>, vector<8x1024xi32>
      %select_n3A_358 = arith.select %xor3A_356, %select_n3A_327, %select_n3A_347 : vector<8x1024xi1>, vector<8x1024xi32>
      %and3A_359 = arith.constant 1 : i32
      %and3A_360 = vector.broadcast %and3A_359 : i32 to vector<8x1024xi32>
      %and3A_361 = arith.andi %iota3A, %and3A_360 : vector<8x1024xi32>
      %ne3A_362 = arith.constant 0 : i32
      %ne3A_363 = vector.broadcast %ne3A_362 : i32 to vector<8x1024xi32>
      %ne3A_364 = arith.cmpi ne, %and3A_361, %ne3A_363 : vector<8x1024xi32>
      %slice3A_365 = vector.extract_strided_slice %select_n3A_357 {offsets = [0, 1023], sizes = [8, 1], strides = [1, 1]} : vector<8x1024xi32> to vector<8x1xi32>
      %slice3A_366 = vector.extract_strided_slice %select_n3A_357 {offsets = [0, 0], sizes = [8, 1023], strides = [1, 1]} : vector<8x1024xi32> to vector<8x1023xi32>
      %concatenate3A_367 = tpu.concatenate %slice3A_365, %slice3A_366 in 1 : vector<8x1xi32>, vector<8x1023xi32> -> vector<8x1024xi32>
      %slice3A_368 = vector.extract_strided_slice %select_n3A_357 {offsets = [0, 1], sizes = [8, 1023], strides = [1, 1]} : vector<8x1024xi32> to vector<8x1023xi32>
      %slice3A_369 = vector.extract_strided_slice %select_n3A_357 {offsets = [0, 0], sizes = [8, 1], strides = [1, 1]} : vector<8x1024xi32> to vector<8x1xi32>
      %concatenate3A_370 = tpu.concatenate %slice3A_368, %slice3A_369 in 1 : vector<8x1023xi32>, vector<8x1xi32> -> vector<8x1024xi32>
      %select_n3A_371 = arith.select %ne3A_364, %concatenate3A_367, %concatenate3A_370 : vector<8x1024xi1>, vector<8x1024xi32>
      %slice3A_372 = vector.extract_strided_slice %select_n3A_358 {offsets = [0, 1023], sizes = [8, 1], strides = [1, 1]} : vector<8x1024xi32> to vector<8x1xi32>
      %slice3A_373 = vector.extract_strided_slice %select_n3A_358 {offsets = [0, 0], sizes = [8, 1023], strides = [1, 1]} : vector<8x1024xi32> to vector<8x1023xi32>
      %concatenate3A_374 = tpu.concatenate %slice3A_372, %slice3A_373 in 1 : vector<8x1xi32>, vector<8x1023xi32> -> vector<8x1024xi32>
      %slice3A_375 = vector.extract_strided_slice %select_n3A_358 {offsets = [0, 1], sizes = [8, 1023], strides = [1, 1]} : vector<8x1024xi32> to vector<8x1023xi32>
      %slice3A_376 = vector.extract_strided_slice %select_n3A_358 {offsets = [0, 0], sizes = [8, 1], strides = [1, 1]} : vector<8x1024xi32> to vector<8x1xi32>
      %concatenate3A_377 = tpu.concatenate %slice3A_375, %slice3A_376 in 1 : vector<8x1023xi32>, vector<8x1xi32> -> vector<8x1024xi32>
      %select_n3A_378 = arith.select %ne3A_364, %concatenate3A_374, %concatenate3A_377 : vector<8x1024xi1>, vector<8x1024xi32>
      %gt3A_379 = arith.cmpi sgt, %select_n3A_357, %select_n3A_371 : vector<8x1024xi32>
      %eq3A_380 = arith.cmpi eq, %select_n3A_357, %select_n3A_371 : vector<8x1024xi32>
      %lt3A_381 = arith.cmpi slt, %select_n3A_358, %select_n3A_378 : vector<8x1024xi32>
      %and3A_382 = arith.andi %eq3A_380, %lt3A_381 : vector<8x1024xi1>
      %or3A_383 = arith.ori %gt3A_379, %and3A_382 : vector<8x1024xi1>
      %xor3A_384 = arith.xori %or3A_383, %eq3A_265 : vector<8x1024xi1>
      %not3A_385 = arith.constant dense<true> : vector<8x1024xi1>
      %not3A_386 = arith.xori %ne3A_364, %not3A_385 : vector<8x1024xi1>
      %xor3A_387 = arith.xori %xor3A_384, %not3A_386 : vector<8x1024xi1>
      %select_n3A_388 = arith.select %xor3A_387, %select_n3A_357, %select_n3A_371 : vector<8x1024xi1>, vector<8x1024xi32>
      %select_n3A_389 = arith.select %xor3A_387, %select_n3A_358, %select_n3A_378 : vector<8x1024xi1>, vector<8x1024xi32>
      %and3A_390 = arith.constant 32 : i32
      %and3A_391 = vector.broadcast %and3A_390 : i32 to vector<8x1024xi32>
      %and3A_392 = arith.andi %iota3A, %and3A_391 : vector<8x1024xi32>
      %eq3A_393 = arith.constant 0 : i32
      %eq3A_394 = vector.broadcast %eq3A_393 : i32 to vector<8x1024xi32>
      %eq3A_395 = arith.cmpi eq, %and3A_392, %eq3A_394 : vector<8x1024xi32>
      %and3A_396 = arith.constant 16 : i32
      %and3A_397 = vector.broadcast %and3A_396 : i32 to vector<8x1024xi32>
      %and3A_398 = arith.andi %iota3A, %and3A_397 : vector<8x1024xi32>
      %ne3A_399 = arith.constant 0 : i32
      %ne3A_400 = vector.broadcast %ne3A_399 : i32 to vector<8x1024xi32>
      %ne3A_401 = arith.cmpi ne, %and3A_398, %ne3A_400 : vector<8x1024xi32>
      %slice3A_402 = vector.extract_strided_slice %select_n3A_388 {offsets = [0, 1008], sizes = [8, 16], strides = [1, 1]} : vector<8x1024xi32> to vector<8x16xi32>
      %slice3A_403 = vector.extract_strided_slice %select_n3A_388 {offsets = [0, 0], sizes = [8, 1008], strides = [1, 1]} : vector<8x1024xi32> to vector<8x1008xi32>
      %concatenate3A_404 = tpu.concatenate %slice3A_402, %slice3A_403 in 1 : vector<8x16xi32>, vector<8x1008xi32> -> vector<8x1024xi32>
      %slice3A_405 = vector.extract_strided_slice %select_n3A_388 {offsets = [0, 16], sizes = [8, 1008], strides = [1, 1]} : vector<8x1024xi32> to vector<8x1008xi32>
      %slice3A_406 = vector.extract_strided_slice %select_n3A_388 {offsets = [0, 0], sizes = [8, 16], strides = [1, 1]} : vector<8x1024xi32> to vector<8x16xi32>
      %concatenate3A_407 = tpu.concatenate %slice3A_405, %slice3A_406 in 1 : vector<8x1008xi32>, vector<8x16xi32> -> vector<8x1024xi32>
      %select_n3A_408 = arith.select %ne3A_401, %concatenate3A_404, %concatenate3A_407 : vector<8x1024xi1>, vector<8x1024xi32>
      %slice3A_409 = vector.extract_strided_slice %select_n3A_389 {offsets = [0, 1008], sizes = [8, 16], strides = [1, 1]} : vector<8x1024xi32> to vector<8x16xi32>
      %slice3A_410 = vector.extract_strided_slice %select_n3A_389 {offsets = [0, 0], sizes = [8, 1008], strides = [1, 1]} : vector<8x1024xi32> to vector<8x1008xi32>
      %concatenate3A_411 = tpu.concatenate %slice3A_409, %slice3A_410 in 1 : vector<8x16xi32>, vector<8x1008xi32> -> vector<8x1024xi32>
      %slice3A_412 = vector.extract_strided_slice %select_n3A_389 {offsets = [0, 16], sizes = [8, 1008], strides = [1, 1]} : vector<8x1024xi32> to vector<8x1008xi32>
      %slice3A_413 = vector.extract_strided_slice %select_n3A_389 {offsets = [0, 0], sizes = [8, 16], strides = [1, 1]} : vector<8x1024xi32> to vector<8x16xi32>
      %concatenate3A_414 = tpu.concatenate %slice3A_412, %slice3A_413 in 1 : vector<8x1008xi32>, vector<8x16xi32> -> vector<8x1024xi32>
      %select_n3A_415 = arith.select %ne3A_401, %concatenate3A_411, %concatenate3A_414 : vector<8x1024xi1>, vector<8x1024xi32>
      %gt3A_416 = arith.cmpi sgt, %select_n3A_388, %select_n3A_408 : vector<8x1024xi32>
      %eq3A_417 = arith.cmpi eq, %select_n3A_388, %select_n3A_408 : vector<8x1024xi32>
      %lt3A_418 = arith.cmpi slt, %select_n3A_389, %select_n3A_415 : vector<8x1024xi32>
      %and3A_419 = arith.andi %eq3A_417, %lt3A_418 : vector<8x1024xi1>
      %or3A_420 = arith.ori %gt3A_416, %and3A_419 : vector<8x1024xi1>
      %xor3A_421 = arith.xori %or3A_420, %eq3A_395 : vector<8x1024xi1>
      %not3A_422 = arith.constant dense<true> : vector<8x1024xi1>
      %not3A_423 = arith.xori %ne3A_401, %not3A_422 : vector<8x1024xi1>
      %xor3A_424 = arith.xori %xor3A_421, %not3A_423 : vector<8x1024xi1>
      %select_n3A_425 = arith.select %xor3A_424, %select_n3A_388, %select_n3A_408 : vector<8x1024xi1>, vector<8x1024xi32>
      %select_n3A_426 = arith.select %xor3A_424, %select_n3A_389, %select_n3A_415 : vector<8x1024xi1>, vector<8x1024xi32>
      %and3A_427 = arith.constant 8 : i32
      %and3A_428 = vector.broadcast %and3A_427 : i32 to vector<8x1024xi32>
      %and3A_429 = arith.andi %iota3A, %and3A_428 : vector<8x1024xi32>
      %ne3A_430 = arith.constant 0 : i32
      %ne3A_431 = vector.broadcast %ne3A_430 : i32 to vector<8x1024xi32>
      %ne3A_432 = arith.cmpi ne, %and3A_429, %ne3A_431 : vector<8x1024xi32>
      %slice3A_433 = vector.extract_strided_slice %select_n3A_425 {offsets = [0, 1016], sizes = [8, 8], strides = [1, 1]} : vector<8x1024xi32> to vector<8x8xi32>
      %slice3A_434 = vector.extract_strided_slice %select_n3A_425 {offsets = [0, 0], sizes = [8, 1016], strides = [1, 1]} : vector<8x1024xi32> to vector<8x1016xi32>
      %concatenate3A_435 = tpu.concatenate %slice3A_433, %slice3A_434 in 1 : vector<8x8xi32>, vector<8x1016xi32> -> vector<8x1024xi32>
      %slice3A_436 = vector.extract_strided_slice %select_n3A_425 {offsets = [0, 8], sizes = [8, 1016], strides = [1, 1]} : vector<8x1024xi32> to vector<8x1016xi32>
      %slice3A_437 = vector.extract_strided_slice %select_n3A_425 {offsets = [0, 0], sizes = [8, 8], strides = [1, 1]} : vector<8x1024xi32> to vector<8x8xi32>
      %concatenate3A_438 = tpu.concatenate %slice3A_436, %slice3A_437 in 1 : vector<8x1016xi32>, vector<8x8xi32> -> vector<8x1024xi32>
      %select_n3A_439 = arith.select %ne3A_432, %concatenate3A_435, %concatenate3A_438 : vector<8x1024xi1>, vector<8x1024xi32>
      %slice3A_440 = vector.extract_strided_slice %select_n3A_426 {offsets = [0, 1016], sizes = [8, 8], strides = [1, 1]} : vector<8x1024xi32> to vector<8x8xi32>
      %slice3A_441 = vector.extract_strided_slice %select_n3A_426 {offsets = [0, 0], sizes = [8, 1016], strides = [1, 1]} : vector<8x1024xi32> to vector<8x1016xi32>
      %concatenate3A_442 = tpu.concatenate %slice3A_440, %slice3A_441 in 1 : vector<8x8xi32>, vector<8x1016xi32> -> vector<8x1024xi32>
      %slice3A_443 = vector.extract_strided_slice %select_n3A_426 {offsets = [0, 8], sizes = [8, 1016], strides = [1, 1]} : vector<8x1024xi32> to vector<8x1016xi32>
      %slice3A_444 = vector.extract_strided_slice %select_n3A_426 {offsets = [0, 0], sizes = [8, 8], strides = [1, 1]} : vector<8x1024xi32> to vector<8x8xi32>
      %concatenate3A_445 = tpu.concatenate %slice3A_443, %slice3A_444 in 1 : vector<8x1016xi32>, vector<8x8xi32> -> vector<8x1024xi32>
      %select_n3A_446 = arith.select %ne3A_432, %concatenate3A_442, %concatenate3A_445 : vector<8x1024xi1>, vector<8x1024xi32>
      %gt3A_447 = arith.cmpi sgt, %select_n3A_425, %select_n3A_439 : vector<8x1024xi32>
      %eq3A_448 = arith.cmpi eq, %select_n3A_425, %select_n3A_439 : vector<8x1024xi32>
      %lt3A_449 = arith.cmpi slt, %select_n3A_426, %select_n3A_446 : vector<8x1024xi32>
      %and3A_450 = arith.andi %eq3A_448, %lt3A_449 : vector<8x1024xi1>
      %or3A_451 = arith.ori %gt3A_447, %and3A_450 : vector<8x1024xi1>
      %xor3A_452 = arith.xori %or3A_451, %eq3A_395 : vector<8x1024xi1>
      %not3A_453 = arith.constant dense<true> : vector<8x1024xi1>
      %not3A_454 = arith.xori %ne3A_432, %not3A_453 : vector<8x1024xi1>
      %xor3A_455 = arith.xori %xor3A_452, %not3A_454 : vector<8x1024xi1>
      %select_n3A_456 = arith.select %xor3A_455, %select_n3A_425, %select_n3A_439 : vector<8x1024xi1>, vector<8x1024xi32>
      %select_n3A_457 = arith.select %xor3A_455, %select_n3A_426, %select_n3A_446 : vector<8x1024xi1>, vector<8x1024xi32>
      %and3A_458 = arith.constant 4 : i32
      %and3A_459 = vector.broadcast %and3A_458 : i32 to vector<8x1024xi32>
      %and3A_460 = arith.andi %iota3A, %and3A_459 : vector<8x1024xi32>
      %ne3A_461 = arith.constant 0 : i32
      %ne3A_462 = vector.broadcast %ne3A_461 : i32 to vector<8x1024xi32>
      %ne3A_463 = arith.cmpi ne, %and3A_460, %ne3A_462 : vector<8x1024xi32>
      %slice3A_464 = vector.extract_strided_slice %select_n3A_456 {offsets = [0, 1020], sizes = [8, 4], strides = [1, 1]} : vector<8x1024xi32> to vector<8x4xi32>
      %slice3A_465 = vector.extract_strided_slice %select_n3A_456 {offsets = [0, 0], sizes = [8, 1020], strides = [1, 1]} : vector<8x1024xi32> to vector<8x1020xi32>
      %concatenate3A_466 = tpu.concatenate %slice3A_464, %slice3A_465 in 1 : vector<8x4xi32>, vector<8x1020xi32> -> vector<8x1024xi32>
      %slice3A_467 = vector.extract_strided_slice %select_n3A_456 {offsets = [0, 4], sizes = [8, 1020], strides = [1, 1]} : vector<8x1024xi32> to vector<8x1020xi32>
      %slice3A_468 = vector.extract_strided_slice %select_n3A_456 {offsets = [0, 0], sizes = [8, 4], strides = [1, 1]} : vector<8x1024xi32> to vector<8x4xi32>
      %concatenate3A_469 = tpu.concatenate %slice3A_467, %slice3A_468 in 1 : vector<8x1020xi32>, vector<8x4xi32> -> vector<8x1024xi32>
      %select_n3A_470 = arith.select %ne3A_463, %concatenate3A_466, %concatenate3A_469 : vector<8x1024xi1>, vector<8x1024xi32>
      %slice3A_471 = vector.extract_strided_slice %select_n3A_457 {offsets = [0, 1020], sizes = [8, 4], strides = [1, 1]} : vector<8x1024xi32> to vector<8x4xi32>
      %slice3A_472 = vector.extract_strided_slice %select_n3A_457 {offsets = [0, 0], sizes = [8, 1020], strides = [1, 1]} : vector<8x1024xi32> to vector<8x1020xi32>
      %concatenate3A_473 = tpu.concatenate %slice3A_471, %slice3A_472 in 1 : vector<8x4xi32>, vector<8x1020xi32> -> vector<8x1024xi32>
      %slice3A_474 = vector.extract_strided_slice %select_n3A_457 {offsets = [0, 4], sizes = [8, 1020], strides = [1, 1]} : vector<8x1024xi32> to vector<8x1020xi32>
      %slice3A_475 = vector.extract_strided_slice %select_n3A_457 {offsets = [0, 0], sizes = [8, 4], strides = [1, 1]} : vector<8x1024xi32> to vector<8x4xi32>
      %concatenate3A_476 = tpu.concatenate %slice3A_474, %slice3A_475 in 1 : vector<8x1020xi32>, vector<8x4xi32> -> vector<8x1024xi32>
      %select_n3A_477 = arith.select %ne3A_463, %concatenate3A_473, %concatenate3A_476 : vector<8x1024xi1>, vector<8x1024xi32>
      %gt3A_478 = arith.cmpi sgt, %select_n3A_456, %select_n3A_470 : vector<8x1024xi32>
      %eq3A_479 = arith.cmpi eq, %select_n3A_456, %select_n3A_470 : vector<8x1024xi32>
      %lt3A_480 = arith.cmpi slt, %select_n3A_457, %select_n3A_477 : vector<8x1024xi32>
      %and3A_481 = arith.andi %eq3A_479, %lt3A_480 : vector<8x1024xi1>
      %or3A_482 = arith.ori %gt3A_478, %and3A_481 : vector<8x1024xi1>
      %xor3A_483 = arith.xori %or3A_482, %eq3A_395 : vector<8x1024xi1>
      %not3A_484 = arith.constant dense<true> : vector<8x1024xi1>
      %not3A_485 = arith.xori %ne3A_463, %not3A_484 : vector<8x1024xi1>
      %xor3A_486 = arith.xori %xor3A_483, %not3A_485 : vector<8x1024xi1>
      %select_n3A_487 = arith.select %xor3A_486, %select_n3A_456, %select_n3A_470 : vector<8x1024xi1>, vector<8x1024xi32>
      %select_n3A_488 = arith.select %xor3A_486, %select_n3A_457, %select_n3A_477 : vector<8x1024xi1>, vector<8x1024xi32>
      %and3A_489 = arith.constant 2 : i32
      %and3A_490 = vector.broadcast %and3A_489 : i32 to vector<8x1024xi32>
      %and3A_491 = arith.andi %iota3A, %and3A_490 : vector<8x1024xi32>
      %ne3A_492 = arith.constant 0 : i32
      %ne3A_493 = vector.broadcast %ne3A_492 : i32 to vector<8x1024xi32>
      %ne3A_494 = arith.cmpi ne, %and3A_491, %ne3A_493 : vector<8x1024xi32>
      %slice3A_495 = vector.extract_strided_slice %select_n3A_487 {offsets = [0, 1022], sizes = [8, 2], strides = [1, 1]} : vector<8x1024xi32> to vector<8x2xi32>
      %slice3A_496 = vector.extract_strided_slice %select_n3A_487 {offsets = [0, 0], sizes = [8, 1022], strides = [1, 1]} : vector<8x1024xi32> to vector<8x1022xi32>
      %concatenate3A_497 = tpu.concatenate %slice3A_495, %slice3A_496 in 1 : vector<8x2xi32>, vector<8x1022xi32> -> vector<8x1024xi32>
      %slice3A_498 = vector.extract_strided_slice %select_n3A_487 {offsets = [0, 2], sizes = [8, 1022], strides = [1, 1]} : vector<8x1024xi32> to vector<8x1022xi32>
      %slice3A_499 = vector.extract_strided_slice %select_n3A_487 {offsets = [0, 0], sizes = [8, 2], strides = [1, 1]} : vector<8x1024xi32> to vector<8x2xi32>
      %concatenate3A_500 = tpu.concatenate %slice3A_498, %slice3A_499 in 1 : vector<8x1022xi32>, vector<8x2xi32> -> vector<8x1024xi32>
      %select_n3A_501 = arith.select %ne3A_494, %concatenate3A_497, %concatenate3A_500 : vector<8x1024xi1>, vector<8x1024xi32>
      %slice3A_502 = vector.extract_strided_slice %select_n3A_488 {offsets = [0, 1022], sizes = [8, 2], strides = [1, 1]} : vector<8x1024xi32> to vector<8x2xi32>
      %slice3A_503 = vector.extract_strided_slice %select_n3A_488 {offsets = [0, 0], sizes = [8, 1022], strides = [1, 1]} : vector<8x1024xi32> to vector<8x1022xi32>
      %concatenate3A_504 = tpu.concatenate %slice3A_502, %slice3A_503 in 1 : vector<8x2xi32>, vector<8x1022xi32> -> vector<8x1024xi32>
      %slice3A_505 = vector.extract_strided_slice %select_n3A_488 {offsets = [0, 2], sizes = [8, 1022], strides = [1, 1]} : vector<8x1024xi32> to vector<8x1022xi32>
      %slice3A_506 = vector.extract_strided_slice %select_n3A_488 {offsets = [0, 0], sizes = [8, 2], strides = [1, 1]} : vector<8x1024xi32> to vector<8x2xi32>
      %concatenate3A_507 = tpu.concatenate %slice3A_505, %slice3A_506 in 1 : vector<8x1022xi32>, vector<8x2xi32> -> vector<8x1024xi32>
      %select_n3A_508 = arith.select %ne3A_494, %concatenate3A_504, %concatenate3A_507 : vector<8x1024xi1>, vector<8x1024xi32>
      %gt3A_509 = arith.cmpi sgt, %select_n3A_487, %select_n3A_501 : vector<8x1024xi32>
      %eq3A_510 = arith.cmpi eq, %select_n3A_487, %select_n3A_501 : vector<8x1024xi32>
      %lt3A_511 = arith.cmpi slt, %select_n3A_488, %select_n3A_508 : vector<8x1024xi32>
      %and3A_512 = arith.andi %eq3A_510, %lt3A_511 : vector<8x1024xi1>
      %or3A_513 = arith.ori %gt3A_509, %and3A_512 : vector<8x1024xi1>
      %xor3A_514 = arith.xori %or3A_513, %eq3A_395 : vector<8x1024xi1>
      %not3A_515 = arith.constant dense<true> : vector<8x1024xi1>
      %not3A_516 = arith.xori %ne3A_494, %not3A_515 : vector<8x1024xi1>
      %xor3A_517 = arith.xori %xor3A_514, %not3A_516 : vector<8x1024xi1>
      %select_n3A_518 = arith.select %xor3A_517, %select_n3A_487, %select_n3A_501 : vector<8x1024xi1>, vector<8x1024xi32>
      %select_n3A_519 = arith.select %xor3A_517, %select_n3A_488, %select_n3A_508 : vector<8x1024xi1>, vector<8x1024xi32>
      %and3A_520 = arith.constant 1 : i32
      %and3A_521 = vector.broadcast %and3A_520 : i32 to vector<8x1024xi32>
      %and3A_522 = arith.andi %iota3A, %and3A_521 : vector<8x1024xi32>
      %ne3A_523 = arith.constant 0 : i32
      %ne3A_524 = vector.broadcast %ne3A_523 : i32 to vector<8x1024xi32>
      %ne3A_525 = arith.cmpi ne, %and3A_522, %ne3A_524 : vector<8x1024xi32>
      %slice3A_526 = vector.extract_strided_slice %select_n3A_518 {offsets = [0, 1023], sizes = [8, 1], strides = [1, 1]} : vector<8x1024xi32> to vector<8x1xi32>
      %slice3A_527 = vector.extract_strided_slice %select_n3A_518 {offsets = [0, 0], sizes = [8, 1023], strides = [1, 1]} : vector<8x1024xi32> to vector<8x1023xi32>
      %concatenate3A_528 = tpu.concatenate %slice3A_526, %slice3A_527 in 1 : vector<8x1xi32>, vector<8x1023xi32> -> vector<8x1024xi32>
      %slice3A_529 = vector.extract_strided_slice %select_n3A_518 {offsets = [0, 1], sizes = [8, 1023], strides = [1, 1]} : vector<8x1024xi32> to vector<8x1023xi32>
      %slice3A_530 = vector.extract_strided_slice %select_n3A_518 {offsets = [0, 0], sizes = [8, 1], strides = [1, 1]} : vector<8x1024xi32> to vector<8x1xi32>
      %concatenate3A_531 = tpu.concatenate %slice3A_529, %slice3A_530 in 1 : vector<8x1023xi32>, vector<8x1xi32> -> vector<8x1024xi32>
      %select_n3A_532 = arith.select %ne3A_525, %concatenate3A_528, %concatenate3A_531 : vector<8x1024xi1>, vector<8x1024xi32>
      %slice3A_533 = vector.extract_strided_slice %select_n3A_519 {offsets = [0, 1023], sizes = [8, 1], strides = [1, 1]} : vector<8x1024xi32> to vector<8x1xi32>
      %slice3A_534 = vector.extract_strided_slice %select_n3A_519 {offsets = [0, 0], sizes = [8, 1023], strides = [1, 1]} : vector<8x1024xi32> to vector<8x1023xi32>
      %concatenate3A_535 = tpu.concatenate %slice3A_533, %slice3A_534 in 1 : vector<8x1xi32>, vector<8x1023xi32> -> vector<8x1024xi32>
      %slice3A_536 = vector.extract_strided_slice %select_n3A_519 {offsets = [0, 1], sizes = [8, 1023], strides = [1, 1]} : vector<8x1024xi32> to vector<8x1023xi32>
      %slice3A_537 = vector.extract_strided_slice %select_n3A_519 {offsets = [0, 0], sizes = [8, 1], strides = [1, 1]} : vector<8x1024xi32> to vector<8x1xi32>
      %concatenate3A_538 = tpu.concatenate %slice3A_536, %slice3A_537 in 1 : vector<8x1023xi32>, vector<8x1xi32> -> vector<8x1024xi32>
      %select_n3A_539 = arith.select %ne3A_525, %concatenate3A_535, %concatenate3A_538 : vector<8x1024xi1>, vector<8x1024xi32>
      %gt3A_540 = arith.cmpi sgt, %select_n3A_518, %select_n3A_532 : vector<8x1024xi32>
      %eq3A_541 = arith.cmpi eq, %select_n3A_518, %select_n3A_532 : vector<8x1024xi32>
      %lt3A_542 = arith.cmpi slt, %select_n3A_519, %select_n3A_539 : vector<8x1024xi32>
      %and3A_543 = arith.andi %eq3A_541, %lt3A_542 : vector<8x1024xi1>
      %or3A_544 = arith.ori %gt3A_540, %and3A_543 : vector<8x1024xi1>
      %xor3A_545 = arith.xori %or3A_544, %eq3A_395 : vector<8x1024xi1>
      %not3A_546 = arith.constant dense<true> : vector<8x1024xi1>
      %not3A_547 = arith.xori %ne3A_525, %not3A_546 : vector<8x1024xi1>
      %xor3A_548 = arith.xori %xor3A_545, %not3A_547 : vector<8x1024xi1>
      %select_n3A_549 = arith.select %xor3A_548, %select_n3A_518, %select_n3A_532 : vector<8x1024xi1>, vector<8x1024xi32>
      %select_n3A_550 = arith.select %xor3A_548, %select_n3A_519, %select_n3A_539 : vector<8x1024xi1>, vector<8x1024xi32>
      %and3A_551 = arith.constant 64 : i32
      %and3A_552 = vector.broadcast %and3A_551 : i32 to vector<8x1024xi32>
      %and3A_553 = arith.andi %iota3A, %and3A_552 : vector<8x1024xi32>
      %eq3A_554 = arith.constant 0 : i32
      %eq3A_555 = vector.broadcast %eq3A_554 : i32 to vector<8x1024xi32>
      %eq3A_556 = arith.cmpi eq, %and3A_553, %eq3A_555 : vector<8x1024xi32>
      %and3A_557 = arith.constant 32 : i32
      %and3A_558 = vector.broadcast %and3A_557 : i32 to vector<8x1024xi32>
      %and3A_559 = arith.andi %iota3A, %and3A_558 : vector<8x1024xi32>
      %ne3A_560 = arith.constant 0 : i32
      %ne3A_561 = vector.broadcast %ne3A_560 : i32 to vector<8x1024xi32>
      %ne3A_562 = arith.cmpi ne, %and3A_559, %ne3A_561 : vector<8x1024xi32>
      %slice3A_563 = vector.extract_strided_slice %select_n3A_549 {offsets = [0, 992], sizes = [8, 32], strides = [1, 1]} : vector<8x1024xi32> to vector<8x32xi32>
      %slice3A_564 = vector.extract_strided_slice %select_n3A_549 {offsets = [0, 0], sizes = [8, 992], strides = [1, 1]} : vector<8x1024xi32> to vector<8x992xi32>
      %concatenate3A_565 = tpu.concatenate %slice3A_563, %slice3A_564 in 1 : vector<8x32xi32>, vector<8x992xi32> -> vector<8x1024xi32>
      %slice3A_566 = vector.extract_strided_slice %select_n3A_549 {offsets = [0, 32], sizes = [8, 992], strides = [1, 1]} : vector<8x1024xi32> to vector<8x992xi32>
      %slice3A_567 = vector.extract_strided_slice %select_n3A_549 {offsets = [0, 0], sizes = [8, 32], strides = [1, 1]} : vector<8x1024xi32> to vector<8x32xi32>
      %concatenate3A_568 = tpu.concatenate %slice3A_566, %slice3A_567 in 1 : vector<8x992xi32>, vector<8x32xi32> -> vector<8x1024xi32>
      %select_n3A_569 = arith.select %ne3A_562, %concatenate3A_565, %concatenate3A_568 : vector<8x1024xi1>, vector<8x1024xi32>
      %slice3A_570 = vector.extract_strided_slice %select_n3A_550 {offsets = [0, 992], sizes = [8, 32], strides = [1, 1]} : vector<8x1024xi32> to vector<8x32xi32>
      %slice3A_571 = vector.extract_strided_slice %select_n3A_550 {offsets = [0, 0], sizes = [8, 992], strides = [1, 1]} : vector<8x1024xi32> to vector<8x992xi32>
      %concatenate3A_572 = tpu.concatenate %slice3A_570, %slice3A_571 in 1 : vector<8x32xi32>, vector<8x992xi32> -> vector<8x1024xi32>
      %slice3A_573 = vector.extract_strided_slice %select_n3A_550 {offsets = [0, 32], sizes = [8, 992], strides = [1, 1]} : vector<8x1024xi32> to vector<8x992xi32>
      %slice3A_574 = vector.extract_strided_slice %select_n3A_550 {offsets = [0, 0], sizes = [8, 32], strides = [1, 1]} : vector<8x1024xi32> to vector<8x32xi32>
      %concatenate3A_575 = tpu.concatenate %slice3A_573, %slice3A_574 in 1 : vector<8x992xi32>, vector<8x32xi32> -> vector<8x1024xi32>
      %select_n3A_576 = arith.select %ne3A_562, %concatenate3A_572, %concatenate3A_575 : vector<8x1024xi1>, vector<8x1024xi32>
      %gt3A_577 = arith.cmpi sgt, %select_n3A_549, %select_n3A_569 : vector<8x1024xi32>
      %eq3A_578 = arith.cmpi eq, %select_n3A_549, %select_n3A_569 : vector<8x1024xi32>
      %lt3A_579 = arith.cmpi slt, %select_n3A_550, %select_n3A_576 : vector<8x1024xi32>
      %and3A_580 = arith.andi %eq3A_578, %lt3A_579 : vector<8x1024xi1>
      %or3A_581 = arith.ori %gt3A_577, %and3A_580 : vector<8x1024xi1>
      %xor3A_582 = arith.xori %or3A_581, %eq3A_556 : vector<8x1024xi1>
      %not3A_583 = arith.constant dense<true> : vector<8x1024xi1>
      %not3A_584 = arith.xori %ne3A_562, %not3A_583 : vector<8x1024xi1>
      %xor3A_585 = arith.xori %xor3A_582, %not3A_584 : vector<8x1024xi1>
      %select_n3A_586 = arith.select %xor3A_585, %select_n3A_549, %select_n3A_569 : vector<8x1024xi1>, vector<8x1024xi32>
      %select_n3A_587 = arith.select %xor3A_585, %select_n3A_550, %select_n3A_576 : vector<8x1024xi1>, vector<8x1024xi32>
      %and3A_588 = arith.constant 16 : i32
      %and3A_589 = vector.broadcast %and3A_588 : i32 to vector<8x1024xi32>
      %and3A_590 = arith.andi %iota3A, %and3A_589 : vector<8x1024xi32>
      %ne3A_591 = arith.constant 0 : i32
      %ne3A_592 = vector.broadcast %ne3A_591 : i32 to vector<8x1024xi32>
      %ne3A_593 = arith.cmpi ne, %and3A_590, %ne3A_592 : vector<8x1024xi32>
      %slice3A_594 = vector.extract_strided_slice %select_n3A_586 {offsets = [0, 1008], sizes = [8, 16], strides = [1, 1]} : vector<8x1024xi32> to vector<8x16xi32>
      %slice3A_595 = vector.extract_strided_slice %select_n3A_586 {offsets = [0, 0], sizes = [8, 1008], strides = [1, 1]} : vector<8x1024xi32> to vector<8x1008xi32>
      %concatenate3A_596 = tpu.concatenate %slice3A_594, %slice3A_595 in 1 : vector<8x16xi32>, vector<8x1008xi32> -> vector<8x1024xi32>
      %slice3A_597 = vector.extract_strided_slice %select_n3A_586 {offsets = [0, 16], sizes = [8, 1008], strides = [1, 1]} : vector<8x1024xi32> to vector<8x1008xi32>
      %slice3A_598 = vector.extract_strided_slice %select_n3A_586 {offsets = [0, 0], sizes = [8, 16], strides = [1, 1]} : vector<8x1024xi32> to vector<8x16xi32>
      %concatenate3A_599 = tpu.concatenate %slice3A_597, %slice3A_598 in 1 : vector<8x1008xi32>, vector<8x16xi32> -> vector<8x1024xi32>
      %select_n3A_600 = arith.select %ne3A_593, %concatenate3A_596, %concatenate3A_599 : vector<8x1024xi1>, vector<8x1024xi32>
      %slice3A_601 = vector.extract_strided_slice %select_n3A_587 {offsets = [0, 1008], sizes = [8, 16], strides = [1, 1]} : vector<8x1024xi32> to vector<8x16xi32>
      %slice3A_602 = vector.extract_strided_slice %select_n3A_587 {offsets = [0, 0], sizes = [8, 1008], strides = [1, 1]} : vector<8x1024xi32> to vector<8x1008xi32>
      %concatenate3A_603 = tpu.concatenate %slice3A_601, %slice3A_602 in 1 : vector<8x16xi32>, vector<8x1008xi32> -> vector<8x1024xi32>
      %slice3A_604 = vector.extract_strided_slice %select_n3A_587 {offsets = [0, 16], sizes = [8, 1008], strides = [1, 1]} : vector<8x1024xi32> to vector<8x1008xi32>
      %slice3A_605 = vector.extract_strided_slice %select_n3A_587 {offsets = [0, 0], sizes = [8, 16], strides = [1, 1]} : vector<8x1024xi32> to vector<8x16xi32>
      %concatenate3A_606 = tpu.concatenate %slice3A_604, %slice3A_605 in 1 : vector<8x1008xi32>, vector<8x16xi32> -> vector<8x1024xi32>
      %select_n3A_607 = arith.select %ne3A_593, %concatenate3A_603, %concatenate3A_606 : vector<8x1024xi1>, vector<8x1024xi32>
      %gt3A_608 = arith.cmpi sgt, %select_n3A_586, %select_n3A_600 : vector<8x1024xi32>
      %eq3A_609 = arith.cmpi eq, %select_n3A_586, %select_n3A_600 : vector<8x1024xi32>
      %lt3A_610 = arith.cmpi slt, %select_n3A_587, %select_n3A_607 : vector<8x1024xi32>
      %and3A_611 = arith.andi %eq3A_609, %lt3A_610 : vector<8x1024xi1>
      %or3A_612 = arith.ori %gt3A_608, %and3A_611 : vector<8x1024xi1>
      %xor3A_613 = arith.xori %or3A_612, %eq3A_556 : vector<8x1024xi1>
      %not3A_614 = arith.constant dense<true> : vector<8x1024xi1>
      %not3A_615 = arith.xori %ne3A_593, %not3A_614 : vector<8x1024xi1>
      %xor3A_616 = arith.xori %xor3A_613, %not3A_615 : vector<8x1024xi1>
      %select_n3A_617 = arith.select %xor3A_616, %select_n3A_586, %select_n3A_600 : vector<8x1024xi1>, vector<8x1024xi32>
      %select_n3A_618 = arith.select %xor3A_616, %select_n3A_587, %select_n3A_607 : vector<8x1024xi1>, vector<8x1024xi32>
      %and3A_619 = arith.constant 8 : i32
      %and3A_620 = vector.broadcast %and3A_619 : i32 to vector<8x1024xi32>
      %and3A_621 = arith.andi %iota3A, %and3A_620 : vector<8x1024xi32>
      %ne3A_622 = arith.constant 0 : i32
      %ne3A_623 = vector.broadcast %ne3A_622 : i32 to vector<8x1024xi32>
      %ne3A_624 = arith.cmpi ne, %and3A_621, %ne3A_623 : vector<8x1024xi32>
      %slice3A_625 = vector.extract_strided_slice %select_n3A_617 {offsets = [0, 1016], sizes = [8, 8], strides = [1, 1]} : vector<8x1024xi32> to vector<8x8xi32>
      %slice3A_626 = vector.extract_strided_slice %select_n3A_617 {offsets = [0, 0], sizes = [8, 1016], strides = [1, 1]} : vector<8x1024xi32> to vector<8x1016xi32>
      %concatenate3A_627 = tpu.concatenate %slice3A_625, %slice3A_626 in 1 : vector<8x8xi32>, vector<8x1016xi32> -> vector<8x1024xi32>
      %slice3A_628 = vector.extract_strided_slice %select_n3A_617 {offsets = [0, 8], sizes = [8, 1016], strides = [1, 1]} : vector<8x1024xi32> to vector<8x1016xi32>
      %slice3A_629 = vector.extract_strided_slice %select_n3A_617 {offsets = [0, 0], sizes = [8, 8], strides = [1, 1]} : vector<8x1024xi32> to vector<8x8xi32>
      %concatenate3A_630 = tpu.concatenate %slice3A_628, %slice3A_629 in 1 : vector<8x1016xi32>, vector<8x8xi32> -> vector<8x1024xi32>
      %select_n3A_631 = arith.select %ne3A_624, %concatenate3A_627, %concatenate3A_630 : vector<8x1024xi1>, vector<8x1024xi32>
      %slice3A_632 = vector.extract_strided_slice %select_n3A_618 {offsets = [0, 1016], sizes = [8, 8], strides = [1, 1]} : vector<8x1024xi32> to vector<8x8xi32>
      %slice3A_633 = vector.extract_strided_slice %select_n3A_618 {offsets = [0, 0], sizes = [8, 1016], strides = [1, 1]} : vector<8x1024xi32> to vector<8x1016xi32>
      %concatenate3A_634 = tpu.concatenate %slice3A_632, %slice3A_633 in 1 : vector<8x8xi32>, vector<8x1016xi32> -> vector<8x1024xi32>
      %slice3A_635 = vector.extract_strided_slice %select_n3A_618 {offsets = [0, 8], sizes = [8, 1016], strides = [1, 1]} : vector<8x1024xi32> to vector<8x1016xi32>
      %slice3A_636 = vector.extract_strided_slice %select_n3A_618 {offsets = [0, 0], sizes = [8, 8], strides = [1, 1]} : vector<8x1024xi32> to vector<8x8xi32>
      %concatenate3A_637 = tpu.concatenate %slice3A_635, %slice3A_636 in 1 : vector<8x1016xi32>, vector<8x8xi32> -> vector<8x1024xi32>
      %select_n3A_638 = arith.select %ne3A_624, %concatenate3A_634, %concatenate3A_637 : vector<8x1024xi1>, vector<8x1024xi32>
      %gt3A_639 = arith.cmpi sgt, %select_n3A_617, %select_n3A_631 : vector<8x1024xi32>
      %eq3A_640 = arith.cmpi eq, %select_n3A_617, %select_n3A_631 : vector<8x1024xi32>
      %lt3A_641 = arith.cmpi slt, %select_n3A_618, %select_n3A_638 : vector<8x1024xi32>
      %and3A_642 = arith.andi %eq3A_640, %lt3A_641 : vector<8x1024xi1>
      %or3A_643 = arith.ori %gt3A_639, %and3A_642 : vector<8x1024xi1>
      %xor3A_644 = arith.xori %or3A_643, %eq3A_556 : vector<8x1024xi1>
      %not3A_645 = arith.constant dense<true> : vector<8x1024xi1>
      %not3A_646 = arith.xori %ne3A_624, %not3A_645 : vector<8x1024xi1>
      %xor3A_647 = arith.xori %xor3A_644, %not3A_646 : vector<8x1024xi1>
      %select_n3A_648 = arith.select %xor3A_647, %select_n3A_617, %select_n3A_631 : vector<8x1024xi1>, vector<8x1024xi32>
      %select_n3A_649 = arith.select %xor3A_647, %select_n3A_618, %select_n3A_638 : vector<8x1024xi1>, vector<8x1024xi32>
      %and3A_650 = arith.constant 4 : i32
      %and3A_651 = vector.broadcast %and3A_650 : i32 to vector<8x1024xi32>
      %and3A_652 = arith.andi %iota3A, %and3A_651 : vector<8x1024xi32>
      %ne3A_653 = arith.constant 0 : i32
      %ne3A_654 = vector.broadcast %ne3A_653 : i32 to vector<8x1024xi32>
      %ne3A_655 = arith.cmpi ne, %and3A_652, %ne3A_654 : vector<8x1024xi32>
      %slice3A_656 = vector.extract_strided_slice %select_n3A_648 {offsets = [0, 1020], sizes = [8, 4], strides = [1, 1]} : vector<8x1024xi32> to vector<8x4xi32>
      %slice3A_657 = vector.extract_strided_slice %select_n3A_648 {offsets = [0, 0], sizes = [8, 1020], strides = [1, 1]} : vector<8x1024xi32> to vector<8x1020xi32>
      %concatenate3A_658 = tpu.concatenate %slice3A_656, %slice3A_657 in 1 : vector<8x4xi32>, vector<8x1020xi32> -> vector<8x1024xi32>
      %slice3A_659 = vector.extract_strided_slice %select_n3A_648 {offsets = [0, 4], sizes = [8, 1020], strides = [1, 1]} : vector<8x1024xi32> to vector<8x1020xi32>
      %slice3A_660 = vector.extract_strided_slice %select_n3A_648 {offsets = [0, 0], sizes = [8, 4], strides = [1, 1]} : vector<8x1024xi32> to vector<8x4xi32>
      %concatenate3A_661 = tpu.concatenate %slice3A_659, %slice3A_660 in 1 : vector<8x1020xi32>, vector<8x4xi32> -> vector<8x1024xi32>
      %select_n3A_662 = arith.select %ne3A_655, %concatenate3A_658, %concatenate3A_661 : vector<8x1024xi1>, vector<8x1024xi32>
      %slice3A_663 = vector.extract_strided_slice %select_n3A_649 {offsets = [0, 1020], sizes = [8, 4], strides = [1, 1]} : vector<8x1024xi32> to vector<8x4xi32>
      %slice3A_664 = vector.extract_strided_slice %select_n3A_649 {offsets = [0, 0], sizes = [8, 1020], strides = [1, 1]} : vector<8x1024xi32> to vector<8x1020xi32>
      %concatenate3A_665 = tpu.concatenate %slice3A_663, %slice3A_664 in 1 : vector<8x4xi32>, vector<8x1020xi32> -> vector<8x1024xi32>
      %slice3A_666 = vector.extract_strided_slice %select_n3A_649 {offsets = [0, 4], sizes = [8, 1020], strides = [1, 1]} : vector<8x1024xi32> to vector<8x1020xi32>
      %slice3A_667 = vector.extract_strided_slice %select_n3A_649 {offsets = [0, 0], sizes = [8, 4], strides = [1, 1]} : vector<8x1024xi32> to vector<8x4xi32>
      %concatenate3A_668 = tpu.concatenate %slice3A_666, %slice3A_667 in 1 : vector<8x1020xi32>, vector<8x4xi32> -> vector<8x1024xi32>
      %select_n3A_669 = arith.select %ne3A_655, %concatenate3A_665, %concatenate3A_668 : vector<8x1024xi1>, vector<8x1024xi32>
      %gt3A_670 = arith.cmpi sgt, %select_n3A_648, %select_n3A_662 : vector<8x1024xi32>
      %eq3A_671 = arith.cmpi eq, %select_n3A_648, %select_n3A_662 : vector<8x1024xi32>
      %lt3A_672 = arith.cmpi slt, %select_n3A_649, %select_n3A_669 : vector<8x1024xi32>
      %and3A_673 = arith.andi %eq3A_671, %lt3A_672 : vector<8x1024xi1>
      %or3A_674 = arith.ori %gt3A_670, %and3A_673 : vector<8x1024xi1>
      %xor3A_675 = arith.xori %or3A_674, %eq3A_556 : vector<8x1024xi1>
      %not3A_676 = arith.constant dense<true> : vector<8x1024xi1>
      %not3A_677 = arith.xori %ne3A_655, %not3A_676 : vector<8x1024xi1>
      %xor3A_678 = arith.xori %xor3A_675, %not3A_677 : vector<8x1024xi1>
      %select_n3A_679 = arith.select %xor3A_678, %select_n3A_648, %select_n3A_662 : vector<8x1024xi1>, vector<8x1024xi32>
      %select_n3A_680 = arith.select %xor3A_678, %select_n3A_649, %select_n3A_669 : vector<8x1024xi1>, vector<8x1024xi32>
      %and3A_681 = arith.constant 2 : i32
      %and3A_682 = vector.broadcast %and3A_681 : i32 to vector<8x1024xi32>
      %and3A_683 = arith.andi %iota3A, %and3A_682 : vector<8x1024xi32>
      %ne3A_684 = arith.constant 0 : i32
      %ne3A_685 = vector.broadcast %ne3A_684 : i32 to vector<8x1024xi32>
      %ne3A_686 = arith.cmpi ne, %and3A_683, %ne3A_685 : vector<8x1024xi32>
      %slice3A_687 = vector.extract_strided_slice %select_n3A_679 {offsets = [0, 1022], sizes = [8, 2], strides = [1, 1]} : vector<8x1024xi32> to vector<8x2xi32>
      %slice3A_688 = vector.extract_strided_slice %select_n3A_679 {offsets = [0, 0], sizes = [8, 1022], strides = [1, 1]} : vector<8x1024xi32> to vector<8x1022xi32>
      %concatenate3A_689 = tpu.concatenate %slice3A_687, %slice3A_688 in 1 : vector<8x2xi32>, vector<8x1022xi32> -> vector<8x1024xi32>
      %slice3A_690 = vector.extract_strided_slice %select_n3A_679 {offsets = [0, 2], sizes = [8, 1022], strides = [1, 1]} : vector<8x1024xi32> to vector<8x1022xi32>
      %slice3A_691 = vector.extract_strided_slice %select_n3A_679 {offsets = [0, 0], sizes = [8, 2], strides = [1, 1]} : vector<8x1024xi32> to vector<8x2xi32>
      %concatenate3A_692 = tpu.concatenate %slice3A_690, %slice3A_691 in 1 : vector<8x1022xi32>, vector<8x2xi32> -> vector<8x1024xi32>
      %select_n3A_693 = arith.select %ne3A_686, %concatenate3A_689, %concatenate3A_692 : vector<8x1024xi1>, vector<8x1024xi32>
      %slice3A_694 = vector.extract_strided_slice %select_n3A_680 {offsets = [0, 1022], sizes = [8, 2], strides = [1, 1]} : vector<8x1024xi32> to vector<8x2xi32>
      %slice3A_695 = vector.extract_strided_slice %select_n3A_680 {offsets = [0, 0], sizes = [8, 1022], strides = [1, 1]} : vector<8x1024xi32> to vector<8x1022xi32>
      %concatenate3A_696 = tpu.concatenate %slice3A_694, %slice3A_695 in 1 : vector<8x2xi32>, vector<8x1022xi32> -> vector<8x1024xi32>
      %slice3A_697 = vector.extract_strided_slice %select_n3A_680 {offsets = [0, 2], sizes = [8, 1022], strides = [1, 1]} : vector<8x1024xi32> to vector<8x1022xi32>
      %slice3A_698 = vector.extract_strided_slice %select_n3A_680 {offsets = [0, 0], sizes = [8, 2], strides = [1, 1]} : vector<8x1024xi32> to vector<8x2xi32>
      %concatenate3A_699 = tpu.concatenate %slice3A_697, %slice3A_698 in 1 : vector<8x1022xi32>, vector<8x2xi32> -> vector<8x1024xi32>
      %select_n3A_700 = arith.select %ne3A_686, %concatenate3A_696, %concatenate3A_699 : vector<8x1024xi1>, vector<8x1024xi32>
      %gt3A_701 = arith.cmpi sgt, %select_n3A_679, %select_n3A_693 : vector<8x1024xi32>
      %eq3A_702 = arith.cmpi eq, %select_n3A_679, %select_n3A_693 : vector<8x1024xi32>
      %lt3A_703 = arith.cmpi slt, %select_n3A_680, %select_n3A_700 : vector<8x1024xi32>
      %and3A_704 = arith.andi %eq3A_702, %lt3A_703 : vector<8x1024xi1>
      %or3A_705 = arith.ori %gt3A_701, %and3A_704 : vector<8x1024xi1>
      %xor3A_706 = arith.xori %or3A_705, %eq3A_556 : vector<8x1024xi1>
      %not3A_707 = arith.constant dense<true> : vector<8x1024xi1>
      %not3A_708 = arith.xori %ne3A_686, %not3A_707 : vector<8x1024xi1>
      %xor3A_709 = arith.xori %xor3A_706, %not3A_708 : vector<8x1024xi1>
      %select_n3A_710 = arith.select %xor3A_709, %select_n3A_679, %select_n3A_693 : vector<8x1024xi1>, vector<8x1024xi32>
      %select_n3A_711 = arith.select %xor3A_709, %select_n3A_680, %select_n3A_700 : vector<8x1024xi1>, vector<8x1024xi32>
      %and3A_712 = arith.constant 1 : i32
      %and3A_713 = vector.broadcast %and3A_712 : i32 to vector<8x1024xi32>
      %and3A_714 = arith.andi %iota3A, %and3A_713 : vector<8x1024xi32>
      %ne3A_715 = arith.constant 0 : i32
      %ne3A_716 = vector.broadcast %ne3A_715 : i32 to vector<8x1024xi32>
      %ne3A_717 = arith.cmpi ne, %and3A_714, %ne3A_716 : vector<8x1024xi32>
      %slice3A_718 = vector.extract_strided_slice %select_n3A_710 {offsets = [0, 1023], sizes = [8, 1], strides = [1, 1]} : vector<8x1024xi32> to vector<8x1xi32>
      %slice3A_719 = vector.extract_strided_slice %select_n3A_710 {offsets = [0, 0], sizes = [8, 1023], strides = [1, 1]} : vector<8x1024xi32> to vector<8x1023xi32>
      %concatenate3A_720 = tpu.concatenate %slice3A_718, %slice3A_719 in 1 : vector<8x1xi32>, vector<8x1023xi32> -> vector<8x1024xi32>
      %slice3A_721 = vector.extract_strided_slice %select_n3A_710 {offsets = [0, 1], sizes = [8, 1023], strides = [1, 1]} : vector<8x1024xi32> to vector<8x1023xi32>
      %slice3A_722 = vector.extract_strided_slice %select_n3A_710 {offsets = [0, 0], sizes = [8, 1], strides = [1, 1]} : vector<8x1024xi32> to vector<8x1xi32>
      %concatenate3A_723 = tpu.concatenate %slice3A_721, %slice3A_722 in 1 : vector<8x1023xi32>, vector<8x1xi32> -> vector<8x1024xi32>
      %select_n3A_724 = arith.select %ne3A_717, %concatenate3A_720, %concatenate3A_723 : vector<8x1024xi1>, vector<8x1024xi32>
      %slice3A_725 = vector.extract_strided_slice %select_n3A_711 {offsets = [0, 1023], sizes = [8, 1], strides = [1, 1]} : vector<8x1024xi32> to vector<8x1xi32>
      %slice3A_726 = vector.extract_strided_slice %select_n3A_711 {offsets = [0, 0], sizes = [8, 1023], strides = [1, 1]} : vector<8x1024xi32> to vector<8x1023xi32>
      %concatenate3A_727 = tpu.concatenate %slice3A_725, %slice3A_726 in 1 : vector<8x1xi32>, vector<8x1023xi32> -> vector<8x1024xi32>
      %slice3A_728 = vector.extract_strided_slice %select_n3A_711 {offsets = [0, 1], sizes = [8, 1023], strides = [1, 1]} : vector<8x1024xi32> to vector<8x1023xi32>
      %slice3A_729 = vector.extract_strided_slice %select_n3A_711 {offsets = [0, 0], sizes = [8, 1], strides = [1, 1]} : vector<8x1024xi32> to vector<8x1xi32>
      %concatenate3A_730 = tpu.concatenate %slice3A_728, %slice3A_729 in 1 : vector<8x1023xi32>, vector<8x1xi32> -> vector<8x1024xi32>
      %select_n3A_731 = arith.select %ne3A_717, %concatenate3A_727, %concatenate3A_730 : vector<8x1024xi1>, vector<8x1024xi32>
      %gt3A_732 = arith.cmpi sgt, %select_n3A_710, %select_n3A_724 : vector<8x1024xi32>
      %eq3A_733 = arith.cmpi eq, %select_n3A_710, %select_n3A_724 : vector<8x1024xi32>
      %lt3A_734 = arith.cmpi slt, %select_n3A_711, %select_n3A_731 : vector<8x1024xi32>
      %and3A_735 = arith.andi %eq3A_733, %lt3A_734 : vector<8x1024xi1>
      %or3A_736 = arith.ori %gt3A_732, %and3A_735 : vector<8x1024xi1>
      %xor3A_737 = arith.xori %or3A_736, %eq3A_556 : vector<8x1024xi1>
      %not3A_738 = arith.constant dense<true> : vector<8x1024xi1>
      %not3A_739 = arith.xori %ne3A_717, %not3A_738 : vector<8x1024xi1>
      %xor3A_740 = arith.xori %xor3A_737, %not3A_739 : vector<8x1024xi1>
      %select_n3A_741 = arith.select %xor3A_740, %select_n3A_710, %select_n3A_724 : vector<8x1024xi1>, vector<8x1024xi32>
      %select_n3A_742 = arith.select %xor3A_740, %select_n3A_711, %select_n3A_731 : vector<8x1024xi1>, vector<8x1024xi32>
      %and3A_743 = arith.constant 128 : i32
      %and3A_744 = vector.broadcast %and3A_743 : i32 to vector<8x1024xi32>
      %and3A_745 = arith.andi %iota3A, %and3A_744 : vector<8x1024xi32>
      %eq3A_746 = arith.constant 0 : i32
      %eq3A_747 = vector.broadcast %eq3A_746 : i32 to vector<8x1024xi32>
      %eq3A_748 = arith.cmpi eq, %and3A_745, %eq3A_747 : vector<8x1024xi32>
      %and3A_749 = arith.constant 64 : i32
      %and3A_750 = vector.broadcast %and3A_749 : i32 to vector<8x1024xi32>
      %and3A_751 = arith.andi %iota3A, %and3A_750 : vector<8x1024xi32>
      %ne3A_752 = arith.constant 0 : i32
      %ne3A_753 = vector.broadcast %ne3A_752 : i32 to vector<8x1024xi32>
      %ne3A_754 = arith.cmpi ne, %and3A_751, %ne3A_753 : vector<8x1024xi32>
      %slice3A_755 = vector.extract_strided_slice %select_n3A_741 {offsets = [0, 960], sizes = [8, 64], strides = [1, 1]} : vector<8x1024xi32> to vector<8x64xi32>
      %slice3A_756 = vector.extract_strided_slice %select_n3A_741 {offsets = [0, 0], sizes = [8, 960], strides = [1, 1]} : vector<8x1024xi32> to vector<8x960xi32>
      %concatenate3A_757 = tpu.concatenate %slice3A_755, %slice3A_756 in 1 : vector<8x64xi32>, vector<8x960xi32> -> vector<8x1024xi32>
      %slice3A_758 = vector.extract_strided_slice %select_n3A_741 {offsets = [0, 64], sizes = [8, 960], strides = [1, 1]} : vector<8x1024xi32> to vector<8x960xi32>
      %slice3A_759 = vector.extract_strided_slice %select_n3A_741 {offsets = [0, 0], sizes = [8, 64], strides = [1, 1]} : vector<8x1024xi32> to vector<8x64xi32>
      %concatenate3A_760 = tpu.concatenate %slice3A_758, %slice3A_759 in 1 : vector<8x960xi32>, vector<8x64xi32> -> vector<8x1024xi32>
      %select_n3A_761 = arith.select %ne3A_754, %concatenate3A_757, %concatenate3A_760 : vector<8x1024xi1>, vector<8x1024xi32>
      %slice3A_762 = vector.extract_strided_slice %select_n3A_742 {offsets = [0, 960], sizes = [8, 64], strides = [1, 1]} : vector<8x1024xi32> to vector<8x64xi32>
      %slice3A_763 = vector.extract_strided_slice %select_n3A_742 {offsets = [0, 0], sizes = [8, 960], strides = [1, 1]} : vector<8x1024xi32> to vector<8x960xi32>
      %concatenate3A_764 = tpu.concatenate %slice3A_762, %slice3A_763 in 1 : vector<8x64xi32>, vector<8x960xi32> -> vector<8x1024xi32>
      %slice3A_765 = vector.extract_strided_slice %select_n3A_742 {offsets = [0, 64], sizes = [8, 960], strides = [1, 1]} : vector<8x1024xi32> to vector<8x960xi32>
      %slice3A_766 = vector.extract_strided_slice %select_n3A_742 {offsets = [0, 0], sizes = [8, 64], strides = [1, 1]} : vector<8x1024xi32> to vector<8x64xi32>
      %concatenate3A_767 = tpu.concatenate %slice3A_765, %slice3A_766 in 1 : vector<8x960xi32>, vector<8x64xi32> -> vector<8x1024xi32>
      %select_n3A_768 = arith.select %ne3A_754, %concatenate3A_764, %concatenate3A_767 : vector<8x1024xi1>, vector<8x1024xi32>
      %gt3A_769 = arith.cmpi sgt, %select_n3A_741, %select_n3A_761 : vector<8x1024xi32>
      %eq3A_770 = arith.cmpi eq, %select_n3A_741, %select_n3A_761 : vector<8x1024xi32>
      %lt3A_771 = arith.cmpi slt, %select_n3A_742, %select_n3A_768 : vector<8x1024xi32>
      %and3A_772 = arith.andi %eq3A_770, %lt3A_771 : vector<8x1024xi1>
      %or3A_773 = arith.ori %gt3A_769, %and3A_772 : vector<8x1024xi1>
      %xor3A_774 = arith.xori %or3A_773, %eq3A_748 : vector<8x1024xi1>
      %not3A_775 = arith.constant dense<true> : vector<8x1024xi1>
      %not3A_776 = arith.xori %ne3A_754, %not3A_775 : vector<8x1024xi1>
      %xor3A_777 = arith.xori %xor3A_774, %not3A_776 : vector<8x1024xi1>
      %select_n3A_778 = arith.select %xor3A_777, %select_n3A_741, %select_n3A_761 : vector<8x1024xi1>, vector<8x1024xi32>
      %select_n3A_779 = arith.select %xor3A_777, %select_n3A_742, %select_n3A_768 : vector<8x1024xi1>, vector<8x1024xi32>
      %and3A_780 = arith.constant 32 : i32
      %and3A_781 = vector.broadcast %and3A_780 : i32 to vector<8x1024xi32>
      %and3A_782 = arith.andi %iota3A, %and3A_781 : vector<8x1024xi32>
      %ne3A_783 = arith.constant 0 : i32
      %ne3A_784 = vector.broadcast %ne3A_783 : i32 to vector<8x1024xi32>
      %ne3A_785 = arith.cmpi ne, %and3A_782, %ne3A_784 : vector<8x1024xi32>
      %slice3A_786 = vector.extract_strided_slice %select_n3A_778 {offsets = [0, 992], sizes = [8, 32], strides = [1, 1]} : vector<8x1024xi32> to vector<8x32xi32>
      %slice3A_787 = vector.extract_strided_slice %select_n3A_778 {offsets = [0, 0], sizes = [8, 992], strides = [1, 1]} : vector<8x1024xi32> to vector<8x992xi32>
      %concatenate3A_788 = tpu.concatenate %slice3A_786, %slice3A_787 in 1 : vector<8x32xi32>, vector<8x992xi32> -> vector<8x1024xi32>
      %slice3A_789 = vector.extract_strided_slice %select_n3A_778 {offsets = [0, 32], sizes = [8, 992], strides = [1, 1]} : vector<8x1024xi32> to vector<8x992xi32>
      %slice3A_790 = vector.extract_strided_slice %select_n3A_778 {offsets = [0, 0], sizes = [8, 32], strides = [1, 1]} : vector<8x1024xi32> to vector<8x32xi32>
      %concatenate3A_791 = tpu.concatenate %slice3A_789, %slice3A_790 in 1 : vector<8x992xi32>, vector<8x32xi32> -> vector<8x1024xi32>
      %select_n3A_792 = arith.select %ne3A_785, %concatenate3A_788, %concatenate3A_791 : vector<8x1024xi1>, vector<8x1024xi32>
      %slice3A_793 = vector.extract_strided_slice %select_n3A_779 {offsets = [0, 992], sizes = [8, 32], strides = [1, 1]} : vector<8x1024xi32> to vector<8x32xi32>
      %slice3A_794 = vector.extract_strided_slice %select_n3A_779 {offsets = [0, 0], sizes = [8, 992], strides = [1, 1]} : vector<8x1024xi32> to vector<8x992xi32>
      %concatenate3A_795 = tpu.concatenate %slice3A_793, %slice3A_794 in 1 : vector<8x32xi32>, vector<8x992xi32> -> vector<8x1024xi32>
      %slice3A_796 = vector.extract_strided_slice %select_n3A_779 {offsets = [0, 32], sizes = [8, 992], strides = [1, 1]} : vector<8x1024xi32> to vector<8x992xi32>
      %slice3A_797 = vector.extract_strided_slice %select_n3A_779 {offsets = [0, 0], sizes = [8, 32], strides = [1, 1]} : vector<8x1024xi32> to vector<8x32xi32>
      %concatenate3A_798 = tpu.concatenate %slice3A_796, %slice3A_797 in 1 : vector<8x992xi32>, vector<8x32xi32> -> vector<8x1024xi32>
      %select_n3A_799 = arith.select %ne3A_785, %concatenate3A_795, %concatenate3A_798 : vector<8x1024xi1>, vector<8x1024xi32>
      %gt3A_800 = arith.cmpi sgt, %select_n3A_778, %select_n3A_792 : vector<8x1024xi32>
      %eq3A_801 = arith.cmpi eq, %select_n3A_778, %select_n3A_792 : vector<8x1024xi32>
      %lt3A_802 = arith.cmpi slt, %select_n3A_779, %select_n3A_799 : vector<8x1024xi32>
      %and3A_803 = arith.andi %eq3A_801, %lt3A_802 : vector<8x1024xi1>
      %or3A_804 = arith.ori %gt3A_800, %and3A_803 : vector<8x1024xi1>
      %xor3A_805 = arith.xori %or3A_804, %eq3A_748 : vector<8x1024xi1>
      %not3A_806 = arith.constant dense<true> : vector<8x1024xi1>
      %not3A_807 = arith.xori %ne3A_785, %not3A_806 : vector<8x1024xi1>
      %xor3A_808 = arith.xori %xor3A_805, %not3A_807 : vector<8x1024xi1>
      %select_n3A_809 = arith.select %xor3A_808, %select_n3A_778, %select_n3A_792 : vector<8x1024xi1>, vector<8x1024xi32>
      %select_n3A_810 = arith.select %xor3A_808, %select_n3A_779, %select_n3A_799 : vector<8x1024xi1>, vector<8x1024xi32>
      %and3A_811 = arith.constant 16 : i32
      %and3A_812 = vector.broadcast %and3A_811 : i32 to vector<8x1024xi32>
      %and3A_813 = arith.andi %iota3A, %and3A_812 : vector<8x1024xi32>
      %ne3A_814 = arith.constant 0 : i32
      %ne3A_815 = vector.broadcast %ne3A_814 : i32 to vector<8x1024xi32>
      %ne3A_816 = arith.cmpi ne, %and3A_813, %ne3A_815 : vector<8x1024xi32>
      %slice3A_817 = vector.extract_strided_slice %select_n3A_809 {offsets = [0, 1008], sizes = [8, 16], strides = [1, 1]} : vector<8x1024xi32> to vector<8x16xi32>
      %slice3A_818 = vector.extract_strided_slice %select_n3A_809 {offsets = [0, 0], sizes = [8, 1008], strides = [1, 1]} : vector<8x1024xi32> to vector<8x1008xi32>
      %concatenate3A_819 = tpu.concatenate %slice3A_817, %slice3A_818 in 1 : vector<8x16xi32>, vector<8x1008xi32> -> vector<8x1024xi32>
      %slice3A_820 = vector.extract_strided_slice %select_n3A_809 {offsets = [0, 16], sizes = [8, 1008], strides = [1, 1]} : vector<8x1024xi32> to vector<8x1008xi32>
      %slice3A_821 = vector.extract_strided_slice %select_n3A_809 {offsets = [0, 0], sizes = [8, 16], strides = [1, 1]} : vector<8x1024xi32> to vector<8x16xi32>
      %concatenate3A_822 = tpu.concatenate %slice3A_820, %slice3A_821 in 1 : vector<8x1008xi32>, vector<8x16xi32> -> vector<8x1024xi32>
      %select_n3A_823 = arith.select %ne3A_816, %concatenate3A_819, %concatenate3A_822 : vector<8x1024xi1>, vector<8x1024xi32>
      %slice3A_824 = vector.extract_strided_slice %select_n3A_810 {offsets = [0, 1008], sizes = [8, 16], strides = [1, 1]} : vector<8x1024xi32> to vector<8x16xi32>
      %slice3A_825 = vector.extract_strided_slice %select_n3A_810 {offsets = [0, 0], sizes = [8, 1008], strides = [1, 1]} : vector<8x1024xi32> to vector<8x1008xi32>
      %concatenate3A_826 = tpu.concatenate %slice3A_824, %slice3A_825 in 1 : vector<8x16xi32>, vector<8x1008xi32> -> vector<8x1024xi32>
      %slice3A_827 = vector.extract_strided_slice %select_n3A_810 {offsets = [0, 16], sizes = [8, 1008], strides = [1, 1]} : vector<8x1024xi32> to vector<8x1008xi32>
      %slice3A_828 = vector.extract_strided_slice %select_n3A_810 {offsets = [0, 0], sizes = [8, 16], strides = [1, 1]} : vector<8x1024xi32> to vector<8x16xi32>
      %concatenate3A_829 = tpu.concatenate %slice3A_827, %slice3A_828 in 1 : vector<8x1008xi32>, vector<8x16xi32> -> vector<8x1024xi32>
      %select_n3A_830 = arith.select %ne3A_816, %concatenate3A_826, %concatenate3A_829 : vector<8x1024xi1>, vector<8x1024xi32>
      %gt3A_831 = arith.cmpi sgt, %select_n3A_809, %select_n3A_823 : vector<8x1024xi32>
      %eq3A_832 = arith.cmpi eq, %select_n3A_809, %select_n3A_823 : vector<8x1024xi32>
      %lt3A_833 = arith.cmpi slt, %select_n3A_810, %select_n3A_830 : vector<8x1024xi32>
      %and3A_834 = arith.andi %eq3A_832, %lt3A_833 : vector<8x1024xi1>
      %or3A_835 = arith.ori %gt3A_831, %and3A_834 : vector<8x1024xi1>
      %xor3A_836 = arith.xori %or3A_835, %eq3A_748 : vector<8x1024xi1>
      %not3A_837 = arith.constant dense<true> : vector<8x1024xi1>
      %not3A_838 = arith.xori %ne3A_816, %not3A_837 : vector<8x1024xi1>
      %xor3A_839 = arith.xori %xor3A_836, %not3A_838 : vector<8x1024xi1>
      %select_n3A_840 = arith.select %xor3A_839, %select_n3A_809, %select_n3A_823 : vector<8x1024xi1>, vector<8x1024xi32>
      %select_n3A_841 = arith.select %xor3A_839, %select_n3A_810, %select_n3A_830 : vector<8x1024xi1>, vector<8x1024xi32>
      %and3A_842 = arith.constant 8 : i32
      %and3A_843 = vector.broadcast %and3A_842 : i32 to vector<8x1024xi32>
      %and3A_844 = arith.andi %iota3A, %and3A_843 : vector<8x1024xi32>
      %ne3A_845 = arith.constant 0 : i32
      %ne3A_846 = vector.broadcast %ne3A_845 : i32 to vector<8x1024xi32>
      %ne3A_847 = arith.cmpi ne, %and3A_844, %ne3A_846 : vector<8x1024xi32>
      %slice3A_848 = vector.extract_strided_slice %select_n3A_840 {offsets = [0, 1016], sizes = [8, 8], strides = [1, 1]} : vector<8x1024xi32> to vector<8x8xi32>
      %slice3A_849 = vector.extract_strided_slice %select_n3A_840 {offsets = [0, 0], sizes = [8, 1016], strides = [1, 1]} : vector<8x1024xi32> to vector<8x1016xi32>
      %concatenate3A_850 = tpu.concatenate %slice3A_848, %slice3A_849 in 1 : vector<8x8xi32>, vector<8x1016xi32> -> vector<8x1024xi32>
      %slice3A_851 = vector.extract_strided_slice %select_n3A_840 {offsets = [0, 8], sizes = [8, 1016], strides = [1, 1]} : vector<8x1024xi32> to vector<8x1016xi32>
      %slice3A_852 = vector.extract_strided_slice %select_n3A_840 {offsets = [0, 0], sizes = [8, 8], strides = [1, 1]} : vector<8x1024xi32> to vector<8x8xi32>
      %concatenate3A_853 = tpu.concatenate %slice3A_851, %slice3A_852 in 1 : vector<8x1016xi32>, vector<8x8xi32> -> vector<8x1024xi32>
      %select_n3A_854 = arith.select %ne3A_847, %concatenate3A_850, %concatenate3A_853 : vector<8x1024xi1>, vector<8x1024xi32>
      %slice3A_855 = vector.extract_strided_slice %select_n3A_841 {offsets = [0, 1016], sizes = [8, 8], strides = [1, 1]} : vector<8x1024xi32> to vector<8x8xi32>
      %slice3A_856 = vector.extract_strided_slice %select_n3A_841 {offsets = [0, 0], sizes = [8, 1016], strides = [1, 1]} : vector<8x1024xi32> to vector<8x1016xi32>
      %concatenate3A_857 = tpu.concatenate %slice3A_855, %slice3A_856 in 1 : vector<8x8xi32>, vector<8x1016xi32> -> vector<8x1024xi32>
      %slice3A_858 = vector.extract_strided_slice %select_n3A_841 {offsets = [0, 8], sizes = [8, 1016], strides = [1, 1]} : vector<8x1024xi32> to vector<8x1016xi32>
      %slice3A_859 = vector.extract_strided_slice %select_n3A_841 {offsets = [0, 0], sizes = [8, 8], strides = [1, 1]} : vector<8x1024xi32> to vector<8x8xi32>
      %concatenate3A_860 = tpu.concatenate %slice3A_858, %slice3A_859 in 1 : vector<8x1016xi32>, vector<8x8xi32> -> vector<8x1024xi32>
      %select_n3A_861 = arith.select %ne3A_847, %concatenate3A_857, %concatenate3A_860 : vector<8x1024xi1>, vector<8x1024xi32>
      %gt3A_862 = arith.cmpi sgt, %select_n3A_840, %select_n3A_854 : vector<8x1024xi32>
      %eq3A_863 = arith.cmpi eq, %select_n3A_840, %select_n3A_854 : vector<8x1024xi32>
      %lt3A_864 = arith.cmpi slt, %select_n3A_841, %select_n3A_861 : vector<8x1024xi32>
      %and3A_865 = arith.andi %eq3A_863, %lt3A_864 : vector<8x1024xi1>
      %or3A_866 = arith.ori %gt3A_862, %and3A_865 : vector<8x1024xi1>
      %xor3A_867 = arith.xori %or3A_866, %eq3A_748 : vector<8x1024xi1>
      %not3A_868 = arith.constant dense<true> : vector<8x1024xi1>
      %not3A_869 = arith.xori %ne3A_847, %not3A_868 : vector<8x1024xi1>
      %xor3A_870 = arith.xori %xor3A_867, %not3A_869 : vector<8x1024xi1>
      %select_n3A_871 = arith.select %xor3A_870, %select_n3A_840, %select_n3A_854 : vector<8x1024xi1>, vector<8x1024xi32>
      %select_n3A_872 = arith.select %xor3A_870, %select_n3A_841, %select_n3A_861 : vector<8x1024xi1>, vector<8x1024xi32>
      %and3A_873 = arith.constant 4 : i32
      %and3A_874 = vector.broadcast %and3A_873 : i32 to vector<8x1024xi32>
      %and3A_875 = arith.andi %iota3A, %and3A_874 : vector<8x1024xi32>
      %ne3A_876 = arith.constant 0 : i32
      %ne3A_877 = vector.broadcast %ne3A_876 : i32 to vector<8x1024xi32>
      %ne3A_878 = arith.cmpi ne, %and3A_875, %ne3A_877 : vector<8x1024xi32>
      %slice3A_879 = vector.extract_strided_slice %select_n3A_871 {offsets = [0, 1020], sizes = [8, 4], strides = [1, 1]} : vector<8x1024xi32> to vector<8x4xi32>
      %slice3A_880 = vector.extract_strided_slice %select_n3A_871 {offsets = [0, 0], sizes = [8, 1020], strides = [1, 1]} : vector<8x1024xi32> to vector<8x1020xi32>
      %concatenate3A_881 = tpu.concatenate %slice3A_879, %slice3A_880 in 1 : vector<8x4xi32>, vector<8x1020xi32> -> vector<8x1024xi32>
      %slice3A_882 = vector.extract_strided_slice %select_n3A_871 {offsets = [0, 4], sizes = [8, 1020], strides = [1, 1]} : vector<8x1024xi32> to vector<8x1020xi32>
      %slice3A_883 = vector.extract_strided_slice %select_n3A_871 {offsets = [0, 0], sizes = [8, 4], strides = [1, 1]} : vector<8x1024xi32> to vector<8x4xi32>
      %concatenate3A_884 = tpu.concatenate %slice3A_882, %slice3A_883 in 1 : vector<8x1020xi32>, vector<8x4xi32> -> vector<8x1024xi32>
      %select_n3A_885 = arith.select %ne3A_878, %concatenate3A_881, %concatenate3A_884 : vector<8x1024xi1>, vector<8x1024xi32>
      %slice3A_886 = vector.extract_strided_slice %select_n3A_872 {offsets = [0, 1020], sizes = [8, 4], strides = [1, 1]} : vector<8x1024xi32> to vector<8x4xi32>
      %slice3A_887 = vector.extract_strided_slice %select_n3A_872 {offsets = [0, 0], sizes = [8, 1020], strides = [1, 1]} : vector<8x1024xi32> to vector<8x1020xi32>
      %concatenate3A_888 = tpu.concatenate %slice3A_886, %slice3A_887 in 1 : vector<8x4xi32>, vector<8x1020xi32> -> vector<8x1024xi32>
      %slice3A_889 = vector.extract_strided_slice %select_n3A_872 {offsets = [0, 4], sizes = [8, 1020], strides = [1, 1]} : vector<8x1024xi32> to vector<8x1020xi32>
      %slice3A_890 = vector.extract_strided_slice %select_n3A_872 {offsets = [0, 0], sizes = [8, 4], strides = [1, 1]} : vector<8x1024xi32> to vector<8x4xi32>
      %concatenate3A_891 = tpu.concatenate %slice3A_889, %slice3A_890 in 1 : vector<8x1020xi32>, vector<8x4xi32> -> vector<8x1024xi32>
      %select_n3A_892 = arith.select %ne3A_878, %concatenate3A_888, %concatenate3A_891 : vector<8x1024xi1>, vector<8x1024xi32>
      %gt3A_893 = arith.cmpi sgt, %select_n3A_871, %select_n3A_885 : vector<8x1024xi32>
      %eq3A_894 = arith.cmpi eq, %select_n3A_871, %select_n3A_885 : vector<8x1024xi32>
      %lt3A_895 = arith.cmpi slt, %select_n3A_872, %select_n3A_892 : vector<8x1024xi32>
      %and3A_896 = arith.andi %eq3A_894, %lt3A_895 : vector<8x1024xi1>
      %or3A_897 = arith.ori %gt3A_893, %and3A_896 : vector<8x1024xi1>
      %xor3A_898 = arith.xori %or3A_897, %eq3A_748 : vector<8x1024xi1>
      %not3A_899 = arith.constant dense<true> : vector<8x1024xi1>
      %not3A_900 = arith.xori %ne3A_878, %not3A_899 : vector<8x1024xi1>
      %xor3A_901 = arith.xori %xor3A_898, %not3A_900 : vector<8x1024xi1>
      %select_n3A_902 = arith.select %xor3A_901, %select_n3A_871, %select_n3A_885 : vector<8x1024xi1>, vector<8x1024xi32>
      %select_n3A_903 = arith.select %xor3A_901, %select_n3A_872, %select_n3A_892 : vector<8x1024xi1>, vector<8x1024xi32>
      %and3A_904 = arith.constant 2 : i32
      %and3A_905 = vector.broadcast %and3A_904 : i32 to vector<8x1024xi32>
      %and3A_906 = arith.andi %iota3A, %and3A_905 : vector<8x1024xi32>
      %ne3A_907 = arith.constant 0 : i32
      %ne3A_908 = vector.broadcast %ne3A_907 : i32 to vector<8x1024xi32>
      %ne3A_909 = arith.cmpi ne, %and3A_906, %ne3A_908 : vector<8x1024xi32>
      %slice3A_910 = vector.extract_strided_slice %select_n3A_902 {offsets = [0, 1022], sizes = [8, 2], strides = [1, 1]} : vector<8x1024xi32> to vector<8x2xi32>
      %slice3A_911 = vector.extract_strided_slice %select_n3A_902 {offsets = [0, 0], sizes = [8, 1022], strides = [1, 1]} : vector<8x1024xi32> to vector<8x1022xi32>
      %concatenate3A_912 = tpu.concatenate %slice3A_910, %slice3A_911 in 1 : vector<8x2xi32>, vector<8x1022xi32> -> vector<8x1024xi32>
      %slice3A_913 = vector.extract_strided_slice %select_n3A_902 {offsets = [0, 2], sizes = [8, 1022], strides = [1, 1]} : vector<8x1024xi32> to vector<8x1022xi32>
      %slice3A_914 = vector.extract_strided_slice %select_n3A_902 {offsets = [0, 0], sizes = [8, 2], strides = [1, 1]} : vector<8x1024xi32> to vector<8x2xi32>
      %concatenate3A_915 = tpu.concatenate %slice3A_913, %slice3A_914 in 1 : vector<8x1022xi32>, vector<8x2xi32> -> vector<8x1024xi32>
      %select_n3A_916 = arith.select %ne3A_909, %concatenate3A_912, %concatenate3A_915 : vector<8x1024xi1>, vector<8x1024xi32>
      %slice3A_917 = vector.extract_strided_slice %select_n3A_903 {offsets = [0, 1022], sizes = [8, 2], strides = [1, 1]} : vector<8x1024xi32> to vector<8x2xi32>
      %slice3A_918 = vector.extract_strided_slice %select_n3A_903 {offsets = [0, 0], sizes = [8, 1022], strides = [1, 1]} : vector<8x1024xi32> to vector<8x1022xi32>
      %concatenate3A_919 = tpu.concatenate %slice3A_917, %slice3A_918 in 1 : vector<8x2xi32>, vector<8x1022xi32> -> vector<8x1024xi32>
      %slice3A_920 = vector.extract_strided_slice %select_n3A_903 {offsets = [0, 2], sizes = [8, 1022], strides = [1, 1]} : vector<8x1024xi32> to vector<8x1022xi32>
      %slice3A_921 = vector.extract_strided_slice %select_n3A_903 {offsets = [0, 0], sizes = [8, 2], strides = [1, 1]} : vector<8x1024xi32> to vector<8x2xi32>
      %concatenate3A_922 = tpu.concatenate %slice3A_920, %slice3A_921 in 1 : vector<8x1022xi32>, vector<8x2xi32> -> vector<8x1024xi32>
      %select_n3A_923 = arith.select %ne3A_909, %concatenate3A_919, %concatenate3A_922 : vector<8x1024xi1>, vector<8x1024xi32>
      %gt3A_924 = arith.cmpi sgt, %select_n3A_902, %select_n3A_916 : vector<8x1024xi32>
      %eq3A_925 = arith.cmpi eq, %select_n3A_902, %select_n3A_916 : vector<8x1024xi32>
      %lt3A_926 = arith.cmpi slt, %select_n3A_903, %select_n3A_923 : vector<8x1024xi32>
      %and3A_927 = arith.andi %eq3A_925, %lt3A_926 : vector<8x1024xi1>
      %or3A_928 = arith.ori %gt3A_924, %and3A_927 : vector<8x1024xi1>
      %xor3A_929 = arith.xori %or3A_928, %eq3A_748 : vector<8x1024xi1>
      %not3A_930 = arith.constant dense<true> : vector<8x1024xi1>
      %not3A_931 = arith.xori %ne3A_909, %not3A_930 : vector<8x1024xi1>
      %xor3A_932 = arith.xori %xor3A_929, %not3A_931 : vector<8x1024xi1>
      %select_n3A_933 = arith.select %xor3A_932, %select_n3A_902, %select_n3A_916 : vector<8x1024xi1>, vector<8x1024xi32>
      %select_n3A_934 = arith.select %xor3A_932, %select_n3A_903, %select_n3A_923 : vector<8x1024xi1>, vector<8x1024xi32>
      %and3A_935 = arith.constant 1 : i32
      %and3A_936 = vector.broadcast %and3A_935 : i32 to vector<8x1024xi32>
      %and3A_937 = arith.andi %iota3A, %and3A_936 : vector<8x1024xi32>
      %ne3A_938 = arith.constant 0 : i32
      %ne3A_939 = vector.broadcast %ne3A_938 : i32 to vector<8x1024xi32>
      %ne3A_940 = arith.cmpi ne, %and3A_937, %ne3A_939 : vector<8x1024xi32>
      %slice3A_941 = vector.extract_strided_slice %select_n3A_933 {offsets = [0, 1023], sizes = [8, 1], strides = [1, 1]} : vector<8x1024xi32> to vector<8x1xi32>
      %slice3A_942 = vector.extract_strided_slice %select_n3A_933 {offsets = [0, 0], sizes = [8, 1023], strides = [1, 1]} : vector<8x1024xi32> to vector<8x1023xi32>
      %concatenate3A_943 = tpu.concatenate %slice3A_941, %slice3A_942 in 1 : vector<8x1xi32>, vector<8x1023xi32> -> vector<8x1024xi32>
      %slice3A_944 = vector.extract_strided_slice %select_n3A_933 {offsets = [0, 1], sizes = [8, 1023], strides = [1, 1]} : vector<8x1024xi32> to vector<8x1023xi32>
      %slice3A_945 = vector.extract_strided_slice %select_n3A_933 {offsets = [0, 0], sizes = [8, 1], strides = [1, 1]} : vector<8x1024xi32> to vector<8x1xi32>
      %concatenate3A_946 = tpu.concatenate %slice3A_944, %slice3A_945 in 1 : vector<8x1023xi32>, vector<8x1xi32> -> vector<8x1024xi32>
      %select_n3A_947 = arith.select %ne3A_940, %concatenate3A_943, %concatenate3A_946 : vector<8x1024xi1>, vector<8x1024xi32>
      %slice3A_948 = vector.extract_strided_slice %select_n3A_934 {offsets = [0, 1023], sizes = [8, 1], strides = [1, 1]} : vector<8x1024xi32> to vector<8x1xi32>
      %slice3A_949 = vector.extract_strided_slice %select_n3A_934 {offsets = [0, 0], sizes = [8, 1023], strides = [1, 1]} : vector<8x1024xi32> to vector<8x1023xi32>
      %concatenate3A_950 = tpu.concatenate %slice3A_948, %slice3A_949 in 1 : vector<8x1xi32>, vector<8x1023xi32> -> vector<8x1024xi32>
      %slice3A_951 = vector.extract_strided_slice %select_n3A_934 {offsets = [0, 1], sizes = [8, 1023], strides = [1, 1]} : vector<8x1024xi32> to vector<8x1023xi32>
      %slice3A_952 = vector.extract_strided_slice %select_n3A_934 {offsets = [0, 0], sizes = [8, 1], strides = [1, 1]} : vector<8x1024xi32> to vector<8x1xi32>
      %concatenate3A_953 = tpu.concatenate %slice3A_951, %slice3A_952 in 1 : vector<8x1023xi32>, vector<8x1xi32> -> vector<8x1024xi32>
      %select_n3A_954 = arith.select %ne3A_940, %concatenate3A_950, %concatenate3A_953 : vector<8x1024xi1>, vector<8x1024xi32>
      %gt3A_955 = arith.cmpi sgt, %select_n3A_933, %select_n3A_947 : vector<8x1024xi32>
      %eq3A_956 = arith.cmpi eq, %select_n3A_933, %select_n3A_947 : vector<8x1024xi32>
      %lt3A_957 = arith.cmpi slt, %select_n3A_934, %select_n3A_954 : vector<8x1024xi32>
      %and3A_958 = arith.andi %eq3A_956, %lt3A_957 : vector<8x1024xi1>
      %or3A_959 = arith.ori %gt3A_955, %and3A_958 : vector<8x1024xi1>
      %xor3A_960 = arith.xori %or3A_959, %eq3A_748 : vector<8x1024xi1>
      %not3A_961 = arith.constant dense<true> : vector<8x1024xi1>
      %not3A_962 = arith.xori %ne3A_940, %not3A_961 : vector<8x1024xi1>
      %xor3A_963 = arith.xori %xor3A_960, %not3A_962 : vector<8x1024xi1>
      %select_n3A_964 = arith.select %xor3A_963, %select_n3A_933, %select_n3A_947 : vector<8x1024xi1>, vector<8x1024xi32>
      %select_n3A_965 = arith.select %xor3A_963, %select_n3A_934, %select_n3A_954 : vector<8x1024xi1>, vector<8x1024xi32>
      %and3A_966 = arith.constant 256 : i32
      %and3A_967 = vector.broadcast %and3A_966 : i32 to vector<8x1024xi32>
      %and3A_968 = arith.andi %iota3A, %and3A_967 : vector<8x1024xi32>
      %eq3A_969 = arith.constant 0 : i32
      %eq3A_970 = vector.broadcast %eq3A_969 : i32 to vector<8x1024xi32>
      %eq3A_971 = arith.cmpi eq, %and3A_968, %eq3A_970 : vector<8x1024xi32>
      %and3A_972 = arith.constant 128 : i32
      %and3A_973 = vector.broadcast %and3A_972 : i32 to vector<8x1024xi32>
      %and3A_974 = arith.andi %iota3A, %and3A_973 : vector<8x1024xi32>
      %ne3A_975 = arith.constant 0 : i32
      %ne3A_976 = vector.broadcast %ne3A_975 : i32 to vector<8x1024xi32>
      %ne3A_977 = arith.cmpi ne, %and3A_974, %ne3A_976 : vector<8x1024xi32>
      %slice3A_978 = vector.extract_strided_slice %select_n3A_964 {offsets = [0, 896], sizes = [8, 128], strides = [1, 1]} : vector<8x1024xi32> to vector<8x128xi32>
      %slice3A_979 = vector.extract_strided_slice %select_n3A_964 {offsets = [0, 0], sizes = [8, 896], strides = [1, 1]} : vector<8x1024xi32> to vector<8x896xi32>
      %concatenate3A_980 = tpu.concatenate %slice3A_978, %slice3A_979 in 1 : vector<8x128xi32>, vector<8x896xi32> -> vector<8x1024xi32>
      %slice3A_981 = vector.extract_strided_slice %select_n3A_964 {offsets = [0, 128], sizes = [8, 896], strides = [1, 1]} : vector<8x1024xi32> to vector<8x896xi32>
      %slice3A_982 = vector.extract_strided_slice %select_n3A_964 {offsets = [0, 0], sizes = [8, 128], strides = [1, 1]} : vector<8x1024xi32> to vector<8x128xi32>
      %concatenate3A_983 = tpu.concatenate %slice3A_981, %slice3A_982 in 1 : vector<8x896xi32>, vector<8x128xi32> -> vector<8x1024xi32>
      %select_n3A_984 = arith.select %ne3A_977, %concatenate3A_980, %concatenate3A_983 : vector<8x1024xi1>, vector<8x1024xi32>
      %slice3A_985 = vector.extract_strided_slice %select_n3A_965 {offsets = [0, 896], sizes = [8, 128], strides = [1, 1]} : vector<8x1024xi32> to vector<8x128xi32>
      %slice3A_986 = vector.extract_strided_slice %select_n3A_965 {offsets = [0, 0], sizes = [8, 896], strides = [1, 1]} : vector<8x1024xi32> to vector<8x896xi32>
      %concatenate3A_987 = tpu.concatenate %slice3A_985, %slice3A_986 in 1 : vector<8x128xi32>, vector<8x896xi32> -> vector<8x1024xi32>
      %slice3A_988 = vector.extract_strided_slice %select_n3A_965 {offsets = [0, 128], sizes = [8, 896], strides = [1, 1]} : vector<8x1024xi32> to vector<8x896xi32>
      %slice3A_989 = vector.extract_strided_slice %select_n3A_965 {offsets = [0, 0], sizes = [8, 128], strides = [1, 1]} : vector<8x1024xi32> to vector<8x128xi32>
      %concatenate3A_990 = tpu.concatenate %slice3A_988, %slice3A_989 in 1 : vector<8x896xi32>, vector<8x128xi32> -> vector<8x1024xi32>
      %select_n3A_991 = arith.select %ne3A_977, %concatenate3A_987, %concatenate3A_990 : vector<8x1024xi1>, vector<8x1024xi32>
      %gt3A_992 = arith.cmpi sgt, %select_n3A_964, %select_n3A_984 : vector<8x1024xi32>
      %eq3A_993 = arith.cmpi eq, %select_n3A_964, %select_n3A_984 : vector<8x1024xi32>
      %lt3A_994 = arith.cmpi slt, %select_n3A_965, %select_n3A_991 : vector<8x1024xi32>
      %and3A_995 = arith.andi %eq3A_993, %lt3A_994 : vector<8x1024xi1>
      %or3A_996 = arith.ori %gt3A_992, %and3A_995 : vector<8x1024xi1>
      %xor3A_997 = arith.xori %or3A_996, %eq3A_971 : vector<8x1024xi1>
      %not3A_998 = arith.constant dense<true> : vector<8x1024xi1>
      %not3A_999 = arith.xori %ne3A_977, %not3A_998 : vector<8x1024xi1>
      %xor3A_1000 = arith.xori %xor3A_997, %not3A_999 : vector<8x1024xi1>
      %select_n3A_1001 = arith.select %xor3A_1000, %select_n3A_964, %select_n3A_984 : vector<8x1024xi1>, vector<8x1024xi32>
      %select_n3A_1002 = arith.select %xor3A_1000, %select_n3A_965, %select_n3A_991 : vector<8x1024xi1>, vector<8x1024xi32>
      %and3A_1003 = arith.constant 64 : i32
      %and3A_1004 = vector.broadcast %and3A_1003 : i32 to vector<8x1024xi32>
      %and3A_1005 = arith.andi %iota3A, %and3A_1004 : vector<8x1024xi32>
      %ne3A_1006 = arith.constant 0 : i32
      %ne3A_1007 = vector.broadcast %ne3A_1006 : i32 to vector<8x1024xi32>
      %ne3A_1008 = arith.cmpi ne, %and3A_1005, %ne3A_1007 : vector<8x1024xi32>
      %slice3A_1009 = vector.extract_strided_slice %select_n3A_1001 {offsets = [0, 960], sizes = [8, 64], strides = [1, 1]} : vector<8x1024xi32> to vector<8x64xi32>
      %slice3A_1010 = vector.extract_strided_slice %select_n3A_1001 {offsets = [0, 0], sizes = [8, 960], strides = [1, 1]} : vector<8x1024xi32> to vector<8x960xi32>
      %concatenate3A_1011 = tpu.concatenate %slice3A_1009, %slice3A_1010 in 1 : vector<8x64xi32>, vector<8x960xi32> -> vector<8x1024xi32>
      %slice3A_1012 = vector.extract_strided_slice %select_n3A_1001 {offsets = [0, 64], sizes = [8, 960], strides = [1, 1]} : vector<8x1024xi32> to vector<8x960xi32>
      %slice3A_1013 = vector.extract_strided_slice %select_n3A_1001 {offsets = [0, 0], sizes = [8, 64], strides = [1, 1]} : vector<8x1024xi32> to vector<8x64xi32>
      %concatenate3A_1014 = tpu.concatenate %slice3A_1012, %slice3A_1013 in 1 : vector<8x960xi32>, vector<8x64xi32> -> vector<8x1024xi32>
      %select_n3A_1015 = arith.select %ne3A_1008, %concatenate3A_1011, %concatenate3A_1014 : vector<8x1024xi1>, vector<8x1024xi32>
      %slice3A_1016 = vector.extract_strided_slice %select_n3A_1002 {offsets = [0, 960], sizes = [8, 64], strides = [1, 1]} : vector<8x1024xi32> to vector<8x64xi32>
      %slice3A_1017 = vector.extract_strided_slice %select_n3A_1002 {offsets = [0, 0], sizes = [8, 960], strides = [1, 1]} : vector<8x1024xi32> to vector<8x960xi32>
      %concatenate3A_1018 = tpu.concatenate %slice3A_1016, %slice3A_1017 in 1 : vector<8x64xi32>, vector<8x960xi32> -> vector<8x1024xi32>
      %slice3A_1019 = vector.extract_strided_slice %select_n3A_1002 {offsets = [0, 64], sizes = [8, 960], strides = [1, 1]} : vector<8x1024xi32> to vector<8x960xi32>
      %slice3A_1020 = vector.extract_strided_slice %select_n3A_1002 {offsets = [0, 0], sizes = [8, 64], strides = [1, 1]} : vector<8x1024xi32> to vector<8x64xi32>
      %concatenate3A_1021 = tpu.concatenate %slice3A_1019, %slice3A_1020 in 1 : vector<8x960xi32>, vector<8x64xi32> -> vector<8x1024xi32>
      %select_n3A_1022 = arith.select %ne3A_1008, %concatenate3A_1018, %concatenate3A_1021 : vector<8x1024xi1>, vector<8x1024xi32>
      %gt3A_1023 = arith.cmpi sgt, %select_n3A_1001, %select_n3A_1015 : vector<8x1024xi32>
      %eq3A_1024 = arith.cmpi eq, %select_n3A_1001, %select_n3A_1015 : vector<8x1024xi32>
      %lt3A_1025 = arith.cmpi slt, %select_n3A_1002, %select_n3A_1022 : vector<8x1024xi32>
      %and3A_1026 = arith.andi %eq3A_1024, %lt3A_1025 : vector<8x1024xi1>
      %or3A_1027 = arith.ori %gt3A_1023, %and3A_1026 : vector<8x1024xi1>
      %xor3A_1028 = arith.xori %or3A_1027, %eq3A_971 : vector<8x1024xi1>
      %not3A_1029 = arith.constant dense<true> : vector<8x1024xi1>
      %not3A_1030 = arith.xori %ne3A_1008, %not3A_1029 : vector<8x1024xi1>
      %xor3A_1031 = arith.xori %xor3A_1028, %not3A_1030 : vector<8x1024xi1>
      %select_n3A_1032 = arith.select %xor3A_1031, %select_n3A_1001, %select_n3A_1015 : vector<8x1024xi1>, vector<8x1024xi32>
      %select_n3A_1033 = arith.select %xor3A_1031, %select_n3A_1002, %select_n3A_1022 : vector<8x1024xi1>, vector<8x1024xi32>
      %and3A_1034 = arith.constant 32 : i32
      %and3A_1035 = vector.broadcast %and3A_1034 : i32 to vector<8x1024xi32>
      %and3A_1036 = arith.andi %iota3A, %and3A_1035 : vector<8x1024xi32>
      %ne3A_1037 = arith.constant 0 : i32
      %ne3A_1038 = vector.broadcast %ne3A_1037 : i32 to vector<8x1024xi32>
      %ne3A_1039 = arith.cmpi ne, %and3A_1036, %ne3A_1038 : vector<8x1024xi32>
      %slice3A_1040 = vector.extract_strided_slice %select_n3A_1032 {offsets = [0, 992], sizes = [8, 32], strides = [1, 1]} : vector<8x1024xi32> to vector<8x32xi32>
      %slice3A_1041 = vector.extract_strided_slice %select_n3A_1032 {offsets = [0, 0], sizes = [8, 992], strides = [1, 1]} : vector<8x1024xi32> to vector<8x992xi32>
      %concatenate3A_1042 = tpu.concatenate %slice3A_1040, %slice3A_1041 in 1 : vector<8x32xi32>, vector<8x992xi32> -> vector<8x1024xi32>
      %slice3A_1043 = vector.extract_strided_slice %select_n3A_1032 {offsets = [0, 32], sizes = [8, 992], strides = [1, 1]} : vector<8x1024xi32> to vector<8x992xi32>
      %slice3A_1044 = vector.extract_strided_slice %select_n3A_1032 {offsets = [0, 0], sizes = [8, 32], strides = [1, 1]} : vector<8x1024xi32> to vector<8x32xi32>
      %concatenate3A_1045 = tpu.concatenate %slice3A_1043, %slice3A_1044 in 1 : vector<8x992xi32>, vector<8x32xi32> -> vector<8x1024xi32>
      %select_n3A_1046 = arith.select %ne3A_1039, %concatenate3A_1042, %concatenate3A_1045 : vector<8x1024xi1>, vector<8x1024xi32>
      %slice3A_1047 = vector.extract_strided_slice %select_n3A_1033 {offsets = [0, 992], sizes = [8, 32], strides = [1, 1]} : vector<8x1024xi32> to vector<8x32xi32>
      %slice3A_1048 = vector.extract_strided_slice %select_n3A_1033 {offsets = [0, 0], sizes = [8, 992], strides = [1, 1]} : vector<8x1024xi32> to vector<8x992xi32>
      %concatenate3A_1049 = tpu.concatenate %slice3A_1047, %slice3A_1048 in 1 : vector<8x32xi32>, vector<8x992xi32> -> vector<8x1024xi32>
      %slice3A_1050 = vector.extract_strided_slice %select_n3A_1033 {offsets = [0, 32], sizes = [8, 992], strides = [1, 1]} : vector<8x1024xi32> to vector<8x992xi32>
      %slice3A_1051 = vector.extract_strided_slice %select_n3A_1033 {offsets = [0, 0], sizes = [8, 32], strides = [1, 1]} : vector<8x1024xi32> to vector<8x32xi32>
      %concatenate3A_1052 = tpu.concatenate %slice3A_1050, %slice3A_1051 in 1 : vector<8x992xi32>, vector<8x32xi32> -> vector<8x1024xi32>
      %select_n3A_1053 = arith.select %ne3A_1039, %concatenate3A_1049, %concatenate3A_1052 : vector<8x1024xi1>, vector<8x1024xi32>
      %gt3A_1054 = arith.cmpi sgt, %select_n3A_1032, %select_n3A_1046 : vector<8x1024xi32>
      %eq3A_1055 = arith.cmpi eq, %select_n3A_1032, %select_n3A_1046 : vector<8x1024xi32>
      %lt3A_1056 = arith.cmpi slt, %select_n3A_1033, %select_n3A_1053 : vector<8x1024xi32>
      %and3A_1057 = arith.andi %eq3A_1055, %lt3A_1056 : vector<8x1024xi1>
      %or3A_1058 = arith.ori %gt3A_1054, %and3A_1057 : vector<8x1024xi1>
      %xor3A_1059 = arith.xori %or3A_1058, %eq3A_971 : vector<8x1024xi1>
      %not3A_1060 = arith.constant dense<true> : vector<8x1024xi1>
      %not3A_1061 = arith.xori %ne3A_1039, %not3A_1060 : vector<8x1024xi1>
      %xor3A_1062 = arith.xori %xor3A_1059, %not3A_1061 : vector<8x1024xi1>
      %select_n3A_1063 = arith.select %xor3A_1062, %select_n3A_1032, %select_n3A_1046 : vector<8x1024xi1>, vector<8x1024xi32>
      %select_n3A_1064 = arith.select %xor3A_1062, %select_n3A_1033, %select_n3A_1053 : vector<8x1024xi1>, vector<8x1024xi32>
      %and3A_1065 = arith.constant 16 : i32
      %and3A_1066 = vector.broadcast %and3A_1065 : i32 to vector<8x1024xi32>
      %and3A_1067 = arith.andi %iota3A, %and3A_1066 : vector<8x1024xi32>
      %ne3A_1068 = arith.constant 0 : i32
      %ne3A_1069 = vector.broadcast %ne3A_1068 : i32 to vector<8x1024xi32>
      %ne3A_1070 = arith.cmpi ne, %and3A_1067, %ne3A_1069 : vector<8x1024xi32>
      %slice3A_1071 = vector.extract_strided_slice %select_n3A_1063 {offsets = [0, 1008], sizes = [8, 16], strides = [1, 1]} : vector<8x1024xi32> to vector<8x16xi32>
      %slice3A_1072 = vector.extract_strided_slice %select_n3A_1063 {offsets = [0, 0], sizes = [8, 1008], strides = [1, 1]} : vector<8x1024xi32> to vector<8x1008xi32>
      %concatenate3A_1073 = tpu.concatenate %slice3A_1071, %slice3A_1072 in 1 : vector<8x16xi32>, vector<8x1008xi32> -> vector<8x1024xi32>
      %slice3A_1074 = vector.extract_strided_slice %select_n3A_1063 {offsets = [0, 16], sizes = [8, 1008], strides = [1, 1]} : vector<8x1024xi32> to vector<8x1008xi32>
      %slice3A_1075 = vector.extract_strided_slice %select_n3A_1063 {offsets = [0, 0], sizes = [8, 16], strides = [1, 1]} : vector<8x1024xi32> to vector<8x16xi32>
      %concatenate3A_1076 = tpu.concatenate %slice3A_1074, %slice3A_1075 in 1 : vector<8x1008xi32>, vector<8x16xi32> -> vector<8x1024xi32>
      %select_n3A_1077 = arith.select %ne3A_1070, %concatenate3A_1073, %concatenate3A_1076 : vector<8x1024xi1>, vector<8x1024xi32>
      %slice3A_1078 = vector.extract_strided_slice %select_n3A_1064 {offsets = [0, 1008], sizes = [8, 16], strides = [1, 1]} : vector<8x1024xi32> to vector<8x16xi32>
      %slice3A_1079 = vector.extract_strided_slice %select_n3A_1064 {offsets = [0, 0], sizes = [8, 1008], strides = [1, 1]} : vector<8x1024xi32> to vector<8x1008xi32>
      %concatenate3A_1080 = tpu.concatenate %slice3A_1078, %slice3A_1079 in 1 : vector<8x16xi32>, vector<8x1008xi32> -> vector<8x1024xi32>
      %slice3A_1081 = vector.extract_strided_slice %select_n3A_1064 {offsets = [0, 16], sizes = [8, 1008], strides = [1, 1]} : vector<8x1024xi32> to vector<8x1008xi32>
      %slice3A_1082 = vector.extract_strided_slice %select_n3A_1064 {offsets = [0, 0], sizes = [8, 16], strides = [1, 1]} : vector<8x1024xi32> to vector<8x16xi32>
      %concatenate3A_1083 = tpu.concatenate %slice3A_1081, %slice3A_1082 in 1 : vector<8x1008xi32>, vector<8x16xi32> -> vector<8x1024xi32>
      %select_n3A_1084 = arith.select %ne3A_1070, %concatenate3A_1080, %concatenate3A_1083 : vector<8x1024xi1>, vector<8x1024xi32>
      %gt3A_1085 = arith.cmpi sgt, %select_n3A_1063, %select_n3A_1077 : vector<8x1024xi32>
      %eq3A_1086 = arith.cmpi eq, %select_n3A_1063, %select_n3A_1077 : vector<8x1024xi32>
      %lt3A_1087 = arith.cmpi slt, %select_n3A_1064, %select_n3A_1084 : vector<8x1024xi32>
      %and3A_1088 = arith.andi %eq3A_1086, %lt3A_1087 : vector<8x1024xi1>
      %or3A_1089 = arith.ori %gt3A_1085, %and3A_1088 : vector<8x1024xi1>
      %xor3A_1090 = arith.xori %or3A_1089, %eq3A_971 : vector<8x1024xi1>
      %not3A_1091 = arith.constant dense<true> : vector<8x1024xi1>
      %not3A_1092 = arith.xori %ne3A_1070, %not3A_1091 : vector<8x1024xi1>
      %xor3A_1093 = arith.xori %xor3A_1090, %not3A_1092 : vector<8x1024xi1>
      %select_n3A_1094 = arith.select %xor3A_1093, %select_n3A_1063, %select_n3A_1077 : vector<8x1024xi1>, vector<8x1024xi32>
      %select_n3A_1095 = arith.select %xor3A_1093, %select_n3A_1064, %select_n3A_1084 : vector<8x1024xi1>, vector<8x1024xi32>
      %and3A_1096 = arith.constant 8 : i32
      %and3A_1097 = vector.broadcast %and3A_1096 : i32 to vector<8x1024xi32>
      %and3A_1098 = arith.andi %iota3A, %and3A_1097 : vector<8x1024xi32>
      %ne3A_1099 = arith.constant 0 : i32
      %ne3A_1100 = vector.broadcast %ne3A_1099 : i32 to vector<8x1024xi32>
      %ne3A_1101 = arith.cmpi ne, %and3A_1098, %ne3A_1100 : vector<8x1024xi32>
      %slice3A_1102 = vector.extract_strided_slice %select_n3A_1094 {offsets = [0, 1016], sizes = [8, 8], strides = [1, 1]} : vector<8x1024xi32> to vector<8x8xi32>
      %slice3A_1103 = vector.extract_strided_slice %select_n3A_1094 {offsets = [0, 0], sizes = [8, 1016], strides = [1, 1]} : vector<8x1024xi32> to vector<8x1016xi32>
      %concatenate3A_1104 = tpu.concatenate %slice3A_1102, %slice3A_1103 in 1 : vector<8x8xi32>, vector<8x1016xi32> -> vector<8x1024xi32>
      %slice3A_1105 = vector.extract_strided_slice %select_n3A_1094 {offsets = [0, 8], sizes = [8, 1016], strides = [1, 1]} : vector<8x1024xi32> to vector<8x1016xi32>
      %slice3A_1106 = vector.extract_strided_slice %select_n3A_1094 {offsets = [0, 0], sizes = [8, 8], strides = [1, 1]} : vector<8x1024xi32> to vector<8x8xi32>
      %concatenate3A_1107 = tpu.concatenate %slice3A_1105, %slice3A_1106 in 1 : vector<8x1016xi32>, vector<8x8xi32> -> vector<8x1024xi32>
      %select_n3A_1108 = arith.select %ne3A_1101, %concatenate3A_1104, %concatenate3A_1107 : vector<8x1024xi1>, vector<8x1024xi32>
      %slice3A_1109 = vector.extract_strided_slice %select_n3A_1095 {offsets = [0, 1016], sizes = [8, 8], strides = [1, 1]} : vector<8x1024xi32> to vector<8x8xi32>
      %slice3A_1110 = vector.extract_strided_slice %select_n3A_1095 {offsets = [0, 0], sizes = [8, 1016], strides = [1, 1]} : vector<8x1024xi32> to vector<8x1016xi32>
      %concatenate3A_1111 = tpu.concatenate %slice3A_1109, %slice3A_1110 in 1 : vector<8x8xi32>, vector<8x1016xi32> -> vector<8x1024xi32>
      %slice3A_1112 = vector.extract_strided_slice %select_n3A_1095 {offsets = [0, 8], sizes = [8, 1016], strides = [1, 1]} : vector<8x1024xi32> to vector<8x1016xi32>
      %slice3A_1113 = vector.extract_strided_slice %select_n3A_1095 {offsets = [0, 0], sizes = [8, 8], strides = [1, 1]} : vector<8x1024xi32> to vector<8x8xi32>
      %concatenate3A_1114 = tpu.concatenate %slice3A_1112, %slice3A_1113 in 1 : vector<8x1016xi32>, vector<8x8xi32> -> vector<8x1024xi32>
      %select_n3A_1115 = arith.select %ne3A_1101, %concatenate3A_1111, %concatenate3A_1114 : vector<8x1024xi1>, vector<8x1024xi32>
      %gt3A_1116 = arith.cmpi sgt, %select_n3A_1094, %select_n3A_1108 : vector<8x1024xi32>
      %eq3A_1117 = arith.cmpi eq, %select_n3A_1094, %select_n3A_1108 : vector<8x1024xi32>
      %lt3A_1118 = arith.cmpi slt, %select_n3A_1095, %select_n3A_1115 : vector<8x1024xi32>
      %and3A_1119 = arith.andi %eq3A_1117, %lt3A_1118 : vector<8x1024xi1>
      %or3A_1120 = arith.ori %gt3A_1116, %and3A_1119 : vector<8x1024xi1>
      %xor3A_1121 = arith.xori %or3A_1120, %eq3A_971 : vector<8x1024xi1>
      %not3A_1122 = arith.constant dense<true> : vector<8x1024xi1>
      %not3A_1123 = arith.xori %ne3A_1101, %not3A_1122 : vector<8x1024xi1>
      %xor3A_1124 = arith.xori %xor3A_1121, %not3A_1123 : vector<8x1024xi1>
      %select_n3A_1125 = arith.select %xor3A_1124, %select_n3A_1094, %select_n3A_1108 : vector<8x1024xi1>, vector<8x1024xi32>
      %select_n3A_1126 = arith.select %xor3A_1124, %select_n3A_1095, %select_n3A_1115 : vector<8x1024xi1>, vector<8x1024xi32>
      %and3A_1127 = arith.constant 4 : i32
      %and3A_1128 = vector.broadcast %and3A_1127 : i32 to vector<8x1024xi32>
      %and3A_1129 = arith.andi %iota3A, %and3A_1128 : vector<8x1024xi32>
      %ne3A_1130 = arith.constant 0 : i32
      %ne3A_1131 = vector.broadcast %ne3A_1130 : i32 to vector<8x1024xi32>
      %ne3A_1132 = arith.cmpi ne, %and3A_1129, %ne3A_1131 : vector<8x1024xi32>
      %slice3A_1133 = vector.extract_strided_slice %select_n3A_1125 {offsets = [0, 1020], sizes = [8, 4], strides = [1, 1]} : vector<8x1024xi32> to vector<8x4xi32>
      %slice3A_1134 = vector.extract_strided_slice %select_n3A_1125 {offsets = [0, 0], sizes = [8, 1020], strides = [1, 1]} : vector<8x1024xi32> to vector<8x1020xi32>
      %concatenate3A_1135 = tpu.concatenate %slice3A_1133, %slice3A_1134 in 1 : vector<8x4xi32>, vector<8x1020xi32> -> vector<8x1024xi32>
      %slice3A_1136 = vector.extract_strided_slice %select_n3A_1125 {offsets = [0, 4], sizes = [8, 1020], strides = [1, 1]} : vector<8x1024xi32> to vector<8x1020xi32>
      %slice3A_1137 = vector.extract_strided_slice %select_n3A_1125 {offsets = [0, 0], sizes = [8, 4], strides = [1, 1]} : vector<8x1024xi32> to vector<8x4xi32>
      %concatenate3A_1138 = tpu.concatenate %slice3A_1136, %slice3A_1137 in 1 : vector<8x1020xi32>, vector<8x4xi32> -> vector<8x1024xi32>
      %select_n3A_1139 = arith.select %ne3A_1132, %concatenate3A_1135, %concatenate3A_1138 : vector<8x1024xi1>, vector<8x1024xi32>
      %slice3A_1140 = vector.extract_strided_slice %select_n3A_1126 {offsets = [0, 1020], sizes = [8, 4], strides = [1, 1]} : vector<8x1024xi32> to vector<8x4xi32>
      %slice3A_1141 = vector.extract_strided_slice %select_n3A_1126 {offsets = [0, 0], sizes = [8, 1020], strides = [1, 1]} : vector<8x1024xi32> to vector<8x1020xi32>
      %concatenate3A_1142 = tpu.concatenate %slice3A_1140, %slice3A_1141 in 1 : vector<8x4xi32>, vector<8x1020xi32> -> vector<8x1024xi32>
      %slice3A_1143 = vector.extract_strided_slice %select_n3A_1126 {offsets = [0, 4], sizes = [8, 1020], strides = [1, 1]} : vector<8x1024xi32> to vector<8x1020xi32>
      %slice3A_1144 = vector.extract_strided_slice %select_n3A_1126 {offsets = [0, 0], sizes = [8, 4], strides = [1, 1]} : vector<8x1024xi32> to vector<8x4xi32>
      %concatenate3A_1145 = tpu.concatenate %slice3A_1143, %slice3A_1144 in 1 : vector<8x1020xi32>, vector<8x4xi32> -> vector<8x1024xi32>
      %select_n3A_1146 = arith.select %ne3A_1132, %concatenate3A_1142, %concatenate3A_1145 : vector<8x1024xi1>, vector<8x1024xi32>
      %gt3A_1147 = arith.cmpi sgt, %select_n3A_1125, %select_n3A_1139 : vector<8x1024xi32>
      %eq3A_1148 = arith.cmpi eq, %select_n3A_1125, %select_n3A_1139 : vector<8x1024xi32>
      %lt3A_1149 = arith.cmpi slt, %select_n3A_1126, %select_n3A_1146 : vector<8x1024xi32>
      %and3A_1150 = arith.andi %eq3A_1148, %lt3A_1149 : vector<8x1024xi1>
      %or3A_1151 = arith.ori %gt3A_1147, %and3A_1150 : vector<8x1024xi1>
      %xor3A_1152 = arith.xori %or3A_1151, %eq3A_971 : vector<8x1024xi1>
      %not3A_1153 = arith.constant dense<true> : vector<8x1024xi1>
      %not3A_1154 = arith.xori %ne3A_1132, %not3A_1153 : vector<8x1024xi1>
      %xor3A_1155 = arith.xori %xor3A_1152, %not3A_1154 : vector<8x1024xi1>
      %select_n3A_1156 = arith.select %xor3A_1155, %select_n3A_1125, %select_n3A_1139 : vector<8x1024xi1>, vector<8x1024xi32>
      %select_n3A_1157 = arith.select %xor3A_1155, %select_n3A_1126, %select_n3A_1146 : vector<8x1024xi1>, vector<8x1024xi32>
      %and3A_1158 = arith.constant 2 : i32
      %and3A_1159 = vector.broadcast %and3A_1158 : i32 to vector<8x1024xi32>
      %and3A_1160 = arith.andi %iota3A, %and3A_1159 : vector<8x1024xi32>
      %ne3A_1161 = arith.constant 0 : i32
      %ne3A_1162 = vector.broadcast %ne3A_1161 : i32 to vector<8x1024xi32>
      %ne3A_1163 = arith.cmpi ne, %and3A_1160, %ne3A_1162 : vector<8x1024xi32>
      %slice3A_1164 = vector.extract_strided_slice %select_n3A_1156 {offsets = [0, 1022], sizes = [8, 2], strides = [1, 1]} : vector<8x1024xi32> to vector<8x2xi32>
      %slice3A_1165 = vector.extract_strided_slice %select_n3A_1156 {offsets = [0, 0], sizes = [8, 1022], strides = [1, 1]} : vector<8x1024xi32> to vector<8x1022xi32>
      %concatenate3A_1166 = tpu.concatenate %slice3A_1164, %slice3A_1165 in 1 : vector<8x2xi32>, vector<8x1022xi32> -> vector<8x1024xi32>
      %slice3A_1167 = vector.extract_strided_slice %select_n3A_1156 {offsets = [0, 2], sizes = [8, 1022], strides = [1, 1]} : vector<8x1024xi32> to vector<8x1022xi32>
      %slice3A_1168 = vector.extract_strided_slice %select_n3A_1156 {offsets = [0, 0], sizes = [8, 2], strides = [1, 1]} : vector<8x1024xi32> to vector<8x2xi32>
      %concatenate3A_1169 = tpu.concatenate %slice3A_1167, %slice3A_1168 in 1 : vector<8x1022xi32>, vector<8x2xi32> -> vector<8x1024xi32>
      %select_n3A_1170 = arith.select %ne3A_1163, %concatenate3A_1166, %concatenate3A_1169 : vector<8x1024xi1>, vector<8x1024xi32>
      %slice3A_1171 = vector.extract_strided_slice %select_n3A_1157 {offsets = [0, 1022], sizes = [8, 2], strides = [1, 1]} : vector<8x1024xi32> to vector<8x2xi32>
      %slice3A_1172 = vector.extract_strided_slice %select_n3A_1157 {offsets = [0, 0], sizes = [8, 1022], strides = [1, 1]} : vector<8x1024xi32> to vector<8x1022xi32>
      %concatenate3A_1173 = tpu.concatenate %slice3A_1171, %slice3A_1172 in 1 : vector<8x2xi32>, vector<8x1022xi32> -> vector<8x1024xi32>
      %slice3A_1174 = vector.extract_strided_slice %select_n3A_1157 {offsets = [0, 2], sizes = [8, 1022], strides = [1, 1]} : vector<8x1024xi32> to vector<8x1022xi32>
      %slice3A_1175 = vector.extract_strided_slice %select_n3A_1157 {offsets = [0, 0], sizes = [8, 2], strides = [1, 1]} : vector<8x1024xi32> to vector<8x2xi32>
      %concatenate3A_1176 = tpu.concatenate %slice3A_1174, %slice3A_1175 in 1 : vector<8x1022xi32>, vector<8x2xi32> -> vector<8x1024xi32>
      %select_n3A_1177 = arith.select %ne3A_1163, %concatenate3A_1173, %concatenate3A_1176 : vector<8x1024xi1>, vector<8x1024xi32>
      %gt3A_1178 = arith.cmpi sgt, %select_n3A_1156, %select_n3A_1170 : vector<8x1024xi32>
      %eq3A_1179 = arith.cmpi eq, %select_n3A_1156, %select_n3A_1170 : vector<8x1024xi32>
      %lt3A_1180 = arith.cmpi slt, %select_n3A_1157, %select_n3A_1177 : vector<8x1024xi32>
      %and3A_1181 = arith.andi %eq3A_1179, %lt3A_1180 : vector<8x1024xi1>
      %or3A_1182 = arith.ori %gt3A_1178, %and3A_1181 : vector<8x1024xi1>
      %xor3A_1183 = arith.xori %or3A_1182, %eq3A_971 : vector<8x1024xi1>
      %not3A_1184 = arith.constant dense<true> : vector<8x1024xi1>
      %not3A_1185 = arith.xori %ne3A_1163, %not3A_1184 : vector<8x1024xi1>
      %xor3A_1186 = arith.xori %xor3A_1183, %not3A_1185 : vector<8x1024xi1>
      %select_n3A_1187 = arith.select %xor3A_1186, %select_n3A_1156, %select_n3A_1170 : vector<8x1024xi1>, vector<8x1024xi32>
      %select_n3A_1188 = arith.select %xor3A_1186, %select_n3A_1157, %select_n3A_1177 : vector<8x1024xi1>, vector<8x1024xi32>
      %and3A_1189 = arith.constant 1 : i32
      %and3A_1190 = vector.broadcast %and3A_1189 : i32 to vector<8x1024xi32>
      %and3A_1191 = arith.andi %iota3A, %and3A_1190 : vector<8x1024xi32>
      %ne3A_1192 = arith.constant 0 : i32
      %ne3A_1193 = vector.broadcast %ne3A_1192 : i32 to vector<8x1024xi32>
      %ne3A_1194 = arith.cmpi ne, %and3A_1191, %ne3A_1193 : vector<8x1024xi32>
      %slice3A_1195 = vector.extract_strided_slice %select_n3A_1187 {offsets = [0, 1023], sizes = [8, 1], strides = [1, 1]} : vector<8x1024xi32> to vector<8x1xi32>
      %slice3A_1196 = vector.extract_strided_slice %select_n3A_1187 {offsets = [0, 0], sizes = [8, 1023], strides = [1, 1]} : vector<8x1024xi32> to vector<8x1023xi32>
      %concatenate3A_1197 = tpu.concatenate %slice3A_1195, %slice3A_1196 in 1 : vector<8x1xi32>, vector<8x1023xi32> -> vector<8x1024xi32>
      %slice3A_1198 = vector.extract_strided_slice %select_n3A_1187 {offsets = [0, 1], sizes = [8, 1023], strides = [1, 1]} : vector<8x1024xi32> to vector<8x1023xi32>
      %slice3A_1199 = vector.extract_strided_slice %select_n3A_1187 {offsets = [0, 0], sizes = [8, 1], strides = [1, 1]} : vector<8x1024xi32> to vector<8x1xi32>
      %concatenate3A_1200 = tpu.concatenate %slice3A_1198, %slice3A_1199 in 1 : vector<8x1023xi32>, vector<8x1xi32> -> vector<8x1024xi32>
      %select_n3A_1201 = arith.select %ne3A_1194, %concatenate3A_1197, %concatenate3A_1200 : vector<8x1024xi1>, vector<8x1024xi32>
      %slice3A_1202 = vector.extract_strided_slice %select_n3A_1188 {offsets = [0, 1023], sizes = [8, 1], strides = [1, 1]} : vector<8x1024xi32> to vector<8x1xi32>
      %slice3A_1203 = vector.extract_strided_slice %select_n3A_1188 {offsets = [0, 0], sizes = [8, 1023], strides = [1, 1]} : vector<8x1024xi32> to vector<8x1023xi32>
      %concatenate3A_1204 = tpu.concatenate %slice3A_1202, %slice3A_1203 in 1 : vector<8x1xi32>, vector<8x1023xi32> -> vector<8x1024xi32>
      %slice3A_1205 = vector.extract_strided_slice %select_n3A_1188 {offsets = [0, 1], sizes = [8, 1023], strides = [1, 1]} : vector<8x1024xi32> to vector<8x1023xi32>
      %slice3A_1206 = vector.extract_strided_slice %select_n3A_1188 {offsets = [0, 0], sizes = [8, 1], strides = [1, 1]} : vector<8x1024xi32> to vector<8x1xi32>
      %concatenate3A_1207 = tpu.concatenate %slice3A_1205, %slice3A_1206 in 1 : vector<8x1023xi32>, vector<8x1xi32> -> vector<8x1024xi32>
      %select_n3A_1208 = arith.select %ne3A_1194, %concatenate3A_1204, %concatenate3A_1207 : vector<8x1024xi1>, vector<8x1024xi32>
      %gt3A_1209 = arith.cmpi sgt, %select_n3A_1187, %select_n3A_1201 : vector<8x1024xi32>
      %eq3A_1210 = arith.cmpi eq, %select_n3A_1187, %select_n3A_1201 : vector<8x1024xi32>
      %lt3A_1211 = arith.cmpi slt, %select_n3A_1188, %select_n3A_1208 : vector<8x1024xi32>
      %and3A_1212 = arith.andi %eq3A_1210, %lt3A_1211 : vector<8x1024xi1>
      %or3A_1213 = arith.ori %gt3A_1209, %and3A_1212 : vector<8x1024xi1>
      %xor3A_1214 = arith.xori %or3A_1213, %eq3A_971 : vector<8x1024xi1>
      %not3A_1215 = arith.constant dense<true> : vector<8x1024xi1>
      %not3A_1216 = arith.xori %ne3A_1194, %not3A_1215 : vector<8x1024xi1>
      %xor3A_1217 = arith.xori %xor3A_1214, %not3A_1216 : vector<8x1024xi1>
      %select_n3A_1218 = arith.select %xor3A_1217, %select_n3A_1187, %select_n3A_1201 : vector<8x1024xi1>, vector<8x1024xi32>
      %select_n3A_1219 = arith.select %xor3A_1217, %select_n3A_1188, %select_n3A_1208 : vector<8x1024xi1>, vector<8x1024xi32>
      %and3A_1220 = arith.constant 512 : i32
      %and3A_1221 = vector.broadcast %and3A_1220 : i32 to vector<8x1024xi32>
      %and3A_1222 = arith.andi %iota3A, %and3A_1221 : vector<8x1024xi32>
      %eq3A_1223 = arith.constant 0 : i32
      %eq3A_1224 = vector.broadcast %eq3A_1223 : i32 to vector<8x1024xi32>
      %eq3A_1225 = arith.cmpi eq, %and3A_1222, %eq3A_1224 : vector<8x1024xi32>
      %and3A_1226 = arith.constant 256 : i32
      %and3A_1227 = vector.broadcast %and3A_1226 : i32 to vector<8x1024xi32>
      %and3A_1228 = arith.andi %iota3A, %and3A_1227 : vector<8x1024xi32>
      %ne3A_1229 = arith.constant 0 : i32
      %ne3A_1230 = vector.broadcast %ne3A_1229 : i32 to vector<8x1024xi32>
      %ne3A_1231 = arith.cmpi ne, %and3A_1228, %ne3A_1230 : vector<8x1024xi32>
      %slice3A_1232 = vector.extract_strided_slice %select_n3A_1218 {offsets = [0, 768], sizes = [8, 256], strides = [1, 1]} : vector<8x1024xi32> to vector<8x256xi32>
      %slice3A_1233 = vector.extract_strided_slice %select_n3A_1218 {offsets = [0, 0], sizes = [8, 768], strides = [1, 1]} : vector<8x1024xi32> to vector<8x768xi32>
      %concatenate3A_1234 = tpu.concatenate %slice3A_1232, %slice3A_1233 in 1 : vector<8x256xi32>, vector<8x768xi32> -> vector<8x1024xi32>
      %slice3A_1235 = vector.extract_strided_slice %select_n3A_1218 {offsets = [0, 256], sizes = [8, 768], strides = [1, 1]} : vector<8x1024xi32> to vector<8x768xi32>
      %slice3A_1236 = vector.extract_strided_slice %select_n3A_1218 {offsets = [0, 0], sizes = [8, 256], strides = [1, 1]} : vector<8x1024xi32> to vector<8x256xi32>
      %concatenate3A_1237 = tpu.concatenate %slice3A_1235, %slice3A_1236 in 1 : vector<8x768xi32>, vector<8x256xi32> -> vector<8x1024xi32>
      %select_n3A_1238 = arith.select %ne3A_1231, %concatenate3A_1234, %concatenate3A_1237 : vector<8x1024xi1>, vector<8x1024xi32>
      %slice3A_1239 = vector.extract_strided_slice %select_n3A_1219 {offsets = [0, 768], sizes = [8, 256], strides = [1, 1]} : vector<8x1024xi32> to vector<8x256xi32>
      %slice3A_1240 = vector.extract_strided_slice %select_n3A_1219 {offsets = [0, 0], sizes = [8, 768], strides = [1, 1]} : vector<8x1024xi32> to vector<8x768xi32>
      %concatenate3A_1241 = tpu.concatenate %slice3A_1239, %slice3A_1240 in 1 : vector<8x256xi32>, vector<8x768xi32> -> vector<8x1024xi32>
      %slice3A_1242 = vector.extract_strided_slice %select_n3A_1219 {offsets = [0, 256], sizes = [8, 768], strides = [1, 1]} : vector<8x1024xi32> to vector<8x768xi32>
      %slice3A_1243 = vector.extract_strided_slice %select_n3A_1219 {offsets = [0, 0], sizes = [8, 256], strides = [1, 1]} : vector<8x1024xi32> to vector<8x256xi32>
      %concatenate3A_1244 = tpu.concatenate %slice3A_1242, %slice3A_1243 in 1 : vector<8x768xi32>, vector<8x256xi32> -> vector<8x1024xi32>
      %select_n3A_1245 = arith.select %ne3A_1231, %concatenate3A_1241, %concatenate3A_1244 : vector<8x1024xi1>, vector<8x1024xi32>
      %gt3A_1246 = arith.cmpi sgt, %select_n3A_1218, %select_n3A_1238 : vector<8x1024xi32>
      %eq3A_1247 = arith.cmpi eq, %select_n3A_1218, %select_n3A_1238 : vector<8x1024xi32>
      %lt3A_1248 = arith.cmpi slt, %select_n3A_1219, %select_n3A_1245 : vector<8x1024xi32>
      %and3A_1249 = arith.andi %eq3A_1247, %lt3A_1248 : vector<8x1024xi1>
      %or3A_1250 = arith.ori %gt3A_1246, %and3A_1249 : vector<8x1024xi1>
      %xor3A_1251 = arith.xori %or3A_1250, %eq3A_1225 : vector<8x1024xi1>
      %not3A_1252 = arith.constant dense<true> : vector<8x1024xi1>
      %not3A_1253 = arith.xori %ne3A_1231, %not3A_1252 : vector<8x1024xi1>
      %xor3A_1254 = arith.xori %xor3A_1251, %not3A_1253 : vector<8x1024xi1>
      %select_n3A_1255 = arith.select %xor3A_1254, %select_n3A_1218, %select_n3A_1238 : vector<8x1024xi1>, vector<8x1024xi32>
      %select_n3A_1256 = arith.select %xor3A_1254, %select_n3A_1219, %select_n3A_1245 : vector<8x1024xi1>, vector<8x1024xi32>
      %and3A_1257 = arith.constant 128 : i32
      %and3A_1258 = vector.broadcast %and3A_1257 : i32 to vector<8x1024xi32>
      %and3A_1259 = arith.andi %iota3A, %and3A_1258 : vector<8x1024xi32>
      %ne3A_1260 = arith.constant 0 : i32
      %ne3A_1261 = vector.broadcast %ne3A_1260 : i32 to vector<8x1024xi32>
      %ne3A_1262 = arith.cmpi ne, %and3A_1259, %ne3A_1261 : vector<8x1024xi32>
      %slice3A_1263 = vector.extract_strided_slice %select_n3A_1255 {offsets = [0, 896], sizes = [8, 128], strides = [1, 1]} : vector<8x1024xi32> to vector<8x128xi32>
      %slice3A_1264 = vector.extract_strided_slice %select_n3A_1255 {offsets = [0, 0], sizes = [8, 896], strides = [1, 1]} : vector<8x1024xi32> to vector<8x896xi32>
      %concatenate3A_1265 = tpu.concatenate %slice3A_1263, %slice3A_1264 in 1 : vector<8x128xi32>, vector<8x896xi32> -> vector<8x1024xi32>
      %slice3A_1266 = vector.extract_strided_slice %select_n3A_1255 {offsets = [0, 128], sizes = [8, 896], strides = [1, 1]} : vector<8x1024xi32> to vector<8x896xi32>
      %slice3A_1267 = vector.extract_strided_slice %select_n3A_1255 {offsets = [0, 0], sizes = [8, 128], strides = [1, 1]} : vector<8x1024xi32> to vector<8x128xi32>
      %concatenate3A_1268 = tpu.concatenate %slice3A_1266, %slice3A_1267 in 1 : vector<8x896xi32>, vector<8x128xi32> -> vector<8x1024xi32>
      %select_n3A_1269 = arith.select %ne3A_1262, %concatenate3A_1265, %concatenate3A_1268 : vector<8x1024xi1>, vector<8x1024xi32>
      %slice3A_1270 = vector.extract_strided_slice %select_n3A_1256 {offsets = [0, 896], sizes = [8, 128], strides = [1, 1]} : vector<8x1024xi32> to vector<8x128xi32>
      %slice3A_1271 = vector.extract_strided_slice %select_n3A_1256 {offsets = [0, 0], sizes = [8, 896], strides = [1, 1]} : vector<8x1024xi32> to vector<8x896xi32>
      %concatenate3A_1272 = tpu.concatenate %slice3A_1270, %slice3A_1271 in 1 : vector<8x128xi32>, vector<8x896xi32> -> vector<8x1024xi32>
      %slice3A_1273 = vector.extract_strided_slice %select_n3A_1256 {offsets = [0, 128], sizes = [8, 896], strides = [1, 1]} : vector<8x1024xi32> to vector<8x896xi32>
      %slice3A_1274 = vector.extract_strided_slice %select_n3A_1256 {offsets = [0, 0], sizes = [8, 128], strides = [1, 1]} : vector<8x1024xi32> to vector<8x128xi32>
      %concatenate3A_1275 = tpu.concatenate %slice3A_1273, %slice3A_1274 in 1 : vector<8x896xi32>, vector<8x128xi32> -> vector<8x1024xi32>
      %select_n3A_1276 = arith.select %ne3A_1262, %concatenate3A_1272, %concatenate3A_1275 : vector<8x1024xi1>, vector<8x1024xi32>
      %gt3A_1277 = arith.cmpi sgt, %select_n3A_1255, %select_n3A_1269 : vector<8x1024xi32>
      %eq3A_1278 = arith.cmpi eq, %select_n3A_1255, %select_n3A_1269 : vector<8x1024xi32>
      %lt3A_1279 = arith.cmpi slt, %select_n3A_1256, %select_n3A_1276 : vector<8x1024xi32>
      %and3A_1280 = arith.andi %eq3A_1278, %lt3A_1279 : vector<8x1024xi1>
      %or3A_1281 = arith.ori %gt3A_1277, %and3A_1280 : vector<8x1024xi1>
      %xor3A_1282 = arith.xori %or3A_1281, %eq3A_1225 : vector<8x1024xi1>
      %not3A_1283 = arith.constant dense<true> : vector<8x1024xi1>
      %not3A_1284 = arith.xori %ne3A_1262, %not3A_1283 : vector<8x1024xi1>
      %xor3A_1285 = arith.xori %xor3A_1282, %not3A_1284 : vector<8x1024xi1>
      %select_n3A_1286 = arith.select %xor3A_1285, %select_n3A_1255, %select_n3A_1269 : vector<8x1024xi1>, vector<8x1024xi32>
      %select_n3A_1287 = arith.select %xor3A_1285, %select_n3A_1256, %select_n3A_1276 : vector<8x1024xi1>, vector<8x1024xi32>
      %and3A_1288 = arith.constant 64 : i32
      %and3A_1289 = vector.broadcast %and3A_1288 : i32 to vector<8x1024xi32>
      %and3A_1290 = arith.andi %iota3A, %and3A_1289 : vector<8x1024xi32>
      %ne3A_1291 = arith.constant 0 : i32
      %ne3A_1292 = vector.broadcast %ne3A_1291 : i32 to vector<8x1024xi32>
      %ne3A_1293 = arith.cmpi ne, %and3A_1290, %ne3A_1292 : vector<8x1024xi32>
      %slice3A_1294 = vector.extract_strided_slice %select_n3A_1286 {offsets = [0, 960], sizes = [8, 64], strides = [1, 1]} : vector<8x1024xi32> to vector<8x64xi32>
      %slice3A_1295 = vector.extract_strided_slice %select_n3A_1286 {offsets = [0, 0], sizes = [8, 960], strides = [1, 1]} : vector<8x1024xi32> to vector<8x960xi32>
      %concatenate3A_1296 = tpu.concatenate %slice3A_1294, %slice3A_1295 in 1 : vector<8x64xi32>, vector<8x960xi32> -> vector<8x1024xi32>
      %slice3A_1297 = vector.extract_strided_slice %select_n3A_1286 {offsets = [0, 64], sizes = [8, 960], strides = [1, 1]} : vector<8x1024xi32> to vector<8x960xi32>
      %slice3A_1298 = vector.extract_strided_slice %select_n3A_1286 {offsets = [0, 0], sizes = [8, 64], strides = [1, 1]} : vector<8x1024xi32> to vector<8x64xi32>
      %concatenate3A_1299 = tpu.concatenate %slice3A_1297, %slice3A_1298 in 1 : vector<8x960xi32>, vector<8x64xi32> -> vector<8x1024xi32>
      %select_n3A_1300 = arith.select %ne3A_1293, %concatenate3A_1296, %concatenate3A_1299 : vector<8x1024xi1>, vector<8x1024xi32>
      %slice3A_1301 = vector.extract_strided_slice %select_n3A_1287 {offsets = [0, 960], sizes = [8, 64], strides = [1, 1]} : vector<8x1024xi32> to vector<8x64xi32>
      %slice3A_1302 = vector.extract_strided_slice %select_n3A_1287 {offsets = [0, 0], sizes = [8, 960], strides = [1, 1]} : vector<8x1024xi32> to vector<8x960xi32>
      %concatenate3A_1303 = tpu.concatenate %slice3A_1301, %slice3A_1302 in 1 : vector<8x64xi32>, vector<8x960xi32> -> vector<8x1024xi32>
      %slice3A_1304 = vector.extract_strided_slice %select_n3A_1287 {offsets = [0, 64], sizes = [8, 960], strides = [1, 1]} : vector<8x1024xi32> to vector<8x960xi32>
      %slice3A_1305 = vector.extract_strided_slice %select_n3A_1287 {offsets = [0, 0], sizes = [8, 64], strides = [1, 1]} : vector<8x1024xi32> to vector<8x64xi32>
      %concatenate3A_1306 = tpu.concatenate %slice3A_1304, %slice3A_1305 in 1 : vector<8x960xi32>, vector<8x64xi32> -> vector<8x1024xi32>
      %select_n3A_1307 = arith.select %ne3A_1293, %concatenate3A_1303, %concatenate3A_1306 : vector<8x1024xi1>, vector<8x1024xi32>
      %gt3A_1308 = arith.cmpi sgt, %select_n3A_1286, %select_n3A_1300 : vector<8x1024xi32>
      %eq3A_1309 = arith.cmpi eq, %select_n3A_1286, %select_n3A_1300 : vector<8x1024xi32>
      %lt3A_1310 = arith.cmpi slt, %select_n3A_1287, %select_n3A_1307 : vector<8x1024xi32>
      %and3A_1311 = arith.andi %eq3A_1309, %lt3A_1310 : vector<8x1024xi1>
      %or3A_1312 = arith.ori %gt3A_1308, %and3A_1311 : vector<8x1024xi1>
      %xor3A_1313 = arith.xori %or3A_1312, %eq3A_1225 : vector<8x1024xi1>
      %not3A_1314 = arith.constant dense<true> : vector<8x1024xi1>
      %not3A_1315 = arith.xori %ne3A_1293, %not3A_1314 : vector<8x1024xi1>
      %xor3A_1316 = arith.xori %xor3A_1313, %not3A_1315 : vector<8x1024xi1>
      %select_n3A_1317 = arith.select %xor3A_1316, %select_n3A_1286, %select_n3A_1300 : vector<8x1024xi1>, vector<8x1024xi32>
      %select_n3A_1318 = arith.select %xor3A_1316, %select_n3A_1287, %select_n3A_1307 : vector<8x1024xi1>, vector<8x1024xi32>
      %and3A_1319 = arith.constant 32 : i32
      %and3A_1320 = vector.broadcast %and3A_1319 : i32 to vector<8x1024xi32>
      %and3A_1321 = arith.andi %iota3A, %and3A_1320 : vector<8x1024xi32>
      %ne3A_1322 = arith.constant 0 : i32
      %ne3A_1323 = vector.broadcast %ne3A_1322 : i32 to vector<8x1024xi32>
      %ne3A_1324 = arith.cmpi ne, %and3A_1321, %ne3A_1323 : vector<8x1024xi32>
      %slice3A_1325 = vector.extract_strided_slice %select_n3A_1317 {offsets = [0, 992], sizes = [8, 32], strides = [1, 1]} : vector<8x1024xi32> to vector<8x32xi32>
      %slice3A_1326 = vector.extract_strided_slice %select_n3A_1317 {offsets = [0, 0], sizes = [8, 992], strides = [1, 1]} : vector<8x1024xi32> to vector<8x992xi32>
      %concatenate3A_1327 = tpu.concatenate %slice3A_1325, %slice3A_1326 in 1 : vector<8x32xi32>, vector<8x992xi32> -> vector<8x1024xi32>
      %slice3A_1328 = vector.extract_strided_slice %select_n3A_1317 {offsets = [0, 32], sizes = [8, 992], strides = [1, 1]} : vector<8x1024xi32> to vector<8x992xi32>
      %slice3A_1329 = vector.extract_strided_slice %select_n3A_1317 {offsets = [0, 0], sizes = [8, 32], strides = [1, 1]} : vector<8x1024xi32> to vector<8x32xi32>
      %concatenate3A_1330 = tpu.concatenate %slice3A_1328, %slice3A_1329 in 1 : vector<8x992xi32>, vector<8x32xi32> -> vector<8x1024xi32>
      %select_n3A_1331 = arith.select %ne3A_1324, %concatenate3A_1327, %concatenate3A_1330 : vector<8x1024xi1>, vector<8x1024xi32>
      %slice3A_1332 = vector.extract_strided_slice %select_n3A_1318 {offsets = [0, 992], sizes = [8, 32], strides = [1, 1]} : vector<8x1024xi32> to vector<8x32xi32>
      %slice3A_1333 = vector.extract_strided_slice %select_n3A_1318 {offsets = [0, 0], sizes = [8, 992], strides = [1, 1]} : vector<8x1024xi32> to vector<8x992xi32>
      %concatenate3A_1334 = tpu.concatenate %slice3A_1332, %slice3A_1333 in 1 : vector<8x32xi32>, vector<8x992xi32> -> vector<8x1024xi32>
      %slice3A_1335 = vector.extract_strided_slice %select_n3A_1318 {offsets = [0, 32], sizes = [8, 992], strides = [1, 1]} : vector<8x1024xi32> to vector<8x992xi32>
      %slice3A_1336 = vector.extract_strided_slice %select_n3A_1318 {offsets = [0, 0], sizes = [8, 32], strides = [1, 1]} : vector<8x1024xi32> to vector<8x32xi32>
      %concatenate3A_1337 = tpu.concatenate %slice3A_1335, %slice3A_1336 in 1 : vector<8x992xi32>, vector<8x32xi32> -> vector<8x1024xi32>
      %select_n3A_1338 = arith.select %ne3A_1324, %concatenate3A_1334, %concatenate3A_1337 : vector<8x1024xi1>, vector<8x1024xi32>
      %gt3A_1339 = arith.cmpi sgt, %select_n3A_1317, %select_n3A_1331 : vector<8x1024xi32>
      %eq3A_1340 = arith.cmpi eq, %select_n3A_1317, %select_n3A_1331 : vector<8x1024xi32>
      %lt3A_1341 = arith.cmpi slt, %select_n3A_1318, %select_n3A_1338 : vector<8x1024xi32>
      %and3A_1342 = arith.andi %eq3A_1340, %lt3A_1341 : vector<8x1024xi1>
      %or3A_1343 = arith.ori %gt3A_1339, %and3A_1342 : vector<8x1024xi1>
      %xor3A_1344 = arith.xori %or3A_1343, %eq3A_1225 : vector<8x1024xi1>
      %not3A_1345 = arith.constant dense<true> : vector<8x1024xi1>
      %not3A_1346 = arith.xori %ne3A_1324, %not3A_1345 : vector<8x1024xi1>
      %xor3A_1347 = arith.xori %xor3A_1344, %not3A_1346 : vector<8x1024xi1>
      %select_n3A_1348 = arith.select %xor3A_1347, %select_n3A_1317, %select_n3A_1331 : vector<8x1024xi1>, vector<8x1024xi32>
      %select_n3A_1349 = arith.select %xor3A_1347, %select_n3A_1318, %select_n3A_1338 : vector<8x1024xi1>, vector<8x1024xi32>
      %and3A_1350 = arith.constant 16 : i32
      %and3A_1351 = vector.broadcast %and3A_1350 : i32 to vector<8x1024xi32>
      %and3A_1352 = arith.andi %iota3A, %and3A_1351 : vector<8x1024xi32>
      %ne3A_1353 = arith.constant 0 : i32
      %ne3A_1354 = vector.broadcast %ne3A_1353 : i32 to vector<8x1024xi32>
      %ne3A_1355 = arith.cmpi ne, %and3A_1352, %ne3A_1354 : vector<8x1024xi32>
      %slice3A_1356 = vector.extract_strided_slice %select_n3A_1348 {offsets = [0, 1008], sizes = [8, 16], strides = [1, 1]} : vector<8x1024xi32> to vector<8x16xi32>
      %slice3A_1357 = vector.extract_strided_slice %select_n3A_1348 {offsets = [0, 0], sizes = [8, 1008], strides = [1, 1]} : vector<8x1024xi32> to vector<8x1008xi32>
      %concatenate3A_1358 = tpu.concatenate %slice3A_1356, %slice3A_1357 in 1 : vector<8x16xi32>, vector<8x1008xi32> -> vector<8x1024xi32>
      %slice3A_1359 = vector.extract_strided_slice %select_n3A_1348 {offsets = [0, 16], sizes = [8, 1008], strides = [1, 1]} : vector<8x1024xi32> to vector<8x1008xi32>
      %slice3A_1360 = vector.extract_strided_slice %select_n3A_1348 {offsets = [0, 0], sizes = [8, 16], strides = [1, 1]} : vector<8x1024xi32> to vector<8x16xi32>
      %concatenate3A_1361 = tpu.concatenate %slice3A_1359, %slice3A_1360 in 1 : vector<8x1008xi32>, vector<8x16xi32> -> vector<8x1024xi32>
      %select_n3A_1362 = arith.select %ne3A_1355, %concatenate3A_1358, %concatenate3A_1361 : vector<8x1024xi1>, vector<8x1024xi32>
      %slice3A_1363 = vector.extract_strided_slice %select_n3A_1349 {offsets = [0, 1008], sizes = [8, 16], strides = [1, 1]} : vector<8x1024xi32> to vector<8x16xi32>
      %slice3A_1364 = vector.extract_strided_slice %select_n3A_1349 {offsets = [0, 0], sizes = [8, 1008], strides = [1, 1]} : vector<8x1024xi32> to vector<8x1008xi32>
      %concatenate3A_1365 = tpu.concatenate %slice3A_1363, %slice3A_1364 in 1 : vector<8x16xi32>, vector<8x1008xi32> -> vector<8x1024xi32>
      %slice3A_1366 = vector.extract_strided_slice %select_n3A_1349 {offsets = [0, 16], sizes = [8, 1008], strides = [1, 1]} : vector<8x1024xi32> to vector<8x1008xi32>
      %slice3A_1367 = vector.extract_strided_slice %select_n3A_1349 {offsets = [0, 0], sizes = [8, 16], strides = [1, 1]} : vector<8x1024xi32> to vector<8x16xi32>
      %concatenate3A_1368 = tpu.concatenate %slice3A_1366, %slice3A_1367 in 1 : vector<8x1008xi32>, vector<8x16xi32> -> vector<8x1024xi32>
      %select_n3A_1369 = arith.select %ne3A_1355, %concatenate3A_1365, %concatenate3A_1368 : vector<8x1024xi1>, vector<8x1024xi32>
      %gt3A_1370 = arith.cmpi sgt, %select_n3A_1348, %select_n3A_1362 : vector<8x1024xi32>
      %eq3A_1371 = arith.cmpi eq, %select_n3A_1348, %select_n3A_1362 : vector<8x1024xi32>
      %lt3A_1372 = arith.cmpi slt, %select_n3A_1349, %select_n3A_1369 : vector<8x1024xi32>
      %and3A_1373 = arith.andi %eq3A_1371, %lt3A_1372 : vector<8x1024xi1>
      %or3A_1374 = arith.ori %gt3A_1370, %and3A_1373 : vector<8x1024xi1>
      %xor3A_1375 = arith.xori %or3A_1374, %eq3A_1225 : vector<8x1024xi1>
      %not3A_1376 = arith.constant dense<true> : vector<8x1024xi1>
      %not3A_1377 = arith.xori %ne3A_1355, %not3A_1376 : vector<8x1024xi1>
      %xor3A_1378 = arith.xori %xor3A_1375, %not3A_1377 : vector<8x1024xi1>
      %select_n3A_1379 = arith.select %xor3A_1378, %select_n3A_1348, %select_n3A_1362 : vector<8x1024xi1>, vector<8x1024xi32>
      %select_n3A_1380 = arith.select %xor3A_1378, %select_n3A_1349, %select_n3A_1369 : vector<8x1024xi1>, vector<8x1024xi32>
      %and3A_1381 = arith.constant 8 : i32
      %and3A_1382 = vector.broadcast %and3A_1381 : i32 to vector<8x1024xi32>
      %and3A_1383 = arith.andi %iota3A, %and3A_1382 : vector<8x1024xi32>
      %ne3A_1384 = arith.constant 0 : i32
      %ne3A_1385 = vector.broadcast %ne3A_1384 : i32 to vector<8x1024xi32>
      %ne3A_1386 = arith.cmpi ne, %and3A_1383, %ne3A_1385 : vector<8x1024xi32>
      %slice3A_1387 = vector.extract_strided_slice %select_n3A_1379 {offsets = [0, 1016], sizes = [8, 8], strides = [1, 1]} : vector<8x1024xi32> to vector<8x8xi32>
      %slice3A_1388 = vector.extract_strided_slice %select_n3A_1379 {offsets = [0, 0], sizes = [8, 1016], strides = [1, 1]} : vector<8x1024xi32> to vector<8x1016xi32>
      %concatenate3A_1389 = tpu.concatenate %slice3A_1387, %slice3A_1388 in 1 : vector<8x8xi32>, vector<8x1016xi32> -> vector<8x1024xi32>
      %slice3A_1390 = vector.extract_strided_slice %select_n3A_1379 {offsets = [0, 8], sizes = [8, 1016], strides = [1, 1]} : vector<8x1024xi32> to vector<8x1016xi32>
      %slice3A_1391 = vector.extract_strided_slice %select_n3A_1379 {offsets = [0, 0], sizes = [8, 8], strides = [1, 1]} : vector<8x1024xi32> to vector<8x8xi32>
      %concatenate3A_1392 = tpu.concatenate %slice3A_1390, %slice3A_1391 in 1 : vector<8x1016xi32>, vector<8x8xi32> -> vector<8x1024xi32>
      %select_n3A_1393 = arith.select %ne3A_1386, %concatenate3A_1389, %concatenate3A_1392 : vector<8x1024xi1>, vector<8x1024xi32>
      %slice3A_1394 = vector.extract_strided_slice %select_n3A_1380 {offsets = [0, 1016], sizes = [8, 8], strides = [1, 1]} : vector<8x1024xi32> to vector<8x8xi32>
      %slice3A_1395 = vector.extract_strided_slice %select_n3A_1380 {offsets = [0, 0], sizes = [8, 1016], strides = [1, 1]} : vector<8x1024xi32> to vector<8x1016xi32>
      %concatenate3A_1396 = tpu.concatenate %slice3A_1394, %slice3A_1395 in 1 : vector<8x8xi32>, vector<8x1016xi32> -> vector<8x1024xi32>
      %slice3A_1397 = vector.extract_strided_slice %select_n3A_1380 {offsets = [0, 8], sizes = [8, 1016], strides = [1, 1]} : vector<8x1024xi32> to vector<8x1016xi32>
      %slice3A_1398 = vector.extract_strided_slice %select_n3A_1380 {offsets = [0, 0], sizes = [8, 8], strides = [1, 1]} : vector<8x1024xi32> to vector<8x8xi32>
      %concatenate3A_1399 = tpu.concatenate %slice3A_1397, %slice3A_1398 in 1 : vector<8x1016xi32>, vector<8x8xi32> -> vector<8x1024xi32>
      %select_n3A_1400 = arith.select %ne3A_1386, %concatenate3A_1396, %concatenate3A_1399 : vector<8x1024xi1>, vector<8x1024xi32>
      %gt3A_1401 = arith.cmpi sgt, %select_n3A_1379, %select_n3A_1393 : vector<8x1024xi32>
      %eq3A_1402 = arith.cmpi eq, %select_n3A_1379, %select_n3A_1393 : vector<8x1024xi32>
      %lt3A_1403 = arith.cmpi slt, %select_n3A_1380, %select_n3A_1400 : vector<8x1024xi32>
      %and3A_1404 = arith.andi %eq3A_1402, %lt3A_1403 : vector<8x1024xi1>
      %or3A_1405 = arith.ori %gt3A_1401, %and3A_1404 : vector<8x1024xi1>
      %xor3A_1406 = arith.xori %or3A_1405, %eq3A_1225 : vector<8x1024xi1>
      %not3A_1407 = arith.constant dense<true> : vector<8x1024xi1>
      %not3A_1408 = arith.xori %ne3A_1386, %not3A_1407 : vector<8x1024xi1>
      %xor3A_1409 = arith.xori %xor3A_1406, %not3A_1408 : vector<8x1024xi1>
      %select_n3A_1410 = arith.select %xor3A_1409, %select_n3A_1379, %select_n3A_1393 : vector<8x1024xi1>, vector<8x1024xi32>
      %select_n3A_1411 = arith.select %xor3A_1409, %select_n3A_1380, %select_n3A_1400 : vector<8x1024xi1>, vector<8x1024xi32>
      %and3A_1412 = arith.constant 4 : i32
      %and3A_1413 = vector.broadcast %and3A_1412 : i32 to vector<8x1024xi32>
      %and3A_1414 = arith.andi %iota3A, %and3A_1413 : vector<8x1024xi32>
      %ne3A_1415 = arith.constant 0 : i32
      %ne3A_1416 = vector.broadcast %ne3A_1415 : i32 to vector<8x1024xi32>
      %ne3A_1417 = arith.cmpi ne, %and3A_1414, %ne3A_1416 : vector<8x1024xi32>
      %slice3A_1418 = vector.extract_strided_slice %select_n3A_1410 {offsets = [0, 1020], sizes = [8, 4], strides = [1, 1]} : vector<8x1024xi32> to vector<8x4xi32>
      %slice3A_1419 = vector.extract_strided_slice %select_n3A_1410 {offsets = [0, 0], sizes = [8, 1020], strides = [1, 1]} : vector<8x1024xi32> to vector<8x1020xi32>
      %concatenate3A_1420 = tpu.concatenate %slice3A_1418, %slice3A_1419 in 1 : vector<8x4xi32>, vector<8x1020xi32> -> vector<8x1024xi32>
      %slice3A_1421 = vector.extract_strided_slice %select_n3A_1410 {offsets = [0, 4], sizes = [8, 1020], strides = [1, 1]} : vector<8x1024xi32> to vector<8x1020xi32>
      %slice3A_1422 = vector.extract_strided_slice %select_n3A_1410 {offsets = [0, 0], sizes = [8, 4], strides = [1, 1]} : vector<8x1024xi32> to vector<8x4xi32>
      %concatenate3A_1423 = tpu.concatenate %slice3A_1421, %slice3A_1422 in 1 : vector<8x1020xi32>, vector<8x4xi32> -> vector<8x1024xi32>
      %select_n3A_1424 = arith.select %ne3A_1417, %concatenate3A_1420, %concatenate3A_1423 : vector<8x1024xi1>, vector<8x1024xi32>
      %slice3A_1425 = vector.extract_strided_slice %select_n3A_1411 {offsets = [0, 1020], sizes = [8, 4], strides = [1, 1]} : vector<8x1024xi32> to vector<8x4xi32>
      %slice3A_1426 = vector.extract_strided_slice %select_n3A_1411 {offsets = [0, 0], sizes = [8, 1020], strides = [1, 1]} : vector<8x1024xi32> to vector<8x1020xi32>
      %concatenate3A_1427 = tpu.concatenate %slice3A_1425, %slice3A_1426 in 1 : vector<8x4xi32>, vector<8x1020xi32> -> vector<8x1024xi32>
      %slice3A_1428 = vector.extract_strided_slice %select_n3A_1411 {offsets = [0, 4], sizes = [8, 1020], strides = [1, 1]} : vector<8x1024xi32> to vector<8x1020xi32>
      %slice3A_1429 = vector.extract_strided_slice %select_n3A_1411 {offsets = [0, 0], sizes = [8, 4], strides = [1, 1]} : vector<8x1024xi32> to vector<8x4xi32>
      %concatenate3A_1430 = tpu.concatenate %slice3A_1428, %slice3A_1429 in 1 : vector<8x1020xi32>, vector<8x4xi32> -> vector<8x1024xi32>
      %select_n3A_1431 = arith.select %ne3A_1417, %concatenate3A_1427, %concatenate3A_1430 : vector<8x1024xi1>, vector<8x1024xi32>
      %gt3A_1432 = arith.cmpi sgt, %select_n3A_1410, %select_n3A_1424 : vector<8x1024xi32>
      %eq3A_1433 = arith.cmpi eq, %select_n3A_1410, %select_n3A_1424 : vector<8x1024xi32>
      %lt3A_1434 = arith.cmpi slt, %select_n3A_1411, %select_n3A_1431 : vector<8x1024xi32>
      %and3A_1435 = arith.andi %eq3A_1433, %lt3A_1434 : vector<8x1024xi1>
      %or3A_1436 = arith.ori %gt3A_1432, %and3A_1435 : vector<8x1024xi1>
      %xor3A_1437 = arith.xori %or3A_1436, %eq3A_1225 : vector<8x1024xi1>
      %not3A_1438 = arith.constant dense<true> : vector<8x1024xi1>
      %not3A_1439 = arith.xori %ne3A_1417, %not3A_1438 : vector<8x1024xi1>
      %xor3A_1440 = arith.xori %xor3A_1437, %not3A_1439 : vector<8x1024xi1>
      %select_n3A_1441 = arith.select %xor3A_1440, %select_n3A_1410, %select_n3A_1424 : vector<8x1024xi1>, vector<8x1024xi32>
      %select_n3A_1442 = arith.select %xor3A_1440, %select_n3A_1411, %select_n3A_1431 : vector<8x1024xi1>, vector<8x1024xi32>
      %and3A_1443 = arith.constant 2 : i32
      %and3A_1444 = vector.broadcast %and3A_1443 : i32 to vector<8x1024xi32>
      %and3A_1445 = arith.andi %iota3A, %and3A_1444 : vector<8x1024xi32>
      %ne3A_1446 = arith.constant 0 : i32
      %ne3A_1447 = vector.broadcast %ne3A_1446 : i32 to vector<8x1024xi32>
      %ne3A_1448 = arith.cmpi ne, %and3A_1445, %ne3A_1447 : vector<8x1024xi32>
      %slice3A_1449 = vector.extract_strided_slice %select_n3A_1441 {offsets = [0, 1022], sizes = [8, 2], strides = [1, 1]} : vector<8x1024xi32> to vector<8x2xi32>
      %slice3A_1450 = vector.extract_strided_slice %select_n3A_1441 {offsets = [0, 0], sizes = [8, 1022], strides = [1, 1]} : vector<8x1024xi32> to vector<8x1022xi32>
      %concatenate3A_1451 = tpu.concatenate %slice3A_1449, %slice3A_1450 in 1 : vector<8x2xi32>, vector<8x1022xi32> -> vector<8x1024xi32>
      %slice3A_1452 = vector.extract_strided_slice %select_n3A_1441 {offsets = [0, 2], sizes = [8, 1022], strides = [1, 1]} : vector<8x1024xi32> to vector<8x1022xi32>
      %slice3A_1453 = vector.extract_strided_slice %select_n3A_1441 {offsets = [0, 0], sizes = [8, 2], strides = [1, 1]} : vector<8x1024xi32> to vector<8x2xi32>
      %concatenate3A_1454 = tpu.concatenate %slice3A_1452, %slice3A_1453 in 1 : vector<8x1022xi32>, vector<8x2xi32> -> vector<8x1024xi32>
      %select_n3A_1455 = arith.select %ne3A_1448, %concatenate3A_1451, %concatenate3A_1454 : vector<8x1024xi1>, vector<8x1024xi32>
      %slice3A_1456 = vector.extract_strided_slice %select_n3A_1442 {offsets = [0, 1022], sizes = [8, 2], strides = [1, 1]} : vector<8x1024xi32> to vector<8x2xi32>
      %slice3A_1457 = vector.extract_strided_slice %select_n3A_1442 {offsets = [0, 0], sizes = [8, 1022], strides = [1, 1]} : vector<8x1024xi32> to vector<8x1022xi32>
      %concatenate3A_1458 = tpu.concatenate %slice3A_1456, %slice3A_1457 in 1 : vector<8x2xi32>, vector<8x1022xi32> -> vector<8x1024xi32>
      %slice3A_1459 = vector.extract_strided_slice %select_n3A_1442 {offsets = [0, 2], sizes = [8, 1022], strides = [1, 1]} : vector<8x1024xi32> to vector<8x1022xi32>
      %slice3A_1460 = vector.extract_strided_slice %select_n3A_1442 {offsets = [0, 0], sizes = [8, 2], strides = [1, 1]} : vector<8x1024xi32> to vector<8x2xi32>
      %concatenate3A_1461 = tpu.concatenate %slice3A_1459, %slice3A_1460 in 1 : vector<8x1022xi32>, vector<8x2xi32> -> vector<8x1024xi32>
      %select_n3A_1462 = arith.select %ne3A_1448, %concatenate3A_1458, %concatenate3A_1461 : vector<8x1024xi1>, vector<8x1024xi32>
      %gt3A_1463 = arith.cmpi sgt, %select_n3A_1441, %select_n3A_1455 : vector<8x1024xi32>
      %eq3A_1464 = arith.cmpi eq, %select_n3A_1441, %select_n3A_1455 : vector<8x1024xi32>
      %lt3A_1465 = arith.cmpi slt, %select_n3A_1442, %select_n3A_1462 : vector<8x1024xi32>
      %and3A_1466 = arith.andi %eq3A_1464, %lt3A_1465 : vector<8x1024xi1>
      %or3A_1467 = arith.ori %gt3A_1463, %and3A_1466 : vector<8x1024xi1>
      %xor3A_1468 = arith.xori %or3A_1467, %eq3A_1225 : vector<8x1024xi1>
      %not3A_1469 = arith.constant dense<true> : vector<8x1024xi1>
      %not3A_1470 = arith.xori %ne3A_1448, %not3A_1469 : vector<8x1024xi1>
      %xor3A_1471 = arith.xori %xor3A_1468, %not3A_1470 : vector<8x1024xi1>
      %select_n3A_1472 = arith.select %xor3A_1471, %select_n3A_1441, %select_n3A_1455 : vector<8x1024xi1>, vector<8x1024xi32>
      %select_n3A_1473 = arith.select %xor3A_1471, %select_n3A_1442, %select_n3A_1462 : vector<8x1024xi1>, vector<8x1024xi32>
      %and3A_1474 = arith.constant 1 : i32
      %and3A_1475 = vector.broadcast %and3A_1474 : i32 to vector<8x1024xi32>
      %and3A_1476 = arith.andi %iota3A, %and3A_1475 : vector<8x1024xi32>
      %ne3A_1477 = arith.constant 0 : i32
      %ne3A_1478 = vector.broadcast %ne3A_1477 : i32 to vector<8x1024xi32>
      %ne3A_1479 = arith.cmpi ne, %and3A_1476, %ne3A_1478 : vector<8x1024xi32>
      %slice3A_1480 = vector.extract_strided_slice %select_n3A_1472 {offsets = [0, 1023], sizes = [8, 1], strides = [1, 1]} : vector<8x1024xi32> to vector<8x1xi32>
      %slice3A_1481 = vector.extract_strided_slice %select_n3A_1472 {offsets = [0, 0], sizes = [8, 1023], strides = [1, 1]} : vector<8x1024xi32> to vector<8x1023xi32>
      %concatenate3A_1482 = tpu.concatenate %slice3A_1480, %slice3A_1481 in 1 : vector<8x1xi32>, vector<8x1023xi32> -> vector<8x1024xi32>
      %slice3A_1483 = vector.extract_strided_slice %select_n3A_1472 {offsets = [0, 1], sizes = [8, 1023], strides = [1, 1]} : vector<8x1024xi32> to vector<8x1023xi32>
      %slice3A_1484 = vector.extract_strided_slice %select_n3A_1472 {offsets = [0, 0], sizes = [8, 1], strides = [1, 1]} : vector<8x1024xi32> to vector<8x1xi32>
      %concatenate3A_1485 = tpu.concatenate %slice3A_1483, %slice3A_1484 in 1 : vector<8x1023xi32>, vector<8x1xi32> -> vector<8x1024xi32>
      %select_n3A_1486 = arith.select %ne3A_1479, %concatenate3A_1482, %concatenate3A_1485 : vector<8x1024xi1>, vector<8x1024xi32>
      %slice3A_1487 = vector.extract_strided_slice %select_n3A_1473 {offsets = [0, 1023], sizes = [8, 1], strides = [1, 1]} : vector<8x1024xi32> to vector<8x1xi32>
      %slice3A_1488 = vector.extract_strided_slice %select_n3A_1473 {offsets = [0, 0], sizes = [8, 1023], strides = [1, 1]} : vector<8x1024xi32> to vector<8x1023xi32>
      %concatenate3A_1489 = tpu.concatenate %slice3A_1487, %slice3A_1488 in 1 : vector<8x1xi32>, vector<8x1023xi32> -> vector<8x1024xi32>
      %slice3A_1490 = vector.extract_strided_slice %select_n3A_1473 {offsets = [0, 1], sizes = [8, 1023], strides = [1, 1]} : vector<8x1024xi32> to vector<8x1023xi32>
      %slice3A_1491 = vector.extract_strided_slice %select_n3A_1473 {offsets = [0, 0], sizes = [8, 1], strides = [1, 1]} : vector<8x1024xi32> to vector<8x1xi32>
      %concatenate3A_1492 = tpu.concatenate %slice3A_1490, %slice3A_1491 in 1 : vector<8x1023xi32>, vector<8x1xi32> -> vector<8x1024xi32>
      %select_n3A_1493 = arith.select %ne3A_1479, %concatenate3A_1489, %concatenate3A_1492 : vector<8x1024xi1>, vector<8x1024xi32>
      %gt3A_1494 = arith.cmpi sgt, %select_n3A_1472, %select_n3A_1486 : vector<8x1024xi32>
      %eq3A_1495 = arith.cmpi eq, %select_n3A_1472, %select_n3A_1486 : vector<8x1024xi32>
      %lt3A_1496 = arith.cmpi slt, %select_n3A_1473, %select_n3A_1493 : vector<8x1024xi32>
      %and3A_1497 = arith.andi %eq3A_1495, %lt3A_1496 : vector<8x1024xi1>
      %or3A_1498 = arith.ori %gt3A_1494, %and3A_1497 : vector<8x1024xi1>
      %xor3A_1499 = arith.xori %or3A_1498, %eq3A_1225 : vector<8x1024xi1>
      %not3A_1500 = arith.constant dense<true> : vector<8x1024xi1>
      %not3A_1501 = arith.xori %ne3A_1479, %not3A_1500 : vector<8x1024xi1>
      %xor3A_1502 = arith.xori %xor3A_1499, %not3A_1501 : vector<8x1024xi1>
      %select_n3A_1503 = arith.select %xor3A_1502, %select_n3A_1472, %select_n3A_1486 : vector<8x1024xi1>, vector<8x1024xi32>
      %select_n3A_1504 = arith.select %xor3A_1502, %select_n3A_1473, %select_n3A_1493 : vector<8x1024xi1>, vector<8x1024xi32>
      %and3A_1505 = arith.constant 1024 : i32
      %and3A_1506 = vector.broadcast %and3A_1505 : i32 to vector<8x1024xi32>
      %and3A_1507 = arith.andi %iota3A, %and3A_1506 : vector<8x1024xi32>
      %eq3A_1508 = arith.constant 0 : i32
      %eq3A_1509 = vector.broadcast %eq3A_1508 : i32 to vector<8x1024xi32>
      %eq3A_1510 = arith.cmpi eq, %and3A_1507, %eq3A_1509 : vector<8x1024xi32>
      %and3A_1511 = arith.constant 512 : i32
      %and3A_1512 = vector.broadcast %and3A_1511 : i32 to vector<8x1024xi32>
      %and3A_1513 = arith.andi %iota3A, %and3A_1512 : vector<8x1024xi32>
      %ne3A_1514 = arith.constant 0 : i32
      %ne3A_1515 = vector.broadcast %ne3A_1514 : i32 to vector<8x1024xi32>
      %ne3A_1516 = arith.cmpi ne, %and3A_1513, %ne3A_1515 : vector<8x1024xi32>
      %slice3A_1517 = vector.extract_strided_slice %select_n3A_1503 {offsets = [0, 512], sizes = [8, 512], strides = [1, 1]} : vector<8x1024xi32> to vector<8x512xi32>
      %slice3A_1518 = vector.extract_strided_slice %select_n3A_1503 {offsets = [0, 0], sizes = [8, 512], strides = [1, 1]} : vector<8x1024xi32> to vector<8x512xi32>
      %concatenate3A_1519 = tpu.concatenate %slice3A_1517, %slice3A_1518 in 1 : vector<8x512xi32>, vector<8x512xi32> -> vector<8x1024xi32>
      %slice3A_1520 = vector.extract_strided_slice %select_n3A_1503 {offsets = [0, 512], sizes = [8, 512], strides = [1, 1]} : vector<8x1024xi32> to vector<8x512xi32>
      %slice3A_1521 = vector.extract_strided_slice %select_n3A_1503 {offsets = [0, 0], sizes = [8, 512], strides = [1, 1]} : vector<8x1024xi32> to vector<8x512xi32>
      %concatenate3A_1522 = tpu.concatenate %slice3A_1520, %slice3A_1521 in 1 : vector<8x512xi32>, vector<8x512xi32> -> vector<8x1024xi32>
      %select_n3A_1523 = arith.select %ne3A_1516, %concatenate3A_1519, %concatenate3A_1522 : vector<8x1024xi1>, vector<8x1024xi32>
      %slice3A_1524 = vector.extract_strided_slice %select_n3A_1504 {offsets = [0, 512], sizes = [8, 512], strides = [1, 1]} : vector<8x1024xi32> to vector<8x512xi32>
      %slice3A_1525 = vector.extract_strided_slice %select_n3A_1504 {offsets = [0, 0], sizes = [8, 512], strides = [1, 1]} : vector<8x1024xi32> to vector<8x512xi32>
      %concatenate3A_1526 = tpu.concatenate %slice3A_1524, %slice3A_1525 in 1 : vector<8x512xi32>, vector<8x512xi32> -> vector<8x1024xi32>
      %slice3A_1527 = vector.extract_strided_slice %select_n3A_1504 {offsets = [0, 512], sizes = [8, 512], strides = [1, 1]} : vector<8x1024xi32> to vector<8x512xi32>
      %slice3A_1528 = vector.extract_strided_slice %select_n3A_1504 {offsets = [0, 0], sizes = [8, 512], strides = [1, 1]} : vector<8x1024xi32> to vector<8x512xi32>
      %concatenate3A_1529 = tpu.concatenate %slice3A_1527, %slice3A_1528 in 1 : vector<8x512xi32>, vector<8x512xi32> -> vector<8x1024xi32>
      %select_n3A_1530 = arith.select %ne3A_1516, %concatenate3A_1526, %concatenate3A_1529 : vector<8x1024xi1>, vector<8x1024xi32>
      %gt3A_1531 = arith.cmpi sgt, %select_n3A_1503, %select_n3A_1523 : vector<8x1024xi32>
      %eq3A_1532 = arith.cmpi eq, %select_n3A_1503, %select_n3A_1523 : vector<8x1024xi32>
      %lt3A_1533 = arith.cmpi slt, %select_n3A_1504, %select_n3A_1530 : vector<8x1024xi32>
      %and3A_1534 = arith.andi %eq3A_1532, %lt3A_1533 : vector<8x1024xi1>
      %or3A_1535 = arith.ori %gt3A_1531, %and3A_1534 : vector<8x1024xi1>
      %xor3A_1536 = arith.xori %or3A_1535, %eq3A_1510 : vector<8x1024xi1>
      %not3A_1537 = arith.constant dense<true> : vector<8x1024xi1>
      %not3A_1538 = arith.xori %ne3A_1516, %not3A_1537 : vector<8x1024xi1>
      %xor3A_1539 = arith.xori %xor3A_1536, %not3A_1538 : vector<8x1024xi1>
      %select_n3A_1540 = arith.select %xor3A_1539, %select_n3A_1503, %select_n3A_1523 : vector<8x1024xi1>, vector<8x1024xi32>
      %select_n3A_1541 = arith.select %xor3A_1539, %select_n3A_1504, %select_n3A_1530 : vector<8x1024xi1>, vector<8x1024xi32>
      %and3A_1542 = arith.constant 256 : i32
      %and3A_1543 = vector.broadcast %and3A_1542 : i32 to vector<8x1024xi32>
      %and3A_1544 = arith.andi %iota3A, %and3A_1543 : vector<8x1024xi32>
      %ne3A_1545 = arith.constant 0 : i32
      %ne3A_1546 = vector.broadcast %ne3A_1545 : i32 to vector<8x1024xi32>
      %ne3A_1547 = arith.cmpi ne, %and3A_1544, %ne3A_1546 : vector<8x1024xi32>
      %slice3A_1548 = vector.extract_strided_slice %select_n3A_1540 {offsets = [0, 768], sizes = [8, 256], strides = [1, 1]} : vector<8x1024xi32> to vector<8x256xi32>
      %slice3A_1549 = vector.extract_strided_slice %select_n3A_1540 {offsets = [0, 0], sizes = [8, 768], strides = [1, 1]} : vector<8x1024xi32> to vector<8x768xi32>
      %concatenate3A_1550 = tpu.concatenate %slice3A_1548, %slice3A_1549 in 1 : vector<8x256xi32>, vector<8x768xi32> -> vector<8x1024xi32>
      %slice3A_1551 = vector.extract_strided_slice %select_n3A_1540 {offsets = [0, 256], sizes = [8, 768], strides = [1, 1]} : vector<8x1024xi32> to vector<8x768xi32>
      %slice3A_1552 = vector.extract_strided_slice %select_n3A_1540 {offsets = [0, 0], sizes = [8, 256], strides = [1, 1]} : vector<8x1024xi32> to vector<8x256xi32>
      %concatenate3A_1553 = tpu.concatenate %slice3A_1551, %slice3A_1552 in 1 : vector<8x768xi32>, vector<8x256xi32> -> vector<8x1024xi32>
      %select_n3A_1554 = arith.select %ne3A_1547, %concatenate3A_1550, %concatenate3A_1553 : vector<8x1024xi1>, vector<8x1024xi32>
      %slice3A_1555 = vector.extract_strided_slice %select_n3A_1541 {offsets = [0, 768], sizes = [8, 256], strides = [1, 1]} : vector<8x1024xi32> to vector<8x256xi32>
      %slice3A_1556 = vector.extract_strided_slice %select_n3A_1541 {offsets = [0, 0], sizes = [8, 768], strides = [1, 1]} : vector<8x1024xi32> to vector<8x768xi32>
      %concatenate3A_1557 = tpu.concatenate %slice3A_1555, %slice3A_1556 in 1 : vector<8x256xi32>, vector<8x768xi32> -> vector<8x1024xi32>
      %slice3A_1558 = vector.extract_strided_slice %select_n3A_1541 {offsets = [0, 256], sizes = [8, 768], strides = [1, 1]} : vector<8x1024xi32> to vector<8x768xi32>
      %slice3A_1559 = vector.extract_strided_slice %select_n3A_1541 {offsets = [0, 0], sizes = [8, 256], strides = [1, 1]} : vector<8x1024xi32> to vector<8x256xi32>
      %concatenate3A_1560 = tpu.concatenate %slice3A_1558, %slice3A_1559 in 1 : vector<8x768xi32>, vector<8x256xi32> -> vector<8x1024xi32>
      %select_n3A_1561 = arith.select %ne3A_1547, %concatenate3A_1557, %concatenate3A_1560 : vector<8x1024xi1>, vector<8x1024xi32>
      %gt3A_1562 = arith.cmpi sgt, %select_n3A_1540, %select_n3A_1554 : vector<8x1024xi32>
      %eq3A_1563 = arith.cmpi eq, %select_n3A_1540, %select_n3A_1554 : vector<8x1024xi32>
      %lt3A_1564 = arith.cmpi slt, %select_n3A_1541, %select_n3A_1561 : vector<8x1024xi32>
      %and3A_1565 = arith.andi %eq3A_1563, %lt3A_1564 : vector<8x1024xi1>
      %or3A_1566 = arith.ori %gt3A_1562, %and3A_1565 : vector<8x1024xi1>
      %xor3A_1567 = arith.xori %or3A_1566, %eq3A_1510 : vector<8x1024xi1>
      %not3A_1568 = arith.constant dense<true> : vector<8x1024xi1>
      %not3A_1569 = arith.xori %ne3A_1547, %not3A_1568 : vector<8x1024xi1>
      %xor3A_1570 = arith.xori %xor3A_1567, %not3A_1569 : vector<8x1024xi1>
      %select_n3A_1571 = arith.select %xor3A_1570, %select_n3A_1540, %select_n3A_1554 : vector<8x1024xi1>, vector<8x1024xi32>
      %select_n3A_1572 = arith.select %xor3A_1570, %select_n3A_1541, %select_n3A_1561 : vector<8x1024xi1>, vector<8x1024xi32>
      %and3A_1573 = arith.constant 128 : i32
      %and3A_1574 = vector.broadcast %and3A_1573 : i32 to vector<8x1024xi32>
      %and3A_1575 = arith.andi %iota3A, %and3A_1574 : vector<8x1024xi32>
      %ne3A_1576 = arith.constant 0 : i32
      %ne3A_1577 = vector.broadcast %ne3A_1576 : i32 to vector<8x1024xi32>
      %ne3A_1578 = arith.cmpi ne, %and3A_1575, %ne3A_1577 : vector<8x1024xi32>
      %slice3A_1579 = vector.extract_strided_slice %select_n3A_1571 {offsets = [0, 896], sizes = [8, 128], strides = [1, 1]} : vector<8x1024xi32> to vector<8x128xi32>
      %slice3A_1580 = vector.extract_strided_slice %select_n3A_1571 {offsets = [0, 0], sizes = [8, 896], strides = [1, 1]} : vector<8x1024xi32> to vector<8x896xi32>
      %concatenate3A_1581 = tpu.concatenate %slice3A_1579, %slice3A_1580 in 1 : vector<8x128xi32>, vector<8x896xi32> -> vector<8x1024xi32>
      %slice3A_1582 = vector.extract_strided_slice %select_n3A_1571 {offsets = [0, 128], sizes = [8, 896], strides = [1, 1]} : vector<8x1024xi32> to vector<8x896xi32>
      %slice3A_1583 = vector.extract_strided_slice %select_n3A_1571 {offsets = [0, 0], sizes = [8, 128], strides = [1, 1]} : vector<8x1024xi32> to vector<8x128xi32>
      %concatenate3A_1584 = tpu.concatenate %slice3A_1582, %slice3A_1583 in 1 : vector<8x896xi32>, vector<8x128xi32> -> vector<8x1024xi32>
      %select_n3A_1585 = arith.select %ne3A_1578, %concatenate3A_1581, %concatenate3A_1584 : vector<8x1024xi1>, vector<8x1024xi32>
      %slice3A_1586 = vector.extract_strided_slice %select_n3A_1572 {offsets = [0, 896], sizes = [8, 128], strides = [1, 1]} : vector<8x1024xi32> to vector<8x128xi32>
      %slice3A_1587 = vector.extract_strided_slice %select_n3A_1572 {offsets = [0, 0], sizes = [8, 896], strides = [1, 1]} : vector<8x1024xi32> to vector<8x896xi32>
      %concatenate3A_1588 = tpu.concatenate %slice3A_1586, %slice3A_1587 in 1 : vector<8x128xi32>, vector<8x896xi32> -> vector<8x1024xi32>
      %slice3A_1589 = vector.extract_strided_slice %select_n3A_1572 {offsets = [0, 128], sizes = [8, 896], strides = [1, 1]} : vector<8x1024xi32> to vector<8x896xi32>
      %slice3A_1590 = vector.extract_strided_slice %select_n3A_1572 {offsets = [0, 0], sizes = [8, 128], strides = [1, 1]} : vector<8x1024xi32> to vector<8x128xi32>
      %concatenate3A_1591 = tpu.concatenate %slice3A_1589, %slice3A_1590 in 1 : vector<8x896xi32>, vector<8x128xi32> -> vector<8x1024xi32>
      %select_n3A_1592 = arith.select %ne3A_1578, %concatenate3A_1588, %concatenate3A_1591 : vector<8x1024xi1>, vector<8x1024xi32>
      %gt3A_1593 = arith.cmpi sgt, %select_n3A_1571, %select_n3A_1585 : vector<8x1024xi32>
      %eq3A_1594 = arith.cmpi eq, %select_n3A_1571, %select_n3A_1585 : vector<8x1024xi32>
      %lt3A_1595 = arith.cmpi slt, %select_n3A_1572, %select_n3A_1592 : vector<8x1024xi32>
      %and3A_1596 = arith.andi %eq3A_1594, %lt3A_1595 : vector<8x1024xi1>
      %or3A_1597 = arith.ori %gt3A_1593, %and3A_1596 : vector<8x1024xi1>
      %xor3A_1598 = arith.xori %or3A_1597, %eq3A_1510 : vector<8x1024xi1>
      %not3A_1599 = arith.constant dense<true> : vector<8x1024xi1>
      %not3A_1600 = arith.xori %ne3A_1578, %not3A_1599 : vector<8x1024xi1>
      %xor3A_1601 = arith.xori %xor3A_1598, %not3A_1600 : vector<8x1024xi1>
      %select_n3A_1602 = arith.select %xor3A_1601, %select_n3A_1571, %select_n3A_1585 : vector<8x1024xi1>, vector<8x1024xi32>
      %select_n3A_1603 = arith.select %xor3A_1601, %select_n3A_1572, %select_n3A_1592 : vector<8x1024xi1>, vector<8x1024xi32>
      %and3A_1604 = arith.constant 64 : i32
      %and3A_1605 = vector.broadcast %and3A_1604 : i32 to vector<8x1024xi32>
      %and3A_1606 = arith.andi %iota3A, %and3A_1605 : vector<8x1024xi32>
      %ne3A_1607 = arith.constant 0 : i32
      %ne3A_1608 = vector.broadcast %ne3A_1607 : i32 to vector<8x1024xi32>
      %ne3A_1609 = arith.cmpi ne, %and3A_1606, %ne3A_1608 : vector<8x1024xi32>
      %slice3A_1610 = vector.extract_strided_slice %select_n3A_1602 {offsets = [0, 960], sizes = [8, 64], strides = [1, 1]} : vector<8x1024xi32> to vector<8x64xi32>
      %slice3A_1611 = vector.extract_strided_slice %select_n3A_1602 {offsets = [0, 0], sizes = [8, 960], strides = [1, 1]} : vector<8x1024xi32> to vector<8x960xi32>
      %concatenate3A_1612 = tpu.concatenate %slice3A_1610, %slice3A_1611 in 1 : vector<8x64xi32>, vector<8x960xi32> -> vector<8x1024xi32>
      %slice3A_1613 = vector.extract_strided_slice %select_n3A_1602 {offsets = [0, 64], sizes = [8, 960], strides = [1, 1]} : vector<8x1024xi32> to vector<8x960xi32>
      %slice3A_1614 = vector.extract_strided_slice %select_n3A_1602 {offsets = [0, 0], sizes = [8, 64], strides = [1, 1]} : vector<8x1024xi32> to vector<8x64xi32>
      %concatenate3A_1615 = tpu.concatenate %slice3A_1613, %slice3A_1614 in 1 : vector<8x960xi32>, vector<8x64xi32> -> vector<8x1024xi32>
      %select_n3A_1616 = arith.select %ne3A_1609, %concatenate3A_1612, %concatenate3A_1615 : vector<8x1024xi1>, vector<8x1024xi32>
      %slice3A_1617 = vector.extract_strided_slice %select_n3A_1603 {offsets = [0, 960], sizes = [8, 64], strides = [1, 1]} : vector<8x1024xi32> to vector<8x64xi32>
      %slice3A_1618 = vector.extract_strided_slice %select_n3A_1603 {offsets = [0, 0], sizes = [8, 960], strides = [1, 1]} : vector<8x1024xi32> to vector<8x960xi32>
      %concatenate3A_1619 = tpu.concatenate %slice3A_1617, %slice3A_1618 in 1 : vector<8x64xi32>, vector<8x960xi32> -> vector<8x1024xi32>
      %slice3A_1620 = vector.extract_strided_slice %select_n3A_1603 {offsets = [0, 64], sizes = [8, 960], strides = [1, 1]} : vector<8x1024xi32> to vector<8x960xi32>
      %slice3A_1621 = vector.extract_strided_slice %select_n3A_1603 {offsets = [0, 0], sizes = [8, 64], strides = [1, 1]} : vector<8x1024xi32> to vector<8x64xi32>
      %concatenate3A_1622 = tpu.concatenate %slice3A_1620, %slice3A_1621 in 1 : vector<8x960xi32>, vector<8x64xi32> -> vector<8x1024xi32>
      %select_n3A_1623 = arith.select %ne3A_1609, %concatenate3A_1619, %concatenate3A_1622 : vector<8x1024xi1>, vector<8x1024xi32>
      %gt3A_1624 = arith.cmpi sgt, %select_n3A_1602, %select_n3A_1616 : vector<8x1024xi32>
      %eq3A_1625 = arith.cmpi eq, %select_n3A_1602, %select_n3A_1616 : vector<8x1024xi32>
      %lt3A_1626 = arith.cmpi slt, %select_n3A_1603, %select_n3A_1623 : vector<8x1024xi32>
      %and3A_1627 = arith.andi %eq3A_1625, %lt3A_1626 : vector<8x1024xi1>
      %or3A_1628 = arith.ori %gt3A_1624, %and3A_1627 : vector<8x1024xi1>
      %xor3A_1629 = arith.xori %or3A_1628, %eq3A_1510 : vector<8x1024xi1>
      %not3A_1630 = arith.constant dense<true> : vector<8x1024xi1>
      %not3A_1631 = arith.xori %ne3A_1609, %not3A_1630 : vector<8x1024xi1>
      %xor3A_1632 = arith.xori %xor3A_1629, %not3A_1631 : vector<8x1024xi1>
      %select_n3A_1633 = arith.select %xor3A_1632, %select_n3A_1602, %select_n3A_1616 : vector<8x1024xi1>, vector<8x1024xi32>
      %select_n3A_1634 = arith.select %xor3A_1632, %select_n3A_1603, %select_n3A_1623 : vector<8x1024xi1>, vector<8x1024xi32>
      %and3A_1635 = arith.constant 32 : i32
      %and3A_1636 = vector.broadcast %and3A_1635 : i32 to vector<8x1024xi32>
      %and3A_1637 = arith.andi %iota3A, %and3A_1636 : vector<8x1024xi32>
      %ne3A_1638 = arith.constant 0 : i32
      %ne3A_1639 = vector.broadcast %ne3A_1638 : i32 to vector<8x1024xi32>
      %ne3A_1640 = arith.cmpi ne, %and3A_1637, %ne3A_1639 : vector<8x1024xi32>
      %slice3A_1641 = vector.extract_strided_slice %select_n3A_1633 {offsets = [0, 992], sizes = [8, 32], strides = [1, 1]} : vector<8x1024xi32> to vector<8x32xi32>
      %slice3A_1642 = vector.extract_strided_slice %select_n3A_1633 {offsets = [0, 0], sizes = [8, 992], strides = [1, 1]} : vector<8x1024xi32> to vector<8x992xi32>
      %concatenate3A_1643 = tpu.concatenate %slice3A_1641, %slice3A_1642 in 1 : vector<8x32xi32>, vector<8x992xi32> -> vector<8x1024xi32>
      %slice3A_1644 = vector.extract_strided_slice %select_n3A_1633 {offsets = [0, 32], sizes = [8, 992], strides = [1, 1]} : vector<8x1024xi32> to vector<8x992xi32>
      %slice3A_1645 = vector.extract_strided_slice %select_n3A_1633 {offsets = [0, 0], sizes = [8, 32], strides = [1, 1]} : vector<8x1024xi32> to vector<8x32xi32>
      %concatenate3A_1646 = tpu.concatenate %slice3A_1644, %slice3A_1645 in 1 : vector<8x992xi32>, vector<8x32xi32> -> vector<8x1024xi32>
      %select_n3A_1647 = arith.select %ne3A_1640, %concatenate3A_1643, %concatenate3A_1646 : vector<8x1024xi1>, vector<8x1024xi32>
      %slice3A_1648 = vector.extract_strided_slice %select_n3A_1634 {offsets = [0, 992], sizes = [8, 32], strides = [1, 1]} : vector<8x1024xi32> to vector<8x32xi32>
      %slice3A_1649 = vector.extract_strided_slice %select_n3A_1634 {offsets = [0, 0], sizes = [8, 992], strides = [1, 1]} : vector<8x1024xi32> to vector<8x992xi32>
      %concatenate3A_1650 = tpu.concatenate %slice3A_1648, %slice3A_1649 in 1 : vector<8x32xi32>, vector<8x992xi32> -> vector<8x1024xi32>
      %slice3A_1651 = vector.extract_strided_slice %select_n3A_1634 {offsets = [0, 32], sizes = [8, 992], strides = [1, 1]} : vector<8x1024xi32> to vector<8x992xi32>
      %slice3A_1652 = vector.extract_strided_slice %select_n3A_1634 {offsets = [0, 0], sizes = [8, 32], strides = [1, 1]} : vector<8x1024xi32> to vector<8x32xi32>
      %concatenate3A_1653 = tpu.concatenate %slice3A_1651, %slice3A_1652 in 1 : vector<8x992xi32>, vector<8x32xi32> -> vector<8x1024xi32>
      %select_n3A_1654 = arith.select %ne3A_1640, %concatenate3A_1650, %concatenate3A_1653 : vector<8x1024xi1>, vector<8x1024xi32>
      %gt3A_1655 = arith.cmpi sgt, %select_n3A_1633, %select_n3A_1647 : vector<8x1024xi32>
      %eq3A_1656 = arith.cmpi eq, %select_n3A_1633, %select_n3A_1647 : vector<8x1024xi32>
      %lt3A_1657 = arith.cmpi slt, %select_n3A_1634, %select_n3A_1654 : vector<8x1024xi32>
      %and3A_1658 = arith.andi %eq3A_1656, %lt3A_1657 : vector<8x1024xi1>
      %or3A_1659 = arith.ori %gt3A_1655, %and3A_1658 : vector<8x1024xi1>
      %xor3A_1660 = arith.xori %or3A_1659, %eq3A_1510 : vector<8x1024xi1>
      %not3A_1661 = arith.constant dense<true> : vector<8x1024xi1>
      %not3A_1662 = arith.xori %ne3A_1640, %not3A_1661 : vector<8x1024xi1>
      %xor3A_1663 = arith.xori %xor3A_1660, %not3A_1662 : vector<8x1024xi1>
      %select_n3A_1664 = arith.select %xor3A_1663, %select_n3A_1633, %select_n3A_1647 : vector<8x1024xi1>, vector<8x1024xi32>
      %select_n3A_1665 = arith.select %xor3A_1663, %select_n3A_1634, %select_n3A_1654 : vector<8x1024xi1>, vector<8x1024xi32>
      %and3A_1666 = arith.constant 16 : i32
      %and3A_1667 = vector.broadcast %and3A_1666 : i32 to vector<8x1024xi32>
      %and3A_1668 = arith.andi %iota3A, %and3A_1667 : vector<8x1024xi32>
      %ne3A_1669 = arith.constant 0 : i32
      %ne3A_1670 = vector.broadcast %ne3A_1669 : i32 to vector<8x1024xi32>
      %ne3A_1671 = arith.cmpi ne, %and3A_1668, %ne3A_1670 : vector<8x1024xi32>
      %slice3A_1672 = vector.extract_strided_slice %select_n3A_1664 {offsets = [0, 1008], sizes = [8, 16], strides = [1, 1]} : vector<8x1024xi32> to vector<8x16xi32>
      %slice3A_1673 = vector.extract_strided_slice %select_n3A_1664 {offsets = [0, 0], sizes = [8, 1008], strides = [1, 1]} : vector<8x1024xi32> to vector<8x1008xi32>
      %concatenate3A_1674 = tpu.concatenate %slice3A_1672, %slice3A_1673 in 1 : vector<8x16xi32>, vector<8x1008xi32> -> vector<8x1024xi32>
      %slice3A_1675 = vector.extract_strided_slice %select_n3A_1664 {offsets = [0, 16], sizes = [8, 1008], strides = [1, 1]} : vector<8x1024xi32> to vector<8x1008xi32>
      %slice3A_1676 = vector.extract_strided_slice %select_n3A_1664 {offsets = [0, 0], sizes = [8, 16], strides = [1, 1]} : vector<8x1024xi32> to vector<8x16xi32>
      %concatenate3A_1677 = tpu.concatenate %slice3A_1675, %slice3A_1676 in 1 : vector<8x1008xi32>, vector<8x16xi32> -> vector<8x1024xi32>
      %select_n3A_1678 = arith.select %ne3A_1671, %concatenate3A_1674, %concatenate3A_1677 : vector<8x1024xi1>, vector<8x1024xi32>
      %slice3A_1679 = vector.extract_strided_slice %select_n3A_1665 {offsets = [0, 1008], sizes = [8, 16], strides = [1, 1]} : vector<8x1024xi32> to vector<8x16xi32>
      %slice3A_1680 = vector.extract_strided_slice %select_n3A_1665 {offsets = [0, 0], sizes = [8, 1008], strides = [1, 1]} : vector<8x1024xi32> to vector<8x1008xi32>
      %concatenate3A_1681 = tpu.concatenate %slice3A_1679, %slice3A_1680 in 1 : vector<8x16xi32>, vector<8x1008xi32> -> vector<8x1024xi32>
      %slice3A_1682 = vector.extract_strided_slice %select_n3A_1665 {offsets = [0, 16], sizes = [8, 1008], strides = [1, 1]} : vector<8x1024xi32> to vector<8x1008xi32>
      %slice3A_1683 = vector.extract_strided_slice %select_n3A_1665 {offsets = [0, 0], sizes = [8, 16], strides = [1, 1]} : vector<8x1024xi32> to vector<8x16xi32>
      %concatenate3A_1684 = tpu.concatenate %slice3A_1682, %slice3A_1683 in 1 : vector<8x1008xi32>, vector<8x16xi32> -> vector<8x1024xi32>
      %select_n3A_1685 = arith.select %ne3A_1671, %concatenate3A_1681, %concatenate3A_1684 : vector<8x1024xi1>, vector<8x1024xi32>
      %gt3A_1686 = arith.cmpi sgt, %select_n3A_1664, %select_n3A_1678 : vector<8x1024xi32>
      %eq3A_1687 = arith.cmpi eq, %select_n3A_1664, %select_n3A_1678 : vector<8x1024xi32>
      %lt3A_1688 = arith.cmpi slt, %select_n3A_1665, %select_n3A_1685 : vector<8x1024xi32>
      %and3A_1689 = arith.andi %eq3A_1687, %lt3A_1688 : vector<8x1024xi1>
      %or3A_1690 = arith.ori %gt3A_1686, %and3A_1689 : vector<8x1024xi1>
      %xor3A_1691 = arith.xori %or3A_1690, %eq3A_1510 : vector<8x1024xi1>
      %not3A_1692 = arith.constant dense<true> : vector<8x1024xi1>
      %not3A_1693 = arith.xori %ne3A_1671, %not3A_1692 : vector<8x1024xi1>
      %xor3A_1694 = arith.xori %xor3A_1691, %not3A_1693 : vector<8x1024xi1>
      %select_n3A_1695 = arith.select %xor3A_1694, %select_n3A_1664, %select_n3A_1678 : vector<8x1024xi1>, vector<8x1024xi32>
      %select_n3A_1696 = arith.select %xor3A_1694, %select_n3A_1665, %select_n3A_1685 : vector<8x1024xi1>, vector<8x1024xi32>
      %and3A_1697 = arith.constant 8 : i32
      %and3A_1698 = vector.broadcast %and3A_1697 : i32 to vector<8x1024xi32>
      %and3A_1699 = arith.andi %iota3A, %and3A_1698 : vector<8x1024xi32>
      %ne3A_1700 = arith.constant 0 : i32
      %ne3A_1701 = vector.broadcast %ne3A_1700 : i32 to vector<8x1024xi32>
      %ne3A_1702 = arith.cmpi ne, %and3A_1699, %ne3A_1701 : vector<8x1024xi32>
      %slice3A_1703 = vector.extract_strided_slice %select_n3A_1695 {offsets = [0, 1016], sizes = [8, 8], strides = [1, 1]} : vector<8x1024xi32> to vector<8x8xi32>
      %slice3A_1704 = vector.extract_strided_slice %select_n3A_1695 {offsets = [0, 0], sizes = [8, 1016], strides = [1, 1]} : vector<8x1024xi32> to vector<8x1016xi32>
      %concatenate3A_1705 = tpu.concatenate %slice3A_1703, %slice3A_1704 in 1 : vector<8x8xi32>, vector<8x1016xi32> -> vector<8x1024xi32>
      %slice3A_1706 = vector.extract_strided_slice %select_n3A_1695 {offsets = [0, 8], sizes = [8, 1016], strides = [1, 1]} : vector<8x1024xi32> to vector<8x1016xi32>
      %slice3A_1707 = vector.extract_strided_slice %select_n3A_1695 {offsets = [0, 0], sizes = [8, 8], strides = [1, 1]} : vector<8x1024xi32> to vector<8x8xi32>
      %concatenate3A_1708 = tpu.concatenate %slice3A_1706, %slice3A_1707 in 1 : vector<8x1016xi32>, vector<8x8xi32> -> vector<8x1024xi32>
      %select_n3A_1709 = arith.select %ne3A_1702, %concatenate3A_1705, %concatenate3A_1708 : vector<8x1024xi1>, vector<8x1024xi32>
      %slice3A_1710 = vector.extract_strided_slice %select_n3A_1696 {offsets = [0, 1016], sizes = [8, 8], strides = [1, 1]} : vector<8x1024xi32> to vector<8x8xi32>
      %slice3A_1711 = vector.extract_strided_slice %select_n3A_1696 {offsets = [0, 0], sizes = [8, 1016], strides = [1, 1]} : vector<8x1024xi32> to vector<8x1016xi32>
      %concatenate3A_1712 = tpu.concatenate %slice3A_1710, %slice3A_1711 in 1 : vector<8x8xi32>, vector<8x1016xi32> -> vector<8x1024xi32>
      %slice3A_1713 = vector.extract_strided_slice %select_n3A_1696 {offsets = [0, 8], sizes = [8, 1016], strides = [1, 1]} : vector<8x1024xi32> to vector<8x1016xi32>
      %slice3A_1714 = vector.extract_strided_slice %select_n3A_1696 {offsets = [0, 0], sizes = [8, 8], strides = [1, 1]} : vector<8x1024xi32> to vector<8x8xi32>
      %concatenate3A_1715 = tpu.concatenate %slice3A_1713, %slice3A_1714 in 1 : vector<8x1016xi32>, vector<8x8xi32> -> vector<8x1024xi32>
      %select_n3A_1716 = arith.select %ne3A_1702, %concatenate3A_1712, %concatenate3A_1715 : vector<8x1024xi1>, vector<8x1024xi32>
      %gt3A_1717 = arith.cmpi sgt, %select_n3A_1695, %select_n3A_1709 : vector<8x1024xi32>
      %eq3A_1718 = arith.cmpi eq, %select_n3A_1695, %select_n3A_1709 : vector<8x1024xi32>
      %lt3A_1719 = arith.cmpi slt, %select_n3A_1696, %select_n3A_1716 : vector<8x1024xi32>
      %and3A_1720 = arith.andi %eq3A_1718, %lt3A_1719 : vector<8x1024xi1>
      %or3A_1721 = arith.ori %gt3A_1717, %and3A_1720 : vector<8x1024xi1>
      %xor3A_1722 = arith.xori %or3A_1721, %eq3A_1510 : vector<8x1024xi1>
      %not3A_1723 = arith.constant dense<true> : vector<8x1024xi1>
      %not3A_1724 = arith.xori %ne3A_1702, %not3A_1723 : vector<8x1024xi1>
      %xor3A_1725 = arith.xori %xor3A_1722, %not3A_1724 : vector<8x1024xi1>
      %select_n3A_1726 = arith.select %xor3A_1725, %select_n3A_1695, %select_n3A_1709 : vector<8x1024xi1>, vector<8x1024xi32>
      %select_n3A_1727 = arith.select %xor3A_1725, %select_n3A_1696, %select_n3A_1716 : vector<8x1024xi1>, vector<8x1024xi32>
      %and3A_1728 = arith.constant 4 : i32
      %and3A_1729 = vector.broadcast %and3A_1728 : i32 to vector<8x1024xi32>
      %and3A_1730 = arith.andi %iota3A, %and3A_1729 : vector<8x1024xi32>
      %ne3A_1731 = arith.constant 0 : i32
      %ne3A_1732 = vector.broadcast %ne3A_1731 : i32 to vector<8x1024xi32>
      %ne3A_1733 = arith.cmpi ne, %and3A_1730, %ne3A_1732 : vector<8x1024xi32>
      %slice3A_1734 = vector.extract_strided_slice %select_n3A_1726 {offsets = [0, 1020], sizes = [8, 4], strides = [1, 1]} : vector<8x1024xi32> to vector<8x4xi32>
      %slice3A_1735 = vector.extract_strided_slice %select_n3A_1726 {offsets = [0, 0], sizes = [8, 1020], strides = [1, 1]} : vector<8x1024xi32> to vector<8x1020xi32>
      %concatenate3A_1736 = tpu.concatenate %slice3A_1734, %slice3A_1735 in 1 : vector<8x4xi32>, vector<8x1020xi32> -> vector<8x1024xi32>
      %slice3A_1737 = vector.extract_strided_slice %select_n3A_1726 {offsets = [0, 4], sizes = [8, 1020], strides = [1, 1]} : vector<8x1024xi32> to vector<8x1020xi32>
      %slice3A_1738 = vector.extract_strided_slice %select_n3A_1726 {offsets = [0, 0], sizes = [8, 4], strides = [1, 1]} : vector<8x1024xi32> to vector<8x4xi32>
      %concatenate3A_1739 = tpu.concatenate %slice3A_1737, %slice3A_1738 in 1 : vector<8x1020xi32>, vector<8x4xi32> -> vector<8x1024xi32>
      %select_n3A_1740 = arith.select %ne3A_1733, %concatenate3A_1736, %concatenate3A_1739 : vector<8x1024xi1>, vector<8x1024xi32>
      %slice3A_1741 = vector.extract_strided_slice %select_n3A_1727 {offsets = [0, 1020], sizes = [8, 4], strides = [1, 1]} : vector<8x1024xi32> to vector<8x4xi32>
      %slice3A_1742 = vector.extract_strided_slice %select_n3A_1727 {offsets = [0, 0], sizes = [8, 1020], strides = [1, 1]} : vector<8x1024xi32> to vector<8x1020xi32>
      %concatenate3A_1743 = tpu.concatenate %slice3A_1741, %slice3A_1742 in 1 : vector<8x4xi32>, vector<8x1020xi32> -> vector<8x1024xi32>
      %slice3A_1744 = vector.extract_strided_slice %select_n3A_1727 {offsets = [0, 4], sizes = [8, 1020], strides = [1, 1]} : vector<8x1024xi32> to vector<8x1020xi32>
      %slice3A_1745 = vector.extract_strided_slice %select_n3A_1727 {offsets = [0, 0], sizes = [8, 4], strides = [1, 1]} : vector<8x1024xi32> to vector<8x4xi32>
      %concatenate3A_1746 = tpu.concatenate %slice3A_1744, %slice3A_1745 in 1 : vector<8x1020xi32>, vector<8x4xi32> -> vector<8x1024xi32>
      %select_n3A_1747 = arith.select %ne3A_1733, %concatenate3A_1743, %concatenate3A_1746 : vector<8x1024xi1>, vector<8x1024xi32>
      %gt3A_1748 = arith.cmpi sgt, %select_n3A_1726, %select_n3A_1740 : vector<8x1024xi32>
      %eq3A_1749 = arith.cmpi eq, %select_n3A_1726, %select_n3A_1740 : vector<8x1024xi32>
      %lt3A_1750 = arith.cmpi slt, %select_n3A_1727, %select_n3A_1747 : vector<8x1024xi32>
      %and3A_1751 = arith.andi %eq3A_1749, %lt3A_1750 : vector<8x1024xi1>
      %or3A_1752 = arith.ori %gt3A_1748, %and3A_1751 : vector<8x1024xi1>
      %xor3A_1753 = arith.xori %or3A_1752, %eq3A_1510 : vector<8x1024xi1>
      %not3A_1754 = arith.constant dense<true> : vector<8x1024xi1>
      %not3A_1755 = arith.xori %ne3A_1733, %not3A_1754 : vector<8x1024xi1>
      %xor3A_1756 = arith.xori %xor3A_1753, %not3A_1755 : vector<8x1024xi1>
      %select_n3A_1757 = arith.select %xor3A_1756, %select_n3A_1726, %select_n3A_1740 : vector<8x1024xi1>, vector<8x1024xi32>
      %select_n3A_1758 = arith.select %xor3A_1756, %select_n3A_1727, %select_n3A_1747 : vector<8x1024xi1>, vector<8x1024xi32>
      %and3A_1759 = arith.constant 2 : i32
      %and3A_1760 = vector.broadcast %and3A_1759 : i32 to vector<8x1024xi32>
      %and3A_1761 = arith.andi %iota3A, %and3A_1760 : vector<8x1024xi32>
      %ne3A_1762 = arith.constant 0 : i32
      %ne3A_1763 = vector.broadcast %ne3A_1762 : i32 to vector<8x1024xi32>
      %ne3A_1764 = arith.cmpi ne, %and3A_1761, %ne3A_1763 : vector<8x1024xi32>
      %slice3A_1765 = vector.extract_strided_slice %select_n3A_1757 {offsets = [0, 1022], sizes = [8, 2], strides = [1, 1]} : vector<8x1024xi32> to vector<8x2xi32>
      %slice3A_1766 = vector.extract_strided_slice %select_n3A_1757 {offsets = [0, 0], sizes = [8, 1022], strides = [1, 1]} : vector<8x1024xi32> to vector<8x1022xi32>
      %concatenate3A_1767 = tpu.concatenate %slice3A_1765, %slice3A_1766 in 1 : vector<8x2xi32>, vector<8x1022xi32> -> vector<8x1024xi32>
      %slice3A_1768 = vector.extract_strided_slice %select_n3A_1757 {offsets = [0, 2], sizes = [8, 1022], strides = [1, 1]} : vector<8x1024xi32> to vector<8x1022xi32>
      %slice3A_1769 = vector.extract_strided_slice %select_n3A_1757 {offsets = [0, 0], sizes = [8, 2], strides = [1, 1]} : vector<8x1024xi32> to vector<8x2xi32>
      %concatenate3A_1770 = tpu.concatenate %slice3A_1768, %slice3A_1769 in 1 : vector<8x1022xi32>, vector<8x2xi32> -> vector<8x1024xi32>
      %select_n3A_1771 = arith.select %ne3A_1764, %concatenate3A_1767, %concatenate3A_1770 : vector<8x1024xi1>, vector<8x1024xi32>
      %slice3A_1772 = vector.extract_strided_slice %select_n3A_1758 {offsets = [0, 1022], sizes = [8, 2], strides = [1, 1]} : vector<8x1024xi32> to vector<8x2xi32>
      %slice3A_1773 = vector.extract_strided_slice %select_n3A_1758 {offsets = [0, 0], sizes = [8, 1022], strides = [1, 1]} : vector<8x1024xi32> to vector<8x1022xi32>
      %concatenate3A_1774 = tpu.concatenate %slice3A_1772, %slice3A_1773 in 1 : vector<8x2xi32>, vector<8x1022xi32> -> vector<8x1024xi32>
      %slice3A_1775 = vector.extract_strided_slice %select_n3A_1758 {offsets = [0, 2], sizes = [8, 1022], strides = [1, 1]} : vector<8x1024xi32> to vector<8x1022xi32>
      %slice3A_1776 = vector.extract_strided_slice %select_n3A_1758 {offsets = [0, 0], sizes = [8, 2], strides = [1, 1]} : vector<8x1024xi32> to vector<8x2xi32>
      %concatenate3A_1777 = tpu.concatenate %slice3A_1775, %slice3A_1776 in 1 : vector<8x1022xi32>, vector<8x2xi32> -> vector<8x1024xi32>
      %select_n3A_1778 = arith.select %ne3A_1764, %concatenate3A_1774, %concatenate3A_1777 : vector<8x1024xi1>, vector<8x1024xi32>
      %gt3A_1779 = arith.cmpi sgt, %select_n3A_1757, %select_n3A_1771 : vector<8x1024xi32>
      %eq3A_1780 = arith.cmpi eq, %select_n3A_1757, %select_n3A_1771 : vector<8x1024xi32>
      %lt3A_1781 = arith.cmpi slt, %select_n3A_1758, %select_n3A_1778 : vector<8x1024xi32>
      %and3A_1782 = arith.andi %eq3A_1780, %lt3A_1781 : vector<8x1024xi1>
      %or3A_1783 = arith.ori %gt3A_1779, %and3A_1782 : vector<8x1024xi1>
      %xor3A_1784 = arith.xori %or3A_1783, %eq3A_1510 : vector<8x1024xi1>
      %not3A_1785 = arith.constant dense<true> : vector<8x1024xi1>
      %not3A_1786 = arith.xori %ne3A_1764, %not3A_1785 : vector<8x1024xi1>
      %xor3A_1787 = arith.xori %xor3A_1784, %not3A_1786 : vector<8x1024xi1>
      %select_n3A_1788 = arith.select %xor3A_1787, %select_n3A_1757, %select_n3A_1771 : vector<8x1024xi1>, vector<8x1024xi32>
      %select_n3A_1789 = arith.select %xor3A_1787, %select_n3A_1758, %select_n3A_1778 : vector<8x1024xi1>, vector<8x1024xi32>
      %and3A_1790 = arith.constant 1 : i32
      %and3A_1791 = vector.broadcast %and3A_1790 : i32 to vector<8x1024xi32>
      %and3A_1792 = arith.andi %iota3A, %and3A_1791 : vector<8x1024xi32>
      %ne3A_1793 = arith.constant 0 : i32
      %ne3A_1794 = vector.broadcast %ne3A_1793 : i32 to vector<8x1024xi32>
      %ne3A_1795 = arith.cmpi ne, %and3A_1792, %ne3A_1794 : vector<8x1024xi32>
      %slice3A_1796 = vector.extract_strided_slice %select_n3A_1788 {offsets = [0, 1023], sizes = [8, 1], strides = [1, 1]} : vector<8x1024xi32> to vector<8x1xi32>
      %slice3A_1797 = vector.extract_strided_slice %select_n3A_1788 {offsets = [0, 0], sizes = [8, 1023], strides = [1, 1]} : vector<8x1024xi32> to vector<8x1023xi32>
      %concatenate3A_1798 = tpu.concatenate %slice3A_1796, %slice3A_1797 in 1 : vector<8x1xi32>, vector<8x1023xi32> -> vector<8x1024xi32>
      %slice3A_1799 = vector.extract_strided_slice %select_n3A_1788 {offsets = [0, 1], sizes = [8, 1023], strides = [1, 1]} : vector<8x1024xi32> to vector<8x1023xi32>
      %slice3A_1800 = vector.extract_strided_slice %select_n3A_1788 {offsets = [0, 0], sizes = [8, 1], strides = [1, 1]} : vector<8x1024xi32> to vector<8x1xi32>
      %concatenate3A_1801 = tpu.concatenate %slice3A_1799, %slice3A_1800 in 1 : vector<8x1023xi32>, vector<8x1xi32> -> vector<8x1024xi32>
      %select_n3A_1802 = arith.select %ne3A_1795, %concatenate3A_1798, %concatenate3A_1801 : vector<8x1024xi1>, vector<8x1024xi32>
      %slice3A_1803 = vector.extract_strided_slice %select_n3A_1789 {offsets = [0, 1023], sizes = [8, 1], strides = [1, 1]} : vector<8x1024xi32> to vector<8x1xi32>
      %slice3A_1804 = vector.extract_strided_slice %select_n3A_1789 {offsets = [0, 0], sizes = [8, 1023], strides = [1, 1]} : vector<8x1024xi32> to vector<8x1023xi32>
      %concatenate3A_1805 = tpu.concatenate %slice3A_1803, %slice3A_1804 in 1 : vector<8x1xi32>, vector<8x1023xi32> -> vector<8x1024xi32>
      %slice3A_1806 = vector.extract_strided_slice %select_n3A_1789 {offsets = [0, 1], sizes = [8, 1023], strides = [1, 1]} : vector<8x1024xi32> to vector<8x1023xi32>
      %slice3A_1807 = vector.extract_strided_slice %select_n3A_1789 {offsets = [0, 0], sizes = [8, 1], strides = [1, 1]} : vector<8x1024xi32> to vector<8x1xi32>
      %concatenate3A_1808 = tpu.concatenate %slice3A_1806, %slice3A_1807 in 1 : vector<8x1023xi32>, vector<8x1xi32> -> vector<8x1024xi32>
      %select_n3A_1809 = arith.select %ne3A_1795, %concatenate3A_1805, %concatenate3A_1808 : vector<8x1024xi1>, vector<8x1024xi32>
      %gt3A_1810 = arith.cmpi sgt, %select_n3A_1788, %select_n3A_1802 : vector<8x1024xi32>
      %eq3A_1811 = arith.cmpi eq, %select_n3A_1788, %select_n3A_1802 : vector<8x1024xi32>
      %lt3A_1812 = arith.cmpi slt, %select_n3A_1789, %select_n3A_1809 : vector<8x1024xi32>
      %and3A_1813 = arith.andi %eq3A_1811, %lt3A_1812 : vector<8x1024xi1>
      %or3A_1814 = arith.ori %gt3A_1810, %and3A_1813 : vector<8x1024xi1>
      %xor3A_1815 = arith.xori %or3A_1814, %eq3A_1510 : vector<8x1024xi1>
      %not3A_1816 = arith.constant dense<true> : vector<8x1024xi1>
      %not3A_1817 = arith.xori %ne3A_1795, %not3A_1816 : vector<8x1024xi1>
      %xor3A_1818 = arith.xori %xor3A_1815, %not3A_1817 : vector<8x1024xi1>
      %select_n3A_1819 = arith.select %xor3A_1818, %select_n3A_1789, %select_n3A_1809 : vector<8x1024xi1>, vector<8x1024xi32>
      %slice3A_1820 = vector.extract_strided_slice %select_n3A_1819 {offsets = [0, 0], sizes = [8, 768], strides = [1, 1]} : vector<8x1024xi32> to vector<8x768xi32>
      %concatenate3A_1821 = tpu.concatenate %slice3A_1820, %get3A_55 in 1 : vector<8x768xi32>, vector<8x256xi32> -> vector<8x1024xi32>
      %iota3A_1822 = tpu.iota {dimensions = array<i32: 0>} : vector<8x1024xi32>
      %mul3A = arith.constant 1024 : i32
      %mul3A_1823 = vector.broadcast %mul3A : i32 to vector<8x1024xi32>
      %mul3A_1824 = arith.muli %iota3A_1822, %mul3A_1823 : vector<8x1024xi32>
      %add3A_1825 = arith.addi %concatenate3A_1821, %mul3A_1824 : vector<8x1024xi32>
      %swap3A_1826 = arith.constant 0 : index
      %swap3A_1827 = arith.constant 0 : index
      %swap3A_1828 = vector.load %arg7[%swap3A_1826, %swap3A_1827] : memref<8x1024xi32, #tpu.memory_space<vmem>>, vector<8x1024xi32>
      tpu.vector_store %arg7[%swap3A_1826, %swap3A_1827], %concatenate3A_1821 {strides = array<i32>} : memref<8x1024xi32, #tpu.memory_space<vmem>>, vector<8x1024xi32>,
      %reshape3A_1829 = vector.shape_cast %add3A_1825 : vector<8x1024xi32> to vector<32x256xi32>
      %swap3A_1830 = arith.constant 0 : index
      %swap3A_1831 = arith.constant 0 : index
      %swap3A_1832 = vector.load %arg8[%swap3A_1830, %swap3A_1831] : memref<32x256xi32, #tpu.memory_space<vmem>>, vector<32x256xi32>
      tpu.vector_store %arg8[%swap3A_1830, %swap3A_1831], %reshape3A_1829 {strides = array<i32>} : memref<32x256xi32, #tpu.memory_space<vmem>>, vector<32x256xi32>,
    } else {
    }
    return
  }
  func.func @transform_0(%arg0: i32) -> (i32, i32, i32, i32) {
    %c0_i32 = arith.constant 0 : i32
    %c0_i32_0 = arith.constant 0 : i32
    %c0_i32_1 = arith.constant 0 : i32
    %c0_i32_2 = arith.constant 0 : i32
    return %arg0, %c0_i32, %c0_i32_0, %c0_i32_1 : i32, i32, i32, i32
  }
  func.func @transform_1(%arg0: i32) -> (i32, i32, i32, i32) {
    %c0_i32 = arith.constant 0 : i32
    %c0_i32_0 = arith.constant 0 : i32
    %c0_i32_1 = arith.constant 0 : i32
    %c0_i32_2 = arith.constant 0 : i32
    return %arg0, %c0_i32, %c0_i32_0, %c0_i32_1 : i32, i32, i32, i32
  }
  func.func @transform_2(%arg0: i32) -> (i32, i32) {
    %c0_i32 = arith.constant 0 : i32
    %c0_i32_0 = arith.constant 0 : i32
    %c0_i32_1 = arith.constant 0 : i32
    return %c0_i32, %c0_i32_0 : i32, i32
  }
  func.func @transform_3(%arg0: i32) -> (i32, i32) {
    %c0_i32 = arith.constant 0 : i32
    %c0_i32_0 = arith.constant 0 : i32
    %c0_i32_1 = arith.constant 0 : i32
    return %c0_i32, %c0_i32_0 : i32, i32
  }
  func.func @transform_4(%arg0: i32) -> (i32, i32) {
    %c0_i32 = arith.constant 0 : i32
    %c0_i32_0 = arith.constant 0 : i32
    %c0_i32_1 = arith.constant 0 : i32
    return %c0_i32, %c0_i32_0 : i32, i32
  }
  func.func @transform_5(%arg0: i32) -> (i32, i32, i32) {
    %c0_i32 = arith.constant 0 : i32
    %c0_i32_0 = arith.constant 0 : i32
    %c0_i32_1 = arith.constant 0 : i32
    return %arg0, %c0_i32, %c0_i32_0 : i32, i32, i32
  }
  func.func @transform_6(%arg0: i32) -> (i32, i32) {
    %c0_i32 = arith.constant 0 : i32
    %c0_i32_0 = arith.constant 0 : i32
    %c0_i32_1 = arith.constant 0 : i32
    return %c0_i32, %c0_i32_0 : i32, i32
  }
  func.func @transform_7(%arg0: i32) -> (i32, i32) {
    %c0_i32 = arith.constant 0 : i32
    %c0_i32_0 = arith.constant 0 : i32
    %c0_i32_1 = arith.constant 0 : i32
    return %c0_i32, %c0_i32_0 : i32, i32
  }
}

</mosaic_0001>

<sc_bundles>
// kernel: kernel.4.cloned.1.call-start
scs
__scs_entry_jumppad:
0x0: {  	(pc) =	sbr.rel $0x88, $3  }
0x1: {  	(tag) =	ssettag $0x0;
	lr =	simm.s32 $0x1  }
0x2: {  	[smem:$0x3F9D] =	sst lr;
	_ =	strace $0xD0000000  }
0x3: {  	_ = 	snop  }
0x4: {  	_ = 	snop  }
0x5: {  	_ = 	snop  }
0x6: {  	_ = 	snop  }
0x7: {  	_ = 	snop  }
__scs_overlays_trampoline_lowered:
0x8: {  	[smem:$0x3FAC] =	sst s0  }
0x9: {  	[smem:$0x3FAD] =	sst s1  }
0xa: {  	[smem:$0x3FAE] =	sst s2  }
0xb: {  	[smem:$0x3FAF] =	sst s3  }
0xc: {  	[smem:$0x3FB0] =	sst s4  }
0xd: {  	[smem:$0x3FB1] =	sst s5  }
0xe: {  	[smem:$0x3FB2] =	sst s6  }
0xf: {  	[smem:$0x3FB3] =	sst s7  }
0x10: {  	[smem:$0x3FB4] =	sst s8  }
0x11: {  	[smem:$0x3FB5] =	sst s9;
	s0 =	simm.s32 @!p0 $0x0  }
0x12: {  	s1 =	sld [smem:$0x3F9B];
	s0 =	simm.s32 @p0 $0x1  }
0x13: {  	[smem:$0x3FB6] =	sst s0;
	s0 =	simm.s32 @!p1 $0x0  }
0x14: {  	s2 =	sld [smem:$0x3F9A];
	s0 =	simm.s32 @p1 $0x1  }
0x15: {  	[smem:$0x3FB7] =	sst s0;
	s0 =	simm.s32 @!p2 $0x0  }
0x16: {  	s3 =	sld [smem:$0x3FDB];
	s0 =	simm.s32 @p2 $0x1  }
0x17: {  	s4 =	simm.s32 $0x1BF5;
	[smem:$0x3FB9] =	sst s0  }
0x18: {  	s0 =	sld [smem:$0x3F9C];
	_ =	swait.ge [sflag:s4], $0x0  }
0x19: {  	s7 =	sld [smem:$0x3F9D]  }
0x1a: {  	s8 =	sadd.s32 $0xFFFFE003, lr  }
0x1b: {  	s9 =	sadd.s32 $0xFFFFFEF7, lr;
	s5 =	simm.s32 $0xFFFFFFFF;
	p2 =	slt.u32 s8, $0xFFFFF086  }
0x1c: {  	p1 =	slt.u32 s9, $0xF7A;
	s5 =	simm.s32 @!p2 $0x0  }
0x1d: {  	s5 =	simm.s32 @p1 $0x1;
	p0 =	seq.s32 s7, s2  }
0x1e: {  	s7 =	smul.u32 @!p0 $0xF7A, s2;
	p2 =	seq.s32 @!p0 s5, $0x0  }
0x1f: {  	s9 =	smul.u32 $0xF7A, s1;
	s8 =	simm.s32 @!p0 $0x1BF5;
	p2 =	por !p2, p0  }
0x20: {  	[sflag:s8] =	ssyncset.s32 @!p0 $0xFFFFF086;
	s6 =	sadd.s32 @!p0 s3, s7;
	s7 =	simm.s32 @!p0 $0x108  }
0x21: {  	s3 =	sadd.s32 s3, s9;
	s6 =	sadd.s32 @!p0 $0x88, s6;
	s7 =	simm.s32 @p2 $0x1082  }
0x22: {  	[simem:s7], [sflag:s8] =	dma.local @!p0 [hbm:s6], $0xF7A  }
0x23: {  	s9 =	sor.u32 $0xD0000000, s2;
	s6 =	simm.s32 $0x108;
	_ =	swait.ge @!p0 [sflag:s8], $0x0  }
0x24: {  	s3 =	sadd.s32 $0x88, s3;
	s6 =	simm.s32 @!p1 $0x1082;
	[sflag:s4] =	ssyncset.s32 $0xFFFFF086  }
0x25: {  	[simem:s6], [sflag:s4] =	dma.local [hbm:s3], $0xF7A  }
0x26: {  	[smem:$0x3F9D] =	sst s1;
	(tag) =	ssettag s2;
	_ =	strace s9  }
0x27: {  	s1 =	sld [smem:$0x3FAD]  }
0x28: {  	s2 =	sld [smem:$0x3FAE]  }
0x29: {  	s4 =	sld [smem:$0x3FB0]  }
0x2a: {  	p0 =	seq.s32 s5, $0x0;
	s5 =	sld [smem:$0x3FB1]  }
0x2b: {  	s6 =	sld [smem:$0x3FB2]  }
0x2c: {  	s7 =	sld [smem:$0x3FB3]  }
0x2d: {  	s3 =	simm.s32 $0x108;
	s8 =	sld [smem:$0x3FB4]  }
0x2e: {  	s3 =	simm.s32 @!p0 $0x1082;
	s9 =	sld [smem:$0x3FB5]  }
0x2f: {  	lr =	sadd.s32 s0, s3;
	s0 =	sld [smem:$0x3FAC]  }
0x30: {  	s3 =	sld [smem:$0x3FAF]  }
0x31: {  	[smem:$0x3FB8] =	sst s10  }
0x32: {  	s10 =	sld [smem:$0x3FB6];
	_ =	sdelay $0x3  }
0x33: {  	p0 =	seq.s32 s10, $0x1;
	s10 =	sld [smem:$0x3FB8];
	_ =	sdelay $0x3  }
0x34: {  	[smem:$0x3FB8] =	sst s10  }
0x35: {  	s10 =	sld [smem:$0x3FB7];
	_ =	sdelay $0x3  }
0x36: {  	p1 =	seq.s32 s10, $0x1;
	s10 =	sld [smem:$0x3FB8];
	_ =	sdelay $0x3  }
0x37: {  	[smem:$0x3FB8] =	sst s10  }
0x38: {  	s10 =	sld [smem:$0x3FB9]  }
0x39: {  	_ = 	snop;
	(pc) =	sbr.ind lr, $3  }
0x3a: {  	_ = 	snop  }
0x3b: {  	_ = 	snop  }
0x3c: {  	p2 =	seq.s32 s10, $0x1;
	s10 =	sld [smem:$0x3FB8]  }
0x3d: {  	_ =	shalt  }
0x3e: {  	_ =	shalt  }
0x3f: {  	_ =	shalt  }
0x40: {  	_ =	shalt  }
0x41: {  	_ =	shalt  }
0x42: {  	_ =	shalt  }
0x43: {  	_ =	shalt  }
0x44: {  	_ =	shalt  }
0x45: {  	_ =	shalt  }
0x46: {  	_ =	shalt  }
0x47: {  	_ =	shalt  }
0x48: {  	_ =	shalt  }
0x49: {  	_ =	shalt  }
0x4a: {  	_ =	shalt  }
0x4b: {  	_ =	shalt  }
0x4c: {  	_ =	shalt  }
0x4d: {  	_ =	shalt  }
0x4e: {  	_ =	shalt  }
0x4f: {  	_ =	shalt  }
0x50: {  	_ =	shalt  }
0x51: {  	_ =	shalt  }
0x52: {  	_ =	shalt  }
0x53: {  	_ =	shalt  }
0x54: {  	_ =	shalt  }
0x55: {  	_ =	shalt  }
0x56: {  	_ =	shalt  }
0x57: {  	_ =	shalt  }
0x58: {  	_ =	shalt  }
0x59: {  	_ =	shalt  }
0x5a: {  	_ =	shalt  }
0x5b: {  	_ =	shalt  }
0x5c: {  	_ =	shalt  }
0x5d: {  	_ =	shalt  }
0x5e: {  	_ =	shalt  }
0x5f: {  	_ =	shalt  }
0x60: {  	_ =	shalt  }
0x61: {  	_ =	shalt  }
0x62: {  	_ =	shalt  }
0x63: {  	_ =	shalt  }
0x64: {  	_ =	shalt  }
0x65: {  	_ =	shalt  }
0x66: {  	_ =	shalt  }
0x67: {  	_ =	shalt  }
0x68: {  	_ =	shalt  }
0x69: {  	_ =	shalt  }
0x6a: {  	_ =	shalt  }
0x6b: {  	_ =	shalt  }
0x6c: {  	_ =	shalt  }
0x6d: {  	_ =	shalt  }
0x6e: {  	_ =	shalt  }
0x6f: {  	_ =	shalt  }
0x70: {  	_ =	shalt  }
0x71: {  	_ =	shalt  }
0x72: {  	_ =	shalt  }
0x73: {  	_ =	shalt  }
0x74: {  	_ =	shalt  }
0x75: {  	_ =	shalt  }
0x76: {  	_ =	shalt  }
0x77: {  	_ =	shalt  }
0x78: {  	_ =	shalt  }
0x79: {  	_ =	shalt  }
0x7a: {  	_ =	shalt  }
0x7b: {  	_ =	shalt  }
0x7c: {  	_ =	shalt  }
0x7d: {  	_ =	shalt  }
0x7e: {  	_ =	shalt  }
0x7f: {  	_ =	shalt  }
0x80: {  	_ =	shalt  }
0x81: {  	_ =	shalt  }
0x82: {  	_ =	shalt  }
0x83: {  	_ =	shalt  }
0x84: {  	_ =	shalt  }
0x85: {  	_ =	shalt  }
0x86: {  	_ =	shalt  }
0x87: {  	_ =	shalt  }
.Lfunc_end0:
.L_simem_size_0:
called_computation_lowered:
.L_overlay_start_0:
0x88: {  	s2 =	sld [smem:$0x3FD9]  }
0x89: {  	s3 =	sld [smem:$0x3FFE];
	_ =	sdelay $0x1  }
0x8a: {  	s1 =	srdreg.scid  }
0x8b: {  	s0 =	sand.u32 $0x1, s1  }
0x8c: {  	s14 =	sshll.u32 s0, $0xA;
	s2 =	sadd.s32 s3, s2  }
0x8d: {  	s2 =	sadd.s32 s2, s14  }
0x8e: {  	[smem:$0x3FC4] =	sst s2  }
0x8f: {  	_ = 	snop  }
0x90: {  	s2 =	sld [smem:$0x3FD0];
	_ =	sdelay $0x2  }
0x91: {  	s15 =	simm.s32 $0xA;
	s4 =	simm.s32 $0x10  }
0x92: {  	[smem:s4], [sflag:s15] =	dma.local [hbm:s2], $0x1  }
0x93: {  	_ =	swait.eq [sflag:s15], $0x1  }
0x94: {  	[sflag:s15] =	ssyncset.done $0x0  }
0x95: {  	[sflag:s15] =	ssyncadd.s32 $0xFFFFFFFF  }
0x96: {  	s16 =	sld [smem:$0x10];
	(tm) =	ssettm $0x1  }
0x97: {  	s17 =	sld [smem:$0x3FFB];
	_ =	sdelay $0x3  }
0x98: {  	_ =	strace s17  }
0x99: {  	s3 =	sld [smem:$0x3FFC];
	_ =	sdelay $0x3  }
0x9a: {  	_ =	strace s3  }
0x9b: {  	s3 =	sld [smem:$0x3FFD];
	_ =	sdelay $0x3  }
0x9c: {  	_ =	strace s3  }
0x9d: {  	_ =	strace $0x8FFFFFFF  }
0x9e: {  	s18 =	sld [smem:$0x3FDB];
	_ =	sdelay $0x1  }
0x9f: {  	s19 =	simm.s32 $_scs_section_size  }
0xa0: {  	s5 =	simm.s32 $_size__tile_overlayer_lowered;
	s6 =	simm.s32 $_tile_overlayer_lowered  }
0xa1: {  	s22 =	simm.s32 $0x1BFF;
	s21 =	sshll.u32 s6, $0x1;
	s3 =	sadd.s32 s19, s18  }
0xa2: {  	s7 =	simm.s32 $0x0;
	s20 =	sshll.u32 s5, $0x1;
	s5 =	sadd.s32 s21, s3  }
0xa3: {  	[timem:s7], [sflag:s22] =	dma.local [hbm:s5], s20  }
0xa4: {  	_ =	swait.ge [sflag:s22], s20  }
0xa5: {  	s4 =	ssub.s32 $0x0, s20;
	[sflag:s22] =	ssyncset.done $0x0  }
0xa6: {  	[sflag:s22] =	ssyncadd.s32 s4;
	_ =	sdelay $0x1  }
0xa7: {  	s23 =	simm.s32 $0x1B8B  }
0xa8: {  	_ =	swait.ge [sflag:s23], $0x1  }
0xa9: {  	[sflag:s23] =	ssyncset.done $0x0  }
0xaa: {  	s25 =	simm.s32 $0x1B8E;
	s24 =	sld [smem:$0x3FFE];
	[sflag:s23] =	ssyncadd.s32 $0xFFFFFFFF  }
0xab: {  	s26 =	simm.s32 $execute0_lowered;
	[smem:$0x3FD2] =	sst s25  }
0xac: {  	s5 =	sshll.u32 s26, $0x1;
	_ =	strace $0x80000046;
	[dreg:$0x1] =	wrdreg $0xFFFFFFFF  }
0xad: {  	s28 =	simm.s32 $_size_execute0_lowered;
	s3 =	sadd.s32 s3, s5;
	[dreg:$0x0] =	wrdreg $0x0  }
0xae: {  	s5 =	sshll.u32 s28, $0x1;
	[dreg:$0x2] =	wrdreg s3  }
0xaf: {  	[dreg:$0x3] =	wrdreg s5  }
0xb0: {  	[dreg:$0x4] =	wrdreg $0xC0  }
0xb1: {  	_ =	task [dreg:s7], $0x5FFFF  }
0xb2: {  	[dreg:$0x1] =	wrdreg $0xFFFFFFFF  }
0xb3: {  	[dreg:$0x0] =	wrdreg $0x60  }
0xb4: {  	[dreg:$0x2] =	wrdreg s24  }
0xb5: {  	[dreg:$0x3] =	wrdreg s16  }
0xb6: {  	[dreg:$0x4] =	wrdreg $0x9  }
0xb7: {  	_ =	task.clear_ibuf [dreg:s7], $0x5FFFF;
	_ =	strace $0x90000046  }
0xb8: {  	s29 =	simm.s32 $0x9;
	_ =	strace $0x80000048  }
0xb9: {  	_ =	swait.ge [sflag:s29], $0x1  }
0xba: {  	[sflag:s29] =	ssyncadd.s32 $0xFFFFFFFF  }
0xbb: {  	_ =	strace $0x90000048  }
0xbc: {  	_ =	sfence  }
0xbd: {  	s30 =	sld [smem:$0x0];
	_ =	sdelay $0x2  }
0xbe: {  	s31 =	sshll.u32 s1, $0xD;
	s1 =	sshrl.u32 s1, $0x2  }
0xbf: {  	s3 =	sand.u32 $0x4000, s31;
	s1 =	sadd.s32 s1, s30  }
0xc0: {  	s0 =	sor.u32 s3, s0;
	s1 =	sshll.u32 s1, $0x11  }
0xc1: {  	s0 =	sor.u32 s1, s0  }
0xc2: {  	s0 =	sadd.s32 $0x8F2B, s0  }
0xc3: {  	[sflag:s0] =	ssyncadd.remote.s32 $0x1  }
0xc4: {  	_ =	sfence.sel $0xFFFF  }
0xc5: {  	[dreg:$0x0] =	wrdreg $0xFFFFFFFF;
	(pc) =	sbr.abs _section_cstart, $3  }
0xc6: {  	[dreg:$0x1] =	wrdreg $0xFFFFFFFF  }
0xc7: {  	_ =	task.clear_ibuf [dreg:s7], $0x2FFFF;
	_ =	strace $0x9FFFFFFF  }
0xc8: {  	(tm) =	ssettm $0x7FFFFFFF  }
0xc9: {  	_ =	shalt  }
tec
execute0_lowered:
.L_overlay_start_1:
0x0: {  	(tag) =	ssettag $0x1  }
0x1: {  	s10 =	rddreg [dreg:$0x0];
	s1 =	srdreg.scid  }
0x2: {  	s0 =	stileid.u32;
	s3 =	rddreg [dreg:$0x1];
	s6 =	simm.s32 $0x400  }
0x3: {  	s9 =	simm.s32 $0x1;
	s8 =	sand.u32 $0x1, s1;
	s2 =	sshll.u32 s0, $0x1  }
0x4: {  	s1 =	rddreg [dreg:$0x2];
	s4 =	sshll.u32 s0, $0x6;
	s7 =	sadd.s32 $0x1000, s10  }
0x5: {  	s11 =	sor.u32 s8, s2;
	s2 =	simm.s32 $0x0;
	s4 =	sand.u32 $0x300, s4  }
0x6: {  	s12 =	ssub.s32 $0x2, s8;
	s5 =	sshll.u32 s11, $0x4;
	[smem:$0x7FF] =	sst s2  }
0x7: {  	s3 =	sadd.s32 s3, s4;
	s4 =	simm.s32 $0x80;
	s5 =	sand.u32 $0x70, s5  }
0x8: {  	_ =	strace $0x80000047;
	s3 =	sadd.s32 s5, s3;
	s5 =	simm.s32 $0x2  }
0x9: {  	[tilespmem:s2], [sflag:$0x2] =	stream.strided.gather [hbm4b:s3+s4], $0x100, s6, s4, $0x38;
	[tilespmem:$0x8100] =	vst v63  }
0xa: {  	s8 =	simm.s32 $0x100;
	s13 =	sshrl.u32 s12, $0x1;
	_ =	swait.ge [sflag:s5], $0x100  }
0xb: {  	s11 =	sshll.u32 s11, $0xC;
	s31 =	ssub.s32 s12, s13;
	[sflag:s5] =	ssyncset.done $0x0  }
0xc: {  	s10 =	sadd.s32 s11, s10;
	s11 =	smax.u32 s31, $0x1;
	[sflag:s5] =	ssyncadd.s32 $0xFFFFFF00  }
0xd: {  	[tilespmem:s8], [sflag:$0x1] =	stream.indirect.gather [hbm4b:s7+s8], $0x80, s2, s8, $0xb8;
	[tilespmem:$0x8100] =	vst v63  }
0xe: {  	p0 =	sne.s32 s11, $0x1;
	_ =	swait.ge [sflag:s9], $0x8000  }
.Ltmp0:
0xf: {  	[sflag:s9] =	ssyncset.done $0x0;
	(pc) =	sbr.rel @!p0 .LBB2_2-.Ltmp0, $4  }
0x10: {  	s10 =	sadd.s32 $0x21000, s10;
	[sflag:s9] =	ssyncadd.s32 $0xFFFF8000  }
0x11: {  	[hbm4b:s10+s2] =	stream.linear.scatter [tilespmem:s8], [sflag:$0x2], $0x8000, $0x38;
	[tilespmem:$0x8100] =	vst v63  }
0x12: {  	_ =	swait.ge [sflag:s5], $0x8000  }
0x13: {  	s11 =	sadd.s32 $0xFFFFFFFF, s11;
	[sflag:s5] =	ssyncset.done $0x0  }
.LBB2_1:
0x14: {  	p0 =	sne.s32 s11, $0x1;
	s11 =	sadd.s32 $0xFFFFFFFF, s11;
	[sflag:s5] =	ssyncadd.s32 $0xFFFF8000  }
0x15: {  	[tilespmem:s2], [sflag:$0x2] =	stream.strided.gather [hbm4b:s3+s4], $0x100, s6, s4, $0x38;
	[tilespmem:$0x8100] =	vst v63  }
0x16: {  	_ =	swait.ge [sflag:s5], $0x100  }
0x17: {  	[sflag:s5] =	ssyncset.done $0x0  }
0x18: {  	[sflag:s5] =	ssyncadd.s32 $0xFFFFFF00  }
0x19: {  	[tilespmem:s8], [sflag:$0x1] =	stream.indirect.gather [hbm4b:s7+s8], $0x80, s2, s8, $0xb8;
	[tilespmem:$0x8100] =	vst v63  }
0x1a: {  	_ =	swait.ge [sflag:s9], $0x8000  }
.Ltmp1:
0x1b: {  	[sflag:s9] =	ssyncset.done $0x0;
	(pc) =	sbr.rel @p0 .LBB2_1-.Ltmp1, $4  }
0x1c: {  	[sflag:s9] =	ssyncadd.s32 $0xFFFF8000  }
0x1d: {  	[hbm4b:s10+s2] =	stream.linear.scatter [tilespmem:s8], [sflag:$0x2], $0x8000, $0x38;
	[tilespmem:$0x8100] =	vst v63  }
0x1e: {  	_ =	swait.ge [sflag:s5], $0x8000  }
0x1f: {  	[sflag:s5] =	ssyncset.done $0x0  }
.LBB2_2:
0x20: {  	[sflag:s5] =	ssyncadd.s32 $0xFFFF8000  }
0x21: {  	_ =	sfence.sel $0x180000  }
0x22: {  	[bflag:$0x0] =	sbarrier.arrive $0xFFFF  }
0x23: {  	p0 =	sne.s32 s0, $0x0;
	_ =	strace $0x90000047  }
0x24: {  	s0 =	sadd.s32 @!p0 $0x100000, s1;
	[bflag:$0x2] =	sbarrier.arrive $0xFFFF  }
0x25: {  	[sflag:s0] =	ssyncadd.tile.s32 @!p0 $0x1;
	_ =	shalt  }
.Lfunc_end2:
_tile_overlayer_lowered:
.L_overlay_start_2:
0x26: {  	(tag) =	ssettag $0x2  }
0x27: {  	s0 =	rddreg [dreg:$0x0];
	s2 =	stileid.u32  }
0x28: {  	s1 =	rddreg [dreg:$0x1];
	p0 =	sne.s32 s2, $0x0  }
0x29: {  	s3 =	rddreg [dreg:$0x2];
	[bflag:$0x3] =	sbarrier.arrive $0xFFFF;
	s2 =	simm.s32 @!p0 $0x1C02  }
0x2a: {  	[timem:s3], [sflag:s2] =	dma.local @!p0 [hbm:s0], s1  }
0x2b: {  	s0 =	simm.s32 @!p0 $0x2  }
0x2c: {  	_ =	swait.ge @!p0 [sflag:s0], s1  }
0x2d: {  	s1 =	ssub.s32 @!p0 $0x0, s1;
	[sflag:s0] =	ssyncset.done @!p0 $0x0  }
0x2e: {  	[sflag:s0] =	ssyncadd.s32 @!p0 s1  }
0x2f: {  	[bflag:$0x3] =	sbarrier.arrive $0xFFFF  }
0x30: {  	_ =	shalt  }

</sc_bundles>
